<compile_context>
chip_gen: v7x
topology: tpu7x:2x2x1
jax: 0.10.2.dev20260603
libtpu: 0.0.44.dev20260713+nightly
codegen_flags: <defaults>
</compile_context>

<pallas_src>
import functools

import jax
import jax.numpy as jnp
from jax import lax
from jax.experimental import pallas as pl
from jax.experimental.pallas import tpu as pltpu
from jax.experimental.pallas import tpu_sc as plsc

LW = 52
LH = 52
NB = 64
NT = 50
NTP = 64
NCLS = 80
NCH = 85
NTOT = NB * 3 * LH * LW
A0W, A0H = 10.0 * LW / 416.0, 13.0 * LH / 416.0
A1W, A1H = 16.0 * LW / 416.0, 30.0 * LH / 416.0
A2W, A2H = 33.0 * LW / 416.0, 23.0 * LH / 416.0
IGNORE = 0.7

NG = 7
PLROWS = 56
PL_ELEMS = 192 * PLROWS * 128
GRID_ELEMS = NG * PL_ELEMS
ZCH = 3 * PLROWS * 128


def _veltkamp_floor_frac(v, scale):
    c = v * 4097.0
    hi = c - (c - v)
    lo = v - hi
    a = hi * scale
    b = lo * scale
    s = a + b
    n = jnp.floor(s)
    r = (a - n) + b
    n = n + (r >= 1.0).astype(jnp.float32) - (r < 0.0).astype(jnp.float32)
    frac = (a - n) + b
    return n.astype(jnp.int32), frac


def _encode_body(t0, t1, t2, t3, t4, fx_o, fy_o, tw_o, th_o, cls_o,
                 oidx_o, s0_o, s1_o, s2_o):
    v0, v1, v2, v3, v4 = t0[...], t1[...], t2[...], t3[...], t4[...]
    valid = (v0 + v1 + v2 + v3 + v4) > 0.0
    gi, fx = _veltkamp_floor_frac(v0, float(LW))
    gj, fy = _veltkamp_floor_frac(v1, float(LH))
    gw = v2 * float(LW)
    gh = v3 * float(LH)

    def iou(aw, ah):
        inter = jnp.minimum(gw, aw) * jnp.minimum(gh, ah)
        union = gw * gh + aw * ah - inter + 1e-16
        return inter / union

    i0, i1, i2 = iou(A0W, A0H), iou(A1W, A1H), iou(A2W, A2H)
    best = jnp.where(i0 >= i1, jnp.where(i0 >= i2, 0, 2),
                     jnp.where(i1 >= i2, 1, 2)).astype(jnp.int32)
    supp0 = valid & (i0 > IGNORE)
    supp1 = valid & (i1 > IGNORE)
    supp2 = valid & (i2 > IGNORE)
    aw_b = jnp.where(best == 0, A0W, jnp.where(best == 1, A1W, A2W))
    ah_b = jnp.where(best == 0, A0H, jnp.where(best == 1, A1H, A2H))

    cell = best * (LH * LW) + gj * LW + gi

    trow = lax.broadcasted_iota(jnp.int32, (NB, NTP, NTP), 1)
    tcol = lax.broadcasted_iota(jnp.int32, (NB, NTP, NTP), 2)
    same_cell = cell[:, :, None] == cell[:, None, :]
    valid_col = jnp.broadcast_to(valid[:, None, :], (NB, NTP, NTP))
    clobbered = jnp.any(same_cell & valid_col & (tcol > trow), axis=2)
    owner = valid & ~clobbered

    fx_o[...] = fx
    fy_o[...] = fy
    tw_o[...] = gw / aw_b
    th_o[...] = gh / ah_b
    cls_o[...] = v4.astype(jnp.int32).astype(jnp.float32)

    b = lax.broadcasted_iota(jnp.int32, (NB, NTP), 0)
    dummy = b * ZCH + 127
    base = ((b * 3 + best) * PLROWS + gj) * 128 + gi
    oidx_o[...] = jnp.where(owner, base, dummy)
    ji = gj * 128 + gi
    s0_o[...] = jnp.where(supp0, (b * 3 + 0) * PLROWS * 128 + ji, dummy)
    s1_o[...] = jnp.where(supp1, (b * 3 + 1) * PLROWS * 128 + ji, dummy)
    s2_o[...] = jnp.where(supp2, (b * 3 + 2) * PLROWS * 128 + ji, dummy)


def _encode(target):
    f2 = jax.ShapeDtypeStruct((NB, NTP), jnp.float32)
    i2 = jax.ShapeDtypeStruct((NB, NTP), jnp.int32)
    outs = [f2, f2, f2, f2, f2, i2, i2, i2, i2]
    tpad = jnp.pad(target, ((0, 0), (0, NTP - NT), (0, 0)))
    slices = [tpad[:, :, i] for i in range(5)]
    return pl.pallas_call(_encode_body, out_shape=outs)(*slices)


def _scatter_tile(fx_h, fy_h, tw_h, th_h, cls_h, oidx_h, s0_h, s1_h, s2_h,
                  out_h, zbuf, ones_v, vals, idxs, semi, semz, sems):
    wid = lax.axis_index("s") * 2 + lax.axis_index("c")
    r0 = wid * 2

    loads = []
    for i, src in enumerate((fx_h, fy_h, tw_h, th_h, cls_h)):
        loads.append(pltpu.make_async_copy(src.at[pl.ds(r0, 2)], vals[i], semi))
    base_idx = [oidx_h, s0_h, s1_h, s2_h]
    for i, src in enumerate(base_idx):
        loads.append(pltpu.make_async_copy(src.at[pl.ds(r0, 2)], idxs[i], semi))
    for c in loads:
        c.start()

    def zfill(i, carry):
        zbuf[pl.ds(i * 16, 16)] = jnp.zeros((16,), jnp.float32)
        return carry
    lax.fori_loop(0, ZCH // 16, zfill, 0)
    zcopies = []
    for g in range(NG):
        for bb in range(2):
            off = g * PL_ELEMS + (r0 + bb) * ZCH
            zcopies.append(pltpu.make_async_copy(
                zbuf, out_h.at[pl.ds(off, ZCH)], semz))
    for c in zcopies:
        c.start()

    for r in range(2):
        for c in range(NTP // 16):
            ones_v[r, pl.ds(c * 16, 16)] = jnp.full((16,), 1.0, jnp.float32)
    for c in loads:
        c.wait()

    def shift(dst, src, off):
        for r in range(2):
            for c in range(4):
                dst[r, pl.ds(c * 16, 16)] = src[r, pl.ds(c * 16, 16)] + off
    for g in range(1, 6):
        shift(idxs[3 + g], idxs[0], g * PL_ELEMS)
    shift(idxs[9], idxs[1], 6 * PL_ELEMS)
    shift(idxs[10], idxs[2], 6 * PL_ELEMS)
    shift(idxs[11], idxs[3], 6 * PL_ELEMS)

    for c in zcopies:
        c.wait()

    scs = []
    for r in range(2):
        scs.append(pltpu.make_async_copy(
            ones_v.at[r], out_h.at[idxs[0].at[r]], sems))
        for g in range(1, 6):
            scs.append(pltpu.make_async_copy(
                vals[g - 1].at[r], out_h.at[idxs[3 + g].at[r]], sems))
        for i in range(3):
            scs.append(pltpu.make_async_copy(
                ones_v.at[r], out_h.at[idxs[9 + i].at[r]], sems))
    for c in scs:
        c.start()
    for c in scs:
        c.wait()


def _scatter(fx, fy, tw, th, cls, oidx, s0, s1, s2):
    mesh = plsc.VectorSubcoreMesh(core_axis_name="c", subcore_axis_name="s")
    kfn = functools.partial(
        pl.kernel,
        mesh=mesh,
        out_type=jax.ShapeDtypeStruct((GRID_ELEMS,), jnp.float32),
        scratch_types=[
            pltpu.VMEM((ZCH,), jnp.float32),
            pltpu.VMEM((2, NTP), jnp.float32),
            [pltpu.VMEM((2, NTP), jnp.float32) for _ in range(5)],
            [pltpu.VMEM((2, NTP), jnp.int32) for _ in range(12)],
            pltpu.SemaphoreType.DMA,
            pltpu.SemaphoreType.DMA,
            pltpu.SemaphoreType.DMA,
        ],
    )(_scatter_tile)
    return kfn(fx, fy, tw, th, cls, oidx, s0, s1, s2)


def _dense_body(x_ref, m_ref, tx_ref, ty_ref, tw_ref, th_ref, cls_ref,
                sp_ref, o_ref):
    b = pl.program_id(0)
    a = pl.program_id(1)

    @pl.when((b == 0) & (a == 0))
    def _():
        for i in range(8):
            o_ref[0, i] = 0.0

    z = x_ref[0]
    m = m_ref[:LH, :LW]
    txg = tx_ref[:LH, :LW]
    tyg = ty_ref[:LH, :LW]
    twg = tw_ref[:LH, :LW]
    thg = th_ref[:LH, :LW]
    clsg = cls_ref[:LH, :LW].astype(jnp.int32)
    sup = sp_ref[:LH, :LW]

    sig = jax.nn.sigmoid
    x = sig(z[0])
    y = sig(z[1])
    wq = jnp.exp(z[2])
    hq = jnp.exp(z[3])
    p4 = sig(z[4])

    mse = ((x * m - txg * m) ** 2 + (y * m - tyg * m) ** 2
           + (wq * m - twg * m) ** 2 + (hq * m - thg * m) ** 2)

    pm = p4 * m
    obj = -(m * jnp.maximum(jnp.log(pm), -100.0)
            + (1.0 - m) * jnp.maximum(jnp.log(1.0 - pm), -100.0))

    pn = p4 * (1.0 - sup)
    noobj = -jnp.maximum(jnp.log(1.0 - pn), -100.0)

    zc = z[5:]
    pc = sig(zc)
    logp = jnp.maximum(jnp.log(pc), -100.0)
    log1mp = jnp.maximum(jnp.log(1.0 - pc), -100.0)
    k = lax.broadcasted_iota(jnp.int32, (NCLS, LH, LW), 0)
    tcls = k == clsg[None, :, :]
    per = -jnp.where(tcls, logp, log1mp)
    clsum = jnp.sum(per * m[None, :, :])

    o_ref[0, 0] += jnp.sum(mse)
    o_ref[0, 1] += jnp.sum(obj)
    o_ref[0, 2] += jnp.sum(noobj)
    o_ref[0, 3] += clsum
    o_ref[0, 4] += jnp.sum(m)

    @pl.when((b == NB - 1) & (a == 2))
    def _():
        box = 5.0 * o_ref[0, 0] / NTOT
        objl = o_ref[0, 1] / NTOT
        noobjl = o_ref[0, 2] / NTOT
        clsl = o_ref[0, 3] / (o_ref[0, 4] * NCLS)
        o_ref[0, 5] = (box + objl + noobjl + clsl) * NB


def _dense(input, grids2d):
    def gspec(g):
        return pl.BlockSpec((PLROWS, 128),
                            lambda b, a, g=g: (g * 192 + b * 3 + a, 0))
    return pl.pallas_call(
        _dense_body,
        grid=(NB, 3),
        in_specs=[pl.BlockSpec((1, NCH, LH, LW), lambda b, a: (b, a, 0, 0))]
        + [gspec(g) for g in range(NG)],
        out_specs=pl.BlockSpec((1, 8), lambda b, a: (0, 0),
                               memory_space=pltpu.SMEM),
        out_shape=jax.ShapeDtypeStruct((1, 8), jnp.float32),
    )(input, *([grids2d] * NG))


def kernel(input, target):
    fx, fy, tw, th, cls, oidx, s0, s1, s2 = _encode(target)
    grids = _scatter(fx, fy, tw, th, cls, oidx, s0, s1, s2)
    grids2d = grids.reshape(NG * 192 * PLROWS, 128)
    out = _dense(input, grids2d)
    return out[0, 5]

# --- scband reference (transcript-rebuilt; emitter-appended) ---
"""Pipeline reference for scband-yolo-v3-loss-16776142258556 (READ-ONLY COPY).

The authoritative reference and input builder live on the scoring server;
editing this copy changes nothing except your own understanding.
"""

import jax, jax.numpy as jnp
import numpy as np

NUM_CLASSES = 80
ANCHORS = [[10.0, 13.0], [16.0, 30.0], [33.0, 23.0]]
INPUT_SIZE = 416
IGNORE_THRESHOLD = 0.7
LAMBDA_OBJ = 1.0
LAMBDA_NOOBJ = 1.0
LAMBDA_COORD = 5.0
LAMBDA_CLASS = 1.0


def _scale_floor_frac(v, scale):
    # exact floor/frac of v * scale via Veltkamp split (scale has few mantissa bits)
    c = v * 4097.0
    hi = c - (c - v)
    lo = v - hi
    a = hi * scale
    b = lo * scale
    s = a + b
    n = jnp.floor(s)
    r = (a - n) + b
    n = n + (r >= 1.0).astype(jnp.float32) - (r < 0.0).astype(jnp.float32)
    frac = (a - n) + b
    return n.astype(jnp.int32), frac


def encode_target(target, num_classes, scaled_anchors, layer_w, layer_h, ignore_threshold):
    batch_size = target.shape[0]
    anchors = jnp.asarray(np.asarray(scaled_anchors, dtype=np.float32))
    num_anchors = anchors.shape[0]
    grid = (batch_size, num_anchors, layer_h, layer_w)
    mask = jnp.zeros(grid, dtype=jnp.float32)
    noobj_mask = jnp.ones(grid, dtype=jnp.float32)
    tx = jnp.zeros(grid, dtype=jnp.float32)
    ty = jnp.zeros(grid, dtype=jnp.float32)
    tw = jnp.zeros(grid, dtype=jnp.float32)
    th = jnp.zeros(grid, dtype=jnp.float32)
    tconf = jnp.zeros(grid, dtype=jnp.float32)
    tcls = jnp.zeros(grid + (num_classes,), dtype=jnp.float32)
    b_idx = jnp.arange(batch_size)
    a_idx = jnp.arange(num_anchors)

    def body(carry, tgt):
        mask, noobj_mask, tx, ty, tw, th, tconf, tcls = carry
        valid = jnp.sum(tgt, axis=1) > 0
        gi, fx = _scale_floor_frac(tgt[:, 0], layer_w)
        gj, fy = _scale_floor_frac(tgt[:, 1], layer_h)
        gw = tgt[:, 2] * layer_w
        gh = tgt[:, 3] * layer_h
        # IoU of gt box [0,0,gw,gh] against anchor boxes [0,0,aw,ah] (x1y1x2y2)
        inter = jnp.minimum(gw[:, None], anchors[None, :, 0]) * jnp.minimum(gh[:, None], anchors[None, :, 1])
        union = (gw * gh)[:, None] + (anchors[:, 0] * anchors[:, 1])[None, :] - inter + 1e-16
        calc_iou = inter / union
        best_n = jnp.argmax(calc_iou, axis=1)
        suppress = valid[:, None] & (calc_iou > ignore_threshold)
        nidx = (b_idx[:, None], a_idx[None, :], gj[:, None], gi[:, None])
        noobj_mask = noobj_mask.at[nidx].set(jnp.where(suppress, 0.0, noobj_mask[nidx]))
        idx = (b_idx, best_n, gj, gi)
        mask = mask.at[idx].set(jnp.where(valid, 1.0, mask[idx]))
        tx = tx.at[idx].set(jnp.where(valid, fx, tx[idx]))
        ty = ty.at[idx].set(jnp.where(valid, fy, ty[idx]))
        tw = tw.at[idx].set(jnp.where(valid, gw / anchors[best_n, 0], tw[idx]))
        th = th.at[idx].set(jnp.where(valid, gh / anchors[best_n, 1], th[idx]))
        tconf = tconf.at[idx].set(jnp.where(valid, 1.0, tconf[idx]))
        cls_i = tgt[:, 4].astype(jnp.int32)
        cidx = (b_idx, best_n, gj, gi, cls_i)
        tcls = tcls.at[cidx].set(jnp.where(valid, 1.0, tcls[cidx]))
        return (mask, noobj_mask, tx, ty, tw, th, tconf, tcls), None

    init = (mask, noobj_mask, tx, ty, tw, th, tconf, tcls)
    (mask, noobj_mask, tx, ty, tw, th, tconf, tcls), _ = jax.lax.scan(
        body, init, jnp.transpose(target, (1, 0, 2)))
    return mask, noobj_mask, tx, ty, tw, th, tconf, tcls


def _mse(a, b):
    return jnp.mean((a - b) ** 2)


def _bce(p, t):
    # torch.nn.BCELoss clamps log terms at -100
    logp = jnp.maximum(jnp.log(p), -100.0)
    log1mp = jnp.maximum(jnp.log(1.0 - p), -100.0)
    return jnp.mean(-(t * logp + (1.0 - t) * log1mp))


def setup_inputs(seed: int = 0) -> dict:
    key = jax.random.key(seed)
    k1, k2 = jax.random.split(key)
    inp = jax.random.normal(k1, (64, 255, 52, 52), dtype=jnp.float32)
    target = jax.random.uniform(k2, (64, 50, 5), dtype=jnp.float32)
    return {"input": inp, "target": target}


def reference(input, target):
    batch_size, _, layer_h, layer_w = input.shape
    num_anchors = len(ANCHORS)
    scaled_anchors = [[aw * (layer_w / INPUT_SIZE), ah * (layer_h / INPUT_SIZE)] for aw, ah in ANCHORS]
    prediction = input.reshape(batch_size, num_anchors, -1, layer_h, layer_w).transpose(0, 1, 3, 4, 2)
    x = jax.nn.sigmoid(prediction[..., 0])
    y = jax.nn.sigmoid(prediction[..., 1])
    w = jnp.exp(prediction[..., 2])
    h = jnp.exp(prediction[..., 3])
    conf = jax.nn.sigmoid(prediction[..., 4])
    pred_cls = jax.nn.sigmoid(prediction[..., 5:])
    mask_np, noobj_np, tx, ty, tw, th, tconf, tcls = encode_target(
        target, NUM_CLASSES, scaled_anchors, layer_w, layer_h, IGNORE_THRESHOLD)
    mask = jnp.asarray(mask_np)
    noobj_mask = jnp.asarray(noobj_np)
    loss_x = _mse(x * mask, jnp.asarray(tx) * mask)
    loss_y = _mse(y * mask, jnp.asarray(ty) * mask)
    loss_w = _mse(w * mask, jnp.asarray(tw) * mask)
    loss_h = _mse(h * mask, jnp.asarray(th) * mask)
    box_loss = LAMBDA_COORD * (loss_x + loss_y + loss_w + loss_h)
    object_loss = LAMBDA_OBJ * _bce(conf * mask, jnp.asarray(tconf))
    no_object_loss = LAMBDA_NOOBJ * _bce(conf * noobj_mask, noobj_mask * 0.0)
    tcls_a = jnp.asarray(tcls)
    logp = jnp.maximum(jnp.log(pred_cls), -100.0)
    log1mp = jnp.maximum(jnp.log(1.0 - pred_cls), -100.0)
    per_elem = -(tcls_a * logp + (1.0 - tcls_a) * log1mp)
    num_pos = jnp.sum(mask)
    class_loss = LAMBDA_CLASS * (jnp.sum(per_elem * mask[..., None]) / (num_pos * NUM_CLASSES))
    loss = (box_loss + object_loss + no_object_loss + class_loss) * batch_size
    return loss

if __name__ == "__main__":
    import jax
    _d = setup_inputs()
    print(jax.jit(kernel)(*tuple(_d.values())))

</pallas_src>

<mosaic_0001>
#map = affine_map<(d0, d1) -> (0, 0)>
#map1 = affine_map<(d0, d1) -> (0)>
module attributes {stable_mosaic.version = 14 : i64} {
  func.func @_scatter_tile(%arg0: i32, %arg1: i32, %arg2: memref<64x64xf32, #tpu.memory_space<hbm>>, %arg3: memref<64x64xf32, #tpu.memory_space<hbm>>, %arg4: memref<64x64xf32, #tpu.memory_space<hbm>>, %arg5: memref<64x64xf32, #tpu.memory_space<hbm>>, %arg6: memref<64x64xf32, #tpu.memory_space<hbm>>, %arg7: memref<64x64xi32, #tpu.memory_space<hbm>>, %arg8: memref<64x64xi32, #tpu.memory_space<hbm>>, %arg9: memref<64x64xi32, #tpu.memory_space<hbm>>, %arg10: memref<64x64xi32, #tpu.memory_space<hbm>>, %arg11: memref<9633792xf32, #tpu.memory_space<hbm>>, %arg12: memref<21504xf32, #tpu.memory_space<vmem>>, %arg13: memref<2x64xf32, #tpu.memory_space<vmem>>, %arg14: memref<2x64xf32, #tpu.memory_space<vmem>>, %arg15: memref<2x64xf32, #tpu.memory_space<vmem>>, %arg16: memref<2x64xf32, #tpu.memory_space<vmem>>, %arg17: memref<2x64xf32, #tpu.memory_space<vmem>>, %arg18: memref<2x64xf32, #tpu.memory_space<vmem>>, %arg19: memref<2x64xi32, #tpu.memory_space<vmem>>, %arg20: memref<2x64xi32, #tpu.memory_space<vmem>>, %arg21: memref<2x64xi32, #tpu.memory_space<vmem>>, %arg22: memref<2x64xi32, #tpu.memory_space<vmem>>, %arg23: memref<2x64xi32, #tpu.memory_space<vmem>>, %arg24: memref<2x64xi32, #tpu.memory_space<vmem>>, %arg25: memref<2x64xi32, #tpu.memory_space<vmem>>, %arg26: memref<2x64xi32, #tpu.memory_space<vmem>>, %arg27: memref<2x64xi32, #tpu.memory_space<vmem>>, %arg28: memref<2x64xi32, #tpu.memory_space<vmem>>, %arg29: memref<2x64xi32, #tpu.memory_space<vmem>>, %arg30: memref<2x64xi32, #tpu.memory_space<vmem>>, %arg31: memref<!tpu.dma_semaphore, #tpu.memory_space<semaphore_mem>>, %arg32: memref<!tpu.dma_semaphore, #tpu.memory_space<semaphore_mem>>, %arg33: memref<!tpu.dma_semaphore, #tpu.memory_space<semaphore_mem>>) attributes {dimension_semantics = [#tpu.dimension_semantics<core_parallel>, #tpu.dimension_semantics<subcore_parallel>], iteration_bounds = array<i64: 2, 16>, scalar_prefetch = 0 : i64, scratch_operands = 22 : i64, tpu.core_type = #tpu.core_type<sc_vector_subcore>, window_params = [{transform_indices = #map}, {transform_indices = #map}, {transform_indices = #map}, {transform_indices = #map}, {transform_indices = #map}, {transform_indices = #map}, {transform_indices = #map}, {transform_indices = #map}, {transform_indices = #map}, {transform_indices = #map1}]} {
    %mul3A = arith.constant 2 : i32
    %mul3A_0 = arith.muli %arg1, %mul3A : i32
    %add3A = arith.addi %mul3A_0, %arg0 : i32
    %mul3A_1 = arith.constant 2 : i32
    %mul3A_2 = arith.muli %add3A, %mul3A_1 : i32
    %dma_start3A = arith.constant 0 : i32
    %dma_start3A_3 = tpu.memref_slice %arg2[%mul3A_2, %dma_start3A] : memref<64x64xf32, #tpu.memory_space<hbm>> -> memref<2x64xf32, #tpu.memory_space<hbm>>
    %dma_start3A_4 = arith.constant 0 : i32
    %dma_start3A_5 = tpu.memref_slice %arg2[%mul3A_2, %dma_start3A_4] : memref<64x64xf32, #tpu.memory_space<hbm>> -> memref<2x64xf32, #tpu.memory_space<hbm>>
    tpu.enqueue_dma source(%dma_start3A_5 : memref<2x64xf32, #tpu.memory_space<hbm>>) target(%arg14 : memref<2x64xf32, #tpu.memory_space<vmem>>) target_semaphore(%arg31 : memref<!tpu.dma_semaphore, #tpu.memory_space<semaphore_mem>>)
    %dma_start3A_6 = arith.constant 0 : i32
    %dma_start3A_7 = tpu.memref_slice %arg3[%mul3A_2, %dma_start3A_6] : memref<64x64xf32, #tpu.memory_space<hbm>> -> memref<2x64xf32, #tpu.memory_space<hbm>>
    %dma_start3A_8 = arith.constant 0 : i32
    %dma_start3A_9 = tpu.memref_slice %arg3[%mul3A_2, %dma_start3A_8] : memref<64x64xf32, #tpu.memory_space<hbm>> -> memref<2x64xf32, #tpu.memory_space<hbm>>
    tpu.enqueue_dma source(%dma_start3A_9 : memref<2x64xf32, #tpu.memory_space<hbm>>) target(%arg15 : memref<2x64xf32, #tpu.memory_space<vmem>>) target_semaphore(%arg31 : memref<!tpu.dma_semaphore, #tpu.memory_space<semaphore_mem>>)
    %dma_start3A_10 = arith.constant 0 : i32
    %dma_start3A_11 = tpu.memref_slice %arg4[%mul3A_2, %dma_start3A_10] : memref<64x64xf32, #tpu.memory_space<hbm>> -> memref<2x64xf32, #tpu.memory_space<hbm>>
    %dma_start3A_12 = arith.constant 0 : i32
    %dma_start3A_13 = tpu.memref_slice %arg4[%mul3A_2, %dma_start3A_12] : memref<64x64xf32, #tpu.memory_space<hbm>> -> memref<2x64xf32, #tpu.memory_space<hbm>>
    tpu.enqueue_dma source(%dma_start3A_13 : memref<2x64xf32, #tpu.memory_space<hbm>>) target(%arg16 : memref<2x64xf32, #tpu.memory_space<vmem>>) target_semaphore(%arg31 : memref<!tpu.dma_semaphore, #tpu.memory_space<semaphore_mem>>)
    %dma_start3A_14 = arith.constant 0 : i32
    %dma_start3A_15 = tpu.memref_slice %arg5[%mul3A_2, %dma_start3A_14] : memref<64x64xf32, #tpu.memory_space<hbm>> -> memref<2x64xf32, #tpu.memory_space<hbm>>
    %dma_start3A_16 = arith.constant 0 : i32
    %dma_start3A_17 = tpu.memref_slice %arg5[%mul3A_2, %dma_start3A_16] : memref<64x64xf32, #tpu.memory_space<hbm>> -> memref<2x64xf32, #tpu.memory_space<hbm>>
    tpu.enqueue_dma source(%dma_start3A_17 : memref<2x64xf32, #tpu.memory_space<hbm>>) target(%arg17 : memref<2x64xf32, #tpu.memory_space<vmem>>) target_semaphore(%arg31 : memref<!tpu.dma_semaphore, #tpu.memory_space<semaphore_mem>>)
    %dma_start3A_18 = arith.constant 0 : i32
    %dma_start3A_19 = tpu.memref_slice %arg6[%mul3A_2, %dma_start3A_18] : memref<64x64xf32, #tpu.memory_space<hbm>> -> memref<2x64xf32, #tpu.memory_space<hbm>>
    %dma_start3A_20 = arith.constant 0 : i32
    %dma_start3A_21 = tpu.memref_slice %arg6[%mul3A_2, %dma_start3A_20] : memref<64x64xf32, #tpu.memory_space<hbm>> -> memref<2x64xf32, #tpu.memory_space<hbm>>
    tpu.enqueue_dma source(%dma_start3A_21 : memref<2x64xf32, #tpu.memory_space<hbm>>) target(%arg18 : memref<2x64xf32, #tpu.memory_space<vmem>>) target_semaphore(%arg31 : memref<!tpu.dma_semaphore, #tpu.memory_space<semaphore_mem>>)
    %dma_start3A_22 = arith.constant 0 : i32
    %dma_start3A_23 = tpu.memref_slice %arg7[%mul3A_2, %dma_start3A_22] : memref<64x64xi32, #tpu.memory_space<hbm>> -> memref<2x64xi32, #tpu.memory_space<hbm>>
    %dma_start3A_24 = arith.constant 0 : i32
    %dma_start3A_25 = tpu.memref_slice %arg7[%mul3A_2, %dma_start3A_24] : memref<64x64xi32, #tpu.memory_space<hbm>> -> memref<2x64xi32, #tpu.memory_space<hbm>>
    tpu.enqueue_dma source(%dma_start3A_25 : memref<2x64xi32, #tpu.memory_space<hbm>>) target(%arg19 : memref<2x64xi32, #tpu.memory_space<vmem>>) target_semaphore(%arg31 : memref<!tpu.dma_semaphore, #tpu.memory_space<semaphore_mem>>)
    %dma_start3A_26 = arith.constant 0 : i32
    %dma_start3A_27 = tpu.memref_slice %arg8[%mul3A_2, %dma_start3A_26] : memref<64x64xi32, #tpu.memory_space<hbm>> -> memref<2x64xi32, #tpu.memory_space<hbm>>
    %dma_start3A_28 = arith.constant 0 : i32
    %dma_start3A_29 = tpu.memref_slice %arg8[%mul3A_2, %dma_start3A_28] : memref<64x64xi32, #tpu.memory_space<hbm>> -> memref<2x64xi32, #tpu.memory_space<hbm>>
    tpu.enqueue_dma source(%dma_start3A_29 : memref<2x64xi32, #tpu.memory_space<hbm>>) target(%arg20 : memref<2x64xi32, #tpu.memory_space<vmem>>) target_semaphore(%arg31 : memref<!tpu.dma_semaphore, #tpu.memory_space<semaphore_mem>>)
    %dma_start3A_30 = arith.constant 0 : i32
    %dma_start3A_31 = tpu.memref_slice %arg9[%mul3A_2, %dma_start3A_30] : memref<64x64xi32, #tpu.memory_space<hbm>> -> memref<2x64xi32, #tpu.memory_space<hbm>>
    %dma_start3A_32 = arith.constant 0 : i32
    %dma_start3A_33 = tpu.memref_slice %arg9[%mul3A_2, %dma_start3A_32] : memref<64x64xi32, #tpu.memory_space<hbm>> -> memref<2x64xi32, #tpu.memory_space<hbm>>
    tpu.enqueue_dma source(%dma_start3A_33 : memref<2x64xi32, #tpu.memory_space<hbm>>) target(%arg21 : memref<2x64xi32, #tpu.memory_space<vmem>>) target_semaphore(%arg31 : memref<!tpu.dma_semaphore, #tpu.memory_space<semaphore_mem>>)
    %dma_start3A_34 = arith.constant 0 : i32
    %dma_start3A_35 = tpu.memref_slice %arg10[%mul3A_2, %dma_start3A_34] : memref<64x64xi32, #tpu.memory_space<hbm>> -> memref<2x64xi32, #tpu.memory_space<hbm>>
    %dma_start3A_36 = arith.constant 0 : i32
    %dma_start3A_37 = tpu.memref_slice %arg10[%mul3A_2, %dma_start3A_36] : memref<64x64xi32, #tpu.memory_space<hbm>> -> memref<2x64xi32, #tpu.memory_space<hbm>>
    tpu.enqueue_dma source(%dma_start3A_37 : memref<2x64xi32, #tpu.memory_space<hbm>>) target(%arg22 : memref<2x64xi32, #tpu.memory_space<vmem>>) target_semaphore(%arg31 : memref<!tpu.dma_semaphore, #tpu.memory_space<semaphore_mem>>)
    %scan3A = arith.constant 0 : i32
    %scan3A_38 = arith.constant 0 : i32
    %scan3A_39 = arith.constant 1344 : i32
    %scan3A_40 = arith.addi %scan3A_38, %scan3A_39 : i32
    %scan3A_41 = arith.constant 1 : i32
    scf.for %scan3A_1535 = %scan3A_38 to %scan3A_40 step %scan3A_41  : i32 {
      %broadcast_in_dim3A_1536 = arith.constant 0.000000e+00 : f32
      %broadcast_in_dim3A_1537 = vector.broadcast %broadcast_in_dim3A_1536 : f32 to vector<16xf32>
      %mul3A_1538 = arith.constant 16 : i32
      %mul3A_1539 = arith.muli %scan3A_1535, %mul3A_1538 : i32
      %swap3A_1540 = arith.index_cast %mul3A_1539 : i32 to index
      %swap3A_1541 = tpu.vector_load %arg12[%swap3A_1540] {strides = array<i32>} : memref<21504xf32, #tpu.memory_space<vmem>>, vector<16xf32>,
      %swap3A_1542 = vector.shape_cast %swap3A_1541 : vector<16xf32> to vector<16xf32>
      %swap3A_1543 = vector.shape_cast %broadcast_in_dim3A_1537 : vector<16xf32> to vector<16xf32>
      tpu.vector_store %arg12[%swap3A_1540], %swap3A_1543 {strides = array<i32>} : memref<21504xf32, #tpu.memory_space<vmem>>, vector<16xf32>,
    }
    %scan3A_42 = arith.constant 1344 : i32
    %add3A_43 = arith.constant 0 : i32
    %add3A_44 = arith.addi %mul3A_2, %add3A_43 : i32
    %mul3A_45 = arith.constant 21504 : i32
    %mul3A_46 = arith.muli %add3A_44, %mul3A_45 : i32
    %add3A_47 = arith.constant 0 : i32
    %add3A_48 = arith.addi %add3A_47, %mul3A_46 : i32
    %add3A_49 = arith.constant 1 : i32
    %add3A_50 = arith.addi %mul3A_2, %add3A_49 : i32
    %mul3A_51 = arith.constant 21504 : i32
    %mul3A_52 = arith.muli %add3A_50, %mul3A_51 : i32
    %add3A_53 = arith.constant 0 : i32
    %add3A_54 = arith.addi %add3A_53, %mul3A_52 : i32
    %add3A_55 = arith.constant 0 : i32
    %add3A_56 = arith.addi %mul3A_2, %add3A_55 : i32
    %mul3A_57 = arith.constant 21504 : i32
    %mul3A_58 = arith.muli %add3A_56, %mul3A_57 : i32
    %add3A_59 = arith.constant 1376256 : i32
    %add3A_60 = arith.addi %add3A_59, %mul3A_58 : i32
    %add3A_61 = arith.constant 1 : i32
    %add3A_62 = arith.addi %mul3A_2, %add3A_61 : i32
    %mul3A_63 = arith.constant 21504 : i32
    %mul3A_64 = arith.muli %add3A_62, %mul3A_63 : i32
    %add3A_65 = arith.constant 1376256 : i32
    %add3A_66 = arith.addi %add3A_65, %mul3A_64 : i32
    %add3A_67 = arith.constant 0 : i32
    %add3A_68 = arith.addi %mul3A_2, %add3A_67 : i32
    %mul3A_69 = arith.constant 21504 : i32
    %mul3A_70 = arith.muli %add3A_68, %mul3A_69 : i32
    %add3A_71 = arith.constant 2752512 : i32
    %add3A_72 = arith.addi %add3A_71, %mul3A_70 : i32
    %add3A_73 = arith.constant 1 : i32
    %add3A_74 = arith.addi %mul3A_2, %add3A_73 : i32
    %mul3A_75 = arith.constant 21504 : i32
    %mul3A_76 = arith.muli %add3A_74, %mul3A_75 : i32
    %add3A_77 = arith.constant 2752512 : i32
    %add3A_78 = arith.addi %add3A_77, %mul3A_76 : i32
    %add3A_79 = arith.constant 0 : i32
    %add3A_80 = arith.addi %mul3A_2, %add3A_79 : i32
    %mul3A_81 = arith.constant 21504 : i32
    %mul3A_82 = arith.muli %add3A_80, %mul3A_81 : i32
    %add3A_83 = arith.constant 4128768 : i32
    %add3A_84 = arith.addi %add3A_83, %mul3A_82 : i32
    %add3A_85 = arith.constant 1 : i32
    %add3A_86 = arith.addi %mul3A_2, %add3A_85 : i32
    %mul3A_87 = arith.constant 21504 : i32
    %mul3A_88 = arith.muli %add3A_86, %mul3A_87 : i32
    %add3A_89 = arith.constant 4128768 : i32
    %add3A_90 = arith.addi %add3A_89, %mul3A_88 : i32
    %add3A_91 = arith.constant 0 : i32
    %add3A_92 = arith.addi %mul3A_2, %add3A_91 : i32
    %mul3A_93 = arith.constant 21504 : i32
    %mul3A_94 = arith.muli %add3A_92, %mul3A_93 : i32
    %add3A_95 = arith.constant 5505024 : i32
    %add3A_96 = arith.addi %add3A_95, %mul3A_94 : i32
    %add3A_97 = arith.constant 1 : i32
    %add3A_98 = arith.addi %mul3A_2, %add3A_97 : i32
    %mul3A_99 = arith.constant 21504 : i32
    %mul3A_100 = arith.muli %add3A_98, %mul3A_99 : i32
    %add3A_101 = arith.constant 5505024 : i32
    %add3A_102 = arith.addi %add3A_101, %mul3A_100 : i32
    %add3A_103 = arith.constant 0 : i32
    %add3A_104 = arith.addi %mul3A_2, %add3A_103 : i32
    %mul3A_105 = arith.constant 21504 : i32
    %mul3A_106 = arith.muli %add3A_104, %mul3A_105 : i32
    %add3A_107 = arith.constant 6881280 : i32
    %add3A_108 = arith.addi %add3A_107, %mul3A_106 : i32
    %add3A_109 = arith.constant 1 : i32
    %add3A_110 = arith.addi %mul3A_2, %add3A_109 : i32
    %mul3A_111 = arith.constant 21504 : i32
    %mul3A_112 = arith.muli %add3A_110, %mul3A_111 : i32
    %add3A_113 = arith.constant 6881280 : i32
    %add3A_114 = arith.addi %add3A_113, %mul3A_112 : i32
    %add3A_115 = arith.constant 0 : i32
    %add3A_116 = arith.addi %mul3A_2, %add3A_115 : i32
    %mul3A_117 = arith.constant 21504 : i32
    %mul3A_118 = arith.muli %add3A_116, %mul3A_117 : i32
    %add3A_119 = arith.constant 8257536 : i32
    %add3A_120 = arith.addi %add3A_119, %mul3A_118 : i32
    %add3A_121 = arith.constant 1 : i32
    %add3A_122 = arith.addi %mul3A_2, %add3A_121 : i32
    %mul3A_123 = arith.constant 21504 : i32
    %mul3A_124 = arith.muli %add3A_122, %mul3A_123 : i32
    %add3A_125 = arith.constant 8257536 : i32
    %add3A_126 = arith.addi %add3A_125, %mul3A_124 : i32
    %dma_start3A_127 = tpu.memref_slice %arg11[%add3A_48] : memref<9633792xf32, #tpu.memory_space<hbm>> -> memref<21504xf32, #tpu.memory_space<hbm>>
    %dma_start3A_128 = tpu.memref_slice %arg11[%add3A_48] : memref<9633792xf32, #tpu.memory_space<hbm>> -> memref<21504xf32, #tpu.memory_space<hbm>>
    tpu.enqueue_dma source(%arg12 : memref<21504xf32, #tpu.memory_space<vmem>>) target(%dma_start3A_128 : memref<21504xf32, #tpu.memory_space<hbm>>) target_semaphore(%arg32 : memref<!tpu.dma_semaphore, #tpu.memory_space<semaphore_mem>>)
    %dma_start3A_129 = tpu.memref_slice %arg11[%add3A_54] : memref<9633792xf32, #tpu.memory_space<hbm>> -> memref<21504xf32, #tpu.memory_space<hbm>>
    %dma_start3A_130 = tpu.memref_slice %arg11[%add3A_54] : memref<9633792xf32, #tpu.memory_space<hbm>> -> memref<21504xf32, #tpu.memory_space<hbm>>
    tpu.enqueue_dma source(%arg12 : memref<21504xf32, #tpu.memory_space<vmem>>) target(%dma_start3A_130 : memref<21504xf32, #tpu.memory_space<hbm>>) target_semaphore(%arg32 : memref<!tpu.dma_semaphore, #tpu.memory_space<semaphore_mem>>)
    %dma_start3A_131 = tpu.memref_slice %arg11[%add3A_60] : memref<9633792xf32, #tpu.memory_space<hbm>> -> memref<21504xf32, #tpu.memory_space<hbm>>
    %dma_start3A_132 = tpu.memref_slice %arg11[%add3A_60] : memref<9633792xf32, #tpu.memory_space<hbm>> -> memref<21504xf32, #tpu.memory_space<hbm>>
    tpu.enqueue_dma source(%arg12 : memref<21504xf32, #tpu.memory_space<vmem>>) target(%dma_start3A_132 : memref<21504xf32, #tpu.memory_space<hbm>>) target_semaphore(%arg32 : memref<!tpu.dma_semaphore, #tpu.memory_space<semaphore_mem>>)
    %dma_start3A_133 = tpu.memref_slice %arg11[%add3A_66] : memref<9633792xf32, #tpu.memory_space<hbm>> -> memref<21504xf32, #tpu.memory_space<hbm>>
    %dma_start3A_134 = tpu.memref_slice %arg11[%add3A_66] : memref<9633792xf32, #tpu.memory_space<hbm>> -> memref<21504xf32, #tpu.memory_space<hbm>>
    tpu.enqueue_dma source(%arg12 : memref<21504xf32, #tpu.memory_space<vmem>>) target(%dma_start3A_134 : memref<21504xf32, #tpu.memory_space<hbm>>) target_semaphore(%arg32 : memref<!tpu.dma_semaphore, #tpu.memory_space<semaphore_mem>>)
    %dma_start3A_135 = tpu.memref_slice %arg11[%add3A_72] : memref<9633792xf32, #tpu.memory_space<hbm>> -> memref<21504xf32, #tpu.memory_space<hbm>>
    %dma_start3A_136 = tpu.memref_slice %arg11[%add3A_72] : memref<9633792xf32, #tpu.memory_space<hbm>> -> memref<21504xf32, #tpu.memory_space<hbm>>
    tpu.enqueue_dma source(%arg12 : memref<21504xf32, #tpu.memory_space<vmem>>) target(%dma_start3A_136 : memref<21504xf32, #tpu.memory_space<hbm>>) target_semaphore(%arg32 : memref<!tpu.dma_semaphore, #tpu.memory_space<semaphore_mem>>)
    %dma_start3A_137 = tpu.memref_slice %arg11[%add3A_78] : memref<9633792xf32, #tpu.memory_space<hbm>> -> memref<21504xf32, #tpu.memory_space<hbm>>
    %dma_start3A_138 = tpu.memref_slice %arg11[%add3A_78] : memref<9633792xf32, #tpu.memory_space<hbm>> -> memref<21504xf32, #tpu.memory_space<hbm>>
    tpu.enqueue_dma source(%arg12 : memref<21504xf32, #tpu.memory_space<vmem>>) target(%dma_start3A_138 : memref<21504xf32, #tpu.memory_space<hbm>>) target_semaphore(%arg32 : memref<!tpu.dma_semaphore, #tpu.memory_space<semaphore_mem>>)
    %dma_start3A_139 = tpu.memref_slice %arg11[%add3A_84] : memref<9633792xf32, #tpu.memory_space<hbm>> -> memref<21504xf32, #tpu.memory_space<hbm>>
    %dma_start3A_140 = tpu.memref_slice %arg11[%add3A_84] : memref<9633792xf32, #tpu.memory_space<hbm>> -> memref<21504xf32, #tpu.memory_space<hbm>>
    tpu.enqueue_dma source(%arg12 : memref<21504xf32, #tpu.memory_space<vmem>>) target(%dma_start3A_140 : memref<21504xf32, #tpu.memory_space<hbm>>) target_semaphore(%arg32 : memref<!tpu.dma_semaphore, #tpu.memory_space<semaphore_mem>>)
    %dma_start3A_141 = tpu.memref_slice %arg11[%add3A_90] : memref<9633792xf32, #tpu.memory_space<hbm>> -> memref<21504xf32, #tpu.memory_space<hbm>>
    %dma_start3A_142 = tpu.memref_slice %arg11[%add3A_90] : memref<9633792xf32, #tpu.memory_space<hbm>> -> memref<21504xf32, #tpu.memory_space<hbm>>
    tpu.enqueue_dma source(%arg12 : memref<21504xf32, #tpu.memory_space<vmem>>) target(%dma_start3A_142 : memref<21504xf32, #tpu.memory_space<hbm>>) target_semaphore(%arg32 : memref<!tpu.dma_semaphore, #tpu.memory_space<semaphore_mem>>)
    %dma_start3A_143 = tpu.memref_slice %arg11[%add3A_96] : memref<9633792xf32, #tpu.memory_space<hbm>> -> memref<21504xf32, #tpu.memory_space<hbm>>
    %dma_start3A_144 = tpu.memref_slice %arg11[%add3A_96] : memref<9633792xf32, #tpu.memory_space<hbm>> -> memref<21504xf32, #tpu.memory_space<hbm>>
    tpu.enqueue_dma source(%arg12 : memref<21504xf32, #tpu.memory_space<vmem>>) target(%dma_start3A_144 : memref<21504xf32, #tpu.memory_space<hbm>>) target_semaphore(%arg32 : memref<!tpu.dma_semaphore, #tpu.memory_space<semaphore_mem>>)
    %dma_start3A_145 = tpu.memref_slice %arg11[%add3A_102] : memref<9633792xf32, #tpu.memory_space<hbm>> -> memref<21504xf32, #tpu.memory_space<hbm>>
    %dma_start3A_146 = tpu.memref_slice %arg11[%add3A_102] : memref<9633792xf32, #tpu.memory_space<hbm>> -> memref<21504xf32, #tpu.memory_space<hbm>>
    tpu.enqueue_dma source(%arg12 : memref<21504xf32, #tpu.memory_space<vmem>>) target(%dma_start3A_146 : memref<21504xf32, #tpu.memory_space<hbm>>) target_semaphore(%arg32 : memref<!tpu.dma_semaphore, #tpu.memory_space<semaphore_mem>>)
    %dma_start3A_147 = tpu.memref_slice %arg11[%add3A_108] : memref<9633792xf32, #tpu.memory_space<hbm>> -> memref<21504xf32, #tpu.memory_space<hbm>>
    %dma_start3A_148 = tpu.memref_slice %arg11[%add3A_108] : memref<9633792xf32, #tpu.memory_space<hbm>> -> memref<21504xf32, #tpu.memory_space<hbm>>
    tpu.enqueue_dma source(%arg12 : memref<21504xf32, #tpu.memory_space<vmem>>) target(%dma_start3A_148 : memref<21504xf32, #tpu.memory_space<hbm>>) target_semaphore(%arg32 : memref<!tpu.dma_semaphore, #tpu.memory_space<semaphore_mem>>)
    %dma_start3A_149 = tpu.memref_slice %arg11[%add3A_114] : memref<9633792xf32, #tpu.memory_space<hbm>> -> memref<21504xf32, #tpu.memory_space<hbm>>
    %dma_start3A_150 = tpu.memref_slice %arg11[%add3A_114] : memref<9633792xf32, #tpu.memory_space<hbm>> -> memref<21504xf32, #tpu.memory_space<hbm>>
    tpu.enqueue_dma source(%arg12 : memref<21504xf32, #tpu.memory_space<vmem>>) target(%dma_start3A_150 : memref<21504xf32, #tpu.memory_space<hbm>>) target_semaphore(%arg32 : memref<!tpu.dma_semaphore, #tpu.memory_space<semaphore_mem>>)
    %dma_start3A_151 = tpu.memref_slice %arg11[%add3A_120] : memref<9633792xf32, #tpu.memory_space<hbm>> -> memref<21504xf32, #tpu.memory_space<hbm>>
    %dma_start3A_152 = tpu.memref_slice %arg11[%add3A_120] : memref<9633792xf32, #tpu.memory_space<hbm>> -> memref<21504xf32, #tpu.memory_space<hbm>>
    tpu.enqueue_dma source(%arg12 : memref<21504xf32, #tpu.memory_space<vmem>>) target(%dma_start3A_152 : memref<21504xf32, #tpu.memory_space<hbm>>) target_semaphore(%arg32 : memref<!tpu.dma_semaphore, #tpu.memory_space<semaphore_mem>>)
    %dma_start3A_153 = tpu.memref_slice %arg11[%add3A_126] : memref<9633792xf32, #tpu.memory_space<hbm>> -> memref<21504xf32, #tpu.memory_space<hbm>>
    %dma_start3A_154 = tpu.memref_slice %arg11[%add3A_126] : memref<9633792xf32, #tpu.memory_space<hbm>> -> memref<21504xf32, #tpu.memory_space<hbm>>
    tpu.enqueue_dma source(%arg12 : memref<21504xf32, #tpu.memory_space<vmem>>) target(%dma_start3A_154 : memref<21504xf32, #tpu.memory_space<hbm>>) target_semaphore(%arg32 : memref<!tpu.dma_semaphore, #tpu.memory_space<semaphore_mem>>)
    %broadcast_in_dim3A = arith.constant 1.000000e+00 : f32
    %broadcast_in_dim3A_155 = vector.broadcast %broadcast_in_dim3A : f32 to vector<16xf32>
    %swap3A = arith.constant 0 : i32
    %swap3A_156 = arith.index_cast %swap3A : i32 to index
    %swap3A_157 = arith.constant 0 : index
    %swap3A_158 = tpu.vector_load %arg13[%swap3A_156, %swap3A_157] {strides = array<i32>} : memref<2x64xf32, #tpu.memory_space<vmem>>, vector<1x16xf32>,
    %swap3A_159 = vector.shape_cast %swap3A_158 : vector<1x16xf32> to vector<16xf32>
    %swap3A_160 = vector.shape_cast %broadcast_in_dim3A_155 : vector<16xf32> to vector<1x16xf32>
    tpu.vector_store %arg13[%swap3A_156, %swap3A_157], %swap3A_160 {strides = array<i32>} : memref<2x64xf32, #tpu.memory_space<vmem>>, vector<1x16xf32>,
    %broadcast_in_dim3A_161 = arith.constant 1.000000e+00 : f32
    %broadcast_in_dim3A_162 = vector.broadcast %broadcast_in_dim3A_161 : f32 to vector<16xf32>
    %swap3A_163 = arith.constant 0 : i32
    %swap3A_164 = arith.index_cast %swap3A_163 : i32 to index
    %swap3A_165 = arith.constant 16 : index
    %swap3A_166 = tpu.vector_load %arg13[%swap3A_164, %swap3A_165] {strides = array<i32>} : memref<2x64xf32, #tpu.memory_space<vmem>>, vector<1x16xf32>,
    %swap3A_167 = vector.shape_cast %swap3A_166 : vector<1x16xf32> to vector<16xf32>
    %swap3A_168 = vector.shape_cast %broadcast_in_dim3A_162 : vector<16xf32> to vector<1x16xf32>
    tpu.vector_store %arg13[%swap3A_164, %swap3A_165], %swap3A_168 {strides = array<i32>} : memref<2x64xf32, #tpu.memory_space<vmem>>, vector<1x16xf32>,
    %broadcast_in_dim3A_169 = arith.constant 1.000000e+00 : f32
    %broadcast_in_dim3A_170 = vector.broadcast %broadcast_in_dim3A_169 : f32 to vector<16xf32>
    %swap3A_171 = arith.constant 0 : i32
    %swap3A_172 = arith.index_cast %swap3A_171 : i32 to index
    %swap3A_173 = arith.constant 32 : index
    %swap3A_174 = tpu.vector_load %arg13[%swap3A_172, %swap3A_173] {strides = array<i32>} : memref<2x64xf32, #tpu.memory_space<vmem>>, vector<1x16xf32>,
    %swap3A_175 = vector.shape_cast %swap3A_174 : vector<1x16xf32> to vector<16xf32>
    %swap3A_176 = vector.shape_cast %broadcast_in_dim3A_170 : vector<16xf32> to vector<1x16xf32>
    tpu.vector_store %arg13[%swap3A_172, %swap3A_173], %swap3A_176 {strides = array<i32>} : memref<2x64xf32, #tpu.memory_space<vmem>>, vector<1x16xf32>,
    %broadcast_in_dim3A_177 = arith.constant 1.000000e+00 : f32
    %broadcast_in_dim3A_178 = vector.broadcast %broadcast_in_dim3A_177 : f32 to vector<16xf32>
    %swap3A_179 = arith.constant 0 : i32
    %swap3A_180 = arith.index_cast %swap3A_179 : i32 to index
    %swap3A_181 = arith.constant 48 : index
    %swap3A_182 = tpu.vector_load %arg13[%swap3A_180, %swap3A_181] {strides = array<i32>} : memref<2x64xf32, #tpu.memory_space<vmem>>, vector<1x16xf32>,
    %swap3A_183 = vector.shape_cast %swap3A_182 : vector<1x16xf32> to vector<16xf32>
    %swap3A_184 = vector.shape_cast %broadcast_in_dim3A_178 : vector<16xf32> to vector<1x16xf32>
    tpu.vector_store %arg13[%swap3A_180, %swap3A_181], %swap3A_184 {strides = array<i32>} : memref<2x64xf32, #tpu.memory_space<vmem>>, vector<1x16xf32>,
    %broadcast_in_dim3A_185 = arith.constant 1.000000e+00 : f32
    %broadcast_in_dim3A_186 = vector.broadcast %broadcast_in_dim3A_185 : f32 to vector<16xf32>
    %swap3A_187 = arith.constant 1 : i32
    %swap3A_188 = arith.index_cast %swap3A_187 : i32 to index
    %swap3A_189 = arith.constant 0 : index
    %swap3A_190 = tpu.vector_load %arg13[%swap3A_188, %swap3A_189] {strides = array<i32>} : memref<2x64xf32, #tpu.memory_space<vmem>>, vector<1x16xf32>,
    %swap3A_191 = vector.shape_cast %swap3A_190 : vector<1x16xf32> to vector<16xf32>
    %swap3A_192 = vector.shape_cast %broadcast_in_dim3A_186 : vector<16xf32> to vector<1x16xf32>
    tpu.vector_store %arg13[%swap3A_188, %swap3A_189], %swap3A_192 {strides = array<i32>} : memref<2x64xf32, #tpu.memory_space<vmem>>, vector<1x16xf32>,
    %broadcast_in_dim3A_193 = arith.constant 1.000000e+00 : f32
    %broadcast_in_dim3A_194 = vector.broadcast %broadcast_in_dim3A_193 : f32 to vector<16xf32>
    %swap3A_195 = arith.constant 1 : i32
    %swap3A_196 = arith.index_cast %swap3A_195 : i32 to index
    %swap3A_197 = arith.constant 16 : index
    %swap3A_198 = tpu.vector_load %arg13[%swap3A_196, %swap3A_197] {strides = array<i32>} : memref<2x64xf32, #tpu.memory_space<vmem>>, vector<1x16xf32>,
    %swap3A_199 = vector.shape_cast %swap3A_198 : vector<1x16xf32> to vector<16xf32>
    %swap3A_200 = vector.shape_cast %broadcast_in_dim3A_194 : vector<16xf32> to vector<1x16xf32>
    tpu.vector_store %arg13[%swap3A_196, %swap3A_197], %swap3A_200 {strides = array<i32>} : memref<2x64xf32, #tpu.memory_space<vmem>>, vector<1x16xf32>,
    %broadcast_in_dim3A_201 = arith.constant 1.000000e+00 : f32
    %broadcast_in_dim3A_202 = vector.broadcast %broadcast_in_dim3A_201 : f32 to vector<16xf32>
    %swap3A_203 = arith.constant 1 : i32
    %swap3A_204 = arith.index_cast %swap3A_203 : i32 to index
    %swap3A_205 = arith.constant 32 : index
    %swap3A_206 = tpu.vector_load %arg13[%swap3A_204, %swap3A_205] {strides = array<i32>} : memref<2x64xf32, #tpu.memory_space<vmem>>, vector<1x16xf32>,
    %swap3A_207 = vector.shape_cast %swap3A_206 : vector<1x16xf32> to vector<16xf32>
    %swap3A_208 = vector.shape_cast %broadcast_in_dim3A_202 : vector<16xf32> to vector<1x16xf32>
    tpu.vector_store %arg13[%swap3A_204, %swap3A_205], %swap3A_208 {strides = array<i32>} : memref<2x64xf32, #tpu.memory_space<vmem>>, vector<1x16xf32>,
    %broadcast_in_dim3A_209 = arith.constant 1.000000e+00 : f32
    %broadcast_in_dim3A_210 = vector.broadcast %broadcast_in_dim3A_209 : f32 to vector<16xf32>
    %swap3A_211 = arith.constant 1 : i32
    %swap3A_212 = arith.index_cast %swap3A_211 : i32 to index
    %swap3A_213 = arith.constant 48 : index
    %swap3A_214 = tpu.vector_load %arg13[%swap3A_212, %swap3A_213] {strides = array<i32>} : memref<2x64xf32, #tpu.memory_space<vmem>>, vector<1x16xf32>,
    %swap3A_215 = vector.shape_cast %swap3A_214 : vector<1x16xf32> to vector<16xf32>
    %swap3A_216 = vector.shape_cast %broadcast_in_dim3A_210 : vector<16xf32> to vector<1x16xf32>
    tpu.vector_store %arg13[%swap3A_212, %swap3A_213], %swap3A_216 {strides = array<i32>} : memref<2x64xf32, #tpu.memory_space<vmem>>, vector<1x16xf32>,
    %dma_wait3A = arith.constant 0 : i32
    %dma_wait3A_217 = tpu.memref_slice %arg2[%mul3A_2, %dma_wait3A] : memref<64x64xf32, #tpu.memory_space<hbm>> -> memref<2x64xf32, #tpu.memory_space<hbm>>
    %dma_wait3A_218 = arith.constant 0 : i32
    %dma_wait3A_219 = tpu.memref_slice %arg2[%mul3A_2, %dma_wait3A_218] : memref<64x64xf32, #tpu.memory_space<hbm>> -> memref<2x64xf32, #tpu.memory_space<hbm>>
    tpu.wait_dma2 semaphore(%arg31 : memref<!tpu.dma_semaphore, #tpu.memory_space<semaphore_mem>>) src(%dma_wait3A_219 : memref<2x64xf32, #tpu.memory_space<hbm>>) dst(%arg14 : memref<2x64xf32, #tpu.memory_space<vmem>>)
    %dma_wait3A_220 = arith.constant 0 : i32
    %dma_wait3A_221 = tpu.memref_slice %arg3[%mul3A_2, %dma_wait3A_220] : memref<64x64xf32, #tpu.memory_space<hbm>> -> memref<2x64xf32, #tpu.memory_space<hbm>>
    %dma_wait3A_222 = arith.constant 0 : i32
    %dma_wait3A_223 = tpu.memref_slice %arg3[%mul3A_2, %dma_wait3A_222] : memref<64x64xf32, #tpu.memory_space<hbm>> -> memref<2x64xf32, #tpu.memory_space<hbm>>
    tpu.wait_dma2 semaphore(%arg31 : memref<!tpu.dma_semaphore, #tpu.memory_space<semaphore_mem>>) src(%dma_wait3A_223 : memref<2x64xf32, #tpu.memory_space<hbm>>) dst(%arg15 : memref<2x64xf32, #tpu.memory_space<vmem>>)
    %dma_wait3A_224 = arith.constant 0 : i32
    %dma_wait3A_225 = tpu.memref_slice %arg4[%mul3A_2, %dma_wait3A_224] : memref<64x64xf32, #tpu.memory_space<hbm>> -> memref<2x64xf32, #tpu.memory_space<hbm>>
    %dma_wait3A_226 = arith.constant 0 : i32
    %dma_wait3A_227 = tpu.memref_slice %arg4[%mul3A_2, %dma_wait3A_226] : memref<64x64xf32, #tpu.memory_space<hbm>> -> memref<2x64xf32, #tpu.memory_space<hbm>>
    tpu.wait_dma2 semaphore(%arg31 : memref<!tpu.dma_semaphore, #tpu.memory_space<semaphore_mem>>) src(%dma_wait3A_227 : memref<2x64xf32, #tpu.memory_space<hbm>>) dst(%arg16 : memref<2x64xf32, #tpu.memory_space<vmem>>)
    %dma_wait3A_228 = arith.constant 0 : i32
    %dma_wait3A_229 = tpu.memref_slice %arg5[%mul3A_2, %dma_wait3A_228] : memref<64x64xf32, #tpu.memory_space<hbm>> -> memref<2x64xf32, #tpu.memory_space<hbm>>
    %dma_wait3A_230 = arith.constant 0 : i32
    %dma_wait3A_231 = tpu.memref_slice %arg5[%mul3A_2, %dma_wait3A_230] : memref<64x64xf32, #tpu.memory_space<hbm>> -> memref<2x64xf32, #tpu.memory_space<hbm>>
    tpu.wait_dma2 semaphore(%arg31 : memref<!tpu.dma_semaphore, #tpu.memory_space<semaphore_mem>>) src(%dma_wait3A_231 : memref<2x64xf32, #tpu.memory_space<hbm>>) dst(%arg17 : memref<2x64xf32, #tpu.memory_space<vmem>>)
    %dma_wait3A_232 = arith.constant 0 : i32
    %dma_wait3A_233 = tpu.memref_slice %arg6[%mul3A_2, %dma_wait3A_232] : memref<64x64xf32, #tpu.memory_space<hbm>> -> memref<2x64xf32, #tpu.memory_space<hbm>>
    %dma_wait3A_234 = arith.constant 0 : i32
    %dma_wait3A_235 = tpu.memref_slice %arg6[%mul3A_2, %dma_wait3A_234] : memref<64x64xf32, #tpu.memory_space<hbm>> -> memref<2x64xf32, #tpu.memory_space<hbm>>
    tpu.wait_dma2 semaphore(%arg31 : memref<!tpu.dma_semaphore, #tpu.memory_space<semaphore_mem>>) src(%dma_wait3A_235 : memref<2x64xf32, #tpu.memory_space<hbm>>) dst(%arg18 : memref<2x64xf32, #tpu.memory_space<vmem>>)
    %dma_wait3A_236 = arith.constant 0 : i32
    %dma_wait3A_237 = tpu.memref_slice %arg7[%mul3A_2, %dma_wait3A_236] : memref<64x64xi32, #tpu.memory_space<hbm>> -> memref<2x64xi32, #tpu.memory_space<hbm>>
    %dma_wait3A_238 = arith.constant 0 : i32
    %dma_wait3A_239 = tpu.memref_slice %arg7[%mul3A_2, %dma_wait3A_238] : memref<64x64xi32, #tpu.memory_space<hbm>> -> memref<2x64xi32, #tpu.memory_space<hbm>>
    tpu.wait_dma2 semaphore(%arg31 : memref<!tpu.dma_semaphore, #tpu.memory_space<semaphore_mem>>) src(%dma_wait3A_239 : memref<2x64xi32, #tpu.memory_space<hbm>>) dst(%arg19 : memref<2x64xi32, #tpu.memory_space<vmem>>)
    %dma_wait3A_240 = arith.constant 0 : i32
    %dma_wait3A_241 = tpu.memref_slice %arg8[%mul3A_2, %dma_wait3A_240] : memref<64x64xi32, #tpu.memory_space<hbm>> -> memref<2x64xi32, #tpu.memory_space<hbm>>
    %dma_wait3A_242 = arith.constant 0 : i32
    %dma_wait3A_243 = tpu.memref_slice %arg8[%mul3A_2, %dma_wait3A_242] : memref<64x64xi32, #tpu.memory_space<hbm>> -> memref<2x64xi32, #tpu.memory_space<hbm>>
    tpu.wait_dma2 semaphore(%arg31 : memref<!tpu.dma_semaphore, #tpu.memory_space<semaphore_mem>>) src(%dma_wait3A_243 : memref<2x64xi32, #tpu.memory_space<hbm>>) dst(%arg20 : memref<2x64xi32, #tpu.memory_space<vmem>>)
    %dma_wait3A_244 = arith.constant 0 : i32
    %dma_wait3A_245 = tpu.memref_slice %arg9[%mul3A_2, %dma_wait3A_244] : memref<64x64xi32, #tpu.memory_space<hbm>> -> memref<2x64xi32, #tpu.memory_space<hbm>>
    %dma_wait3A_246 = arith.constant 0 : i32
    %dma_wait3A_247 = tpu.memref_slice %arg9[%mul3A_2, %dma_wait3A_246] : memref<64x64xi32, #tpu.memory_space<hbm>> -> memref<2x64xi32, #tpu.memory_space<hbm>>
    tpu.wait_dma2 semaphore(%arg31 : memref<!tpu.dma_semaphore, #tpu.memory_space<semaphore_mem>>) src(%dma_wait3A_247 : memref<2x64xi32, #tpu.memory_space<hbm>>) dst(%arg21 : memref<2x64xi32, #tpu.memory_space<vmem>>)
    %dma_wait3A_248 = arith.constant 0 : i32
    %dma_wait3A_249 = tpu.memref_slice %arg10[%mul3A_2, %dma_wait3A_248] : memref<64x64xi32, #tpu.memory_space<hbm>> -> memref<2x64xi32, #tpu.memory_space<hbm>>
    %dma_wait3A_250 = arith.constant 0 : i32
    %dma_wait3A_251 = tpu.memref_slice %arg10[%mul3A_2, %dma_wait3A_250] : memref<64x64xi32, #tpu.memory_space<hbm>> -> memref<2x64xi32, #tpu.memory_space<hbm>>
    tpu.wait_dma2 semaphore(%arg31 : memref<!tpu.dma_semaphore, #tpu.memory_space<semaphore_mem>>) src(%dma_wait3A_251 : memref<2x64xi32, #tpu.memory_space<hbm>>) dst(%arg22 : memref<2x64xi32, #tpu.memory_space<vmem>>)
    %get3A = arith.constant 0 : i32
    %get3A_252 = arith.index_cast %get3A : i32 to index
    %get3A_253 = arith.constant 0 : index
    %get3A_254 = tpu.vector_load %arg19[%get3A_252, %get3A_253] {strides = array<i32>} : memref<2x64xi32, #tpu.memory_space<vmem>>, vector<1x16xi32>,
    %get3A_255 = vector.shape_cast %get3A_254 : vector<1x16xi32> to vector<16xi32>
    %add3A_256 = arith.constant 1376256 : i32
    %add3A_257 = vector.broadcast %add3A_256 : i32 to vector<16xi32>
    %add3A_258 = arith.addi %get3A_255, %add3A_257 : vector<16xi32>
    %swap3A_259 = arith.constant 0 : i32
    %swap3A_260 = arith.index_cast %swap3A_259 : i32 to index
    %swap3A_261 = arith.constant 0 : index
    %swap3A_262 = tpu.vector_load %arg23[%swap3A_260, %swap3A_261] {strides = array<i32>} : memref<2x64xi32, #tpu.memory_space<vmem>>, vector<1x16xi32>,
    %swap3A_263 = vector.shape_cast %swap3A_262 : vector<1x16xi32> to vector<16xi32>
    %swap3A_264 = vector.shape_cast %add3A_258 : vector<16xi32> to vector<1x16xi32>
    tpu.vector_store %arg23[%swap3A_260, %swap3A_261], %swap3A_264 {strides = array<i32>} : memref<2x64xi32, #tpu.memory_space<vmem>>, vector<1x16xi32>,
    %get3A_265 = arith.constant 0 : i32
    %get3A_266 = arith.index_cast %get3A_265 : i32 to index
    %get3A_267 = arith.constant 16 : index
    %get3A_268 = tpu.vector_load %arg19[%get3A_266, %get3A_267] {strides = array<i32>} : memref<2x64xi32, #tpu.memory_space<vmem>>, vector<1x16xi32>,
    %get3A_269 = vector.shape_cast %get3A_268 : vector<1x16xi32> to vector<16xi32>
    %add3A_270 = arith.constant 1376256 : i32
    %add3A_271 = vector.broadcast %add3A_270 : i32 to vector<16xi32>
    %add3A_272 = arith.addi %get3A_269, %add3A_271 : vector<16xi32>
    %swap3A_273 = arith.constant 0 : i32
    %swap3A_274 = arith.index_cast %swap3A_273 : i32 to index
    %swap3A_275 = arith.constant 16 : index
    %swap3A_276 = tpu.vector_load %arg23[%swap3A_274, %swap3A_275] {strides = array<i32>} : memref<2x64xi32, #tpu.memory_space<vmem>>, vector<1x16xi32>,
    %swap3A_277 = vector.shape_cast %swap3A_276 : vector<1x16xi32> to vector<16xi32>
    %swap3A_278 = vector.shape_cast %add3A_272 : vector<16xi32> to vector<1x16xi32>
    tpu.vector_store %arg23[%swap3A_274, %swap3A_275], %swap3A_278 {strides = array<i32>} : memref<2x64xi32, #tpu.memory_space<vmem>>, vector<1x16xi32>,
    %get3A_279 = arith.constant 0 : i32
    %get3A_280 = arith.index_cast %get3A_279 : i32 to index
    %get3A_281 = arith.constant 32 : index
    %get3A_282 = tpu.vector_load %arg19[%get3A_280, %get3A_281] {strides = array<i32>} : memref<2x64xi32, #tpu.memory_space<vmem>>, vector<1x16xi32>,
    %get3A_283 = vector.shape_cast %get3A_282 : vector<1x16xi32> to vector<16xi32>
    %add3A_284 = arith.constant 1376256 : i32
    %add3A_285 = vector.broadcast %add3A_284 : i32 to vector<16xi32>
    %add3A_286 = arith.addi %get3A_283, %add3A_285 : vector<16xi32>
    %swap3A_287 = arith.constant 0 : i32
    %swap3A_288 = arith.index_cast %swap3A_287 : i32 to index
    %swap3A_289 = arith.constant 32 : index
    %swap3A_290 = tpu.vector_load %arg23[%swap3A_288, %swap3A_289] {strides = array<i32>} : memref<2x64xi32, #tpu.memory_space<vmem>>, vector<1x16xi32>,
    %swap3A_291 = vector.shape_cast %swap3A_290 : vector<1x16xi32> to vector<16xi32>
    %swap3A_292 = vector.shape_cast %add3A_286 : vector<16xi32> to vector<1x16xi32>
    tpu.vector_store %arg23[%swap3A_288, %swap3A_289], %swap3A_292 {strides = array<i32>} : memref<2x64xi32, #tpu.memory_space<vmem>>, vector<1x16xi32>,
    %get3A_293 = arith.constant 0 : i32
    %get3A_294 = arith.index_cast %get3A_293 : i32 to index
    %get3A_295 = arith.constant 48 : index
    %get3A_296 = tpu.vector_load %arg19[%get3A_294, %get3A_295] {strides = array<i32>} : memref<2x64xi32, #tpu.memory_space<vmem>>, vector<1x16xi32>,
    %get3A_297 = vector.shape_cast %get3A_296 : vector<1x16xi32> to vector<16xi32>
    %add3A_298 = arith.constant 1376256 : i32
    %add3A_299 = vector.broadcast %add3A_298 : i32 to vector<16xi32>
    %add3A_300 = arith.addi %get3A_297, %add3A_299 : vector<16xi32>
    %swap3A_301 = arith.constant 0 : i32
    %swap3A_302 = arith.index_cast %swap3A_301 : i32 to index
    %swap3A_303 = arith.constant 48 : index
    %swap3A_304 = tpu.vector_load %arg23[%swap3A_302, %swap3A_303] {strides = array<i32>} : memref<2x64xi32, #tpu.memory_space<vmem>>, vector<1x16xi32>,
    %swap3A_305 = vector.shape_cast %swap3A_304 : vector<1x16xi32> to vector<16xi32>
    %swap3A_306 = vector.shape_cast %add3A_300 : vector<16xi32> to vector<1x16xi32>
    tpu.vector_store %arg23[%swap3A_302, %swap3A_303], %swap3A_306 {strides = array<i32>} : memref<2x64xi32, #tpu.memory_space<vmem>>, vector<1x16xi32>,
    %get3A_307 = arith.constant 1 : i32
    %get3A_308 = arith.index_cast %get3A_307 : i32 to index
    %get3A_309 = arith.constant 0 : index
    %get3A_310 = tpu.vector_load %arg19[%get3A_308, %get3A_309] {strides = array<i32>} : memref<2x64xi32, #tpu.memory_space<vmem>>, vector<1x16xi32>,
    %get3A_311 = vector.shape_cast %get3A_310 : vector<1x16xi32> to vector<16xi32>
    %add3A_312 = arith.constant 1376256 : i32
    %add3A_313 = vector.broadcast %add3A_312 : i32 to vector<16xi32>
    %add3A_314 = arith.addi %get3A_311, %add3A_313 : vector<16xi32>
    %swap3A_315 = arith.constant 1 : i32
    %swap3A_316 = arith.index_cast %swap3A_315 : i32 to index
    %swap3A_317 = arith.constant 0 : index
    %swap3A_318 = tpu.vector_load %arg23[%swap3A_316, %swap3A_317] {strides = array<i32>} : memref<2x64xi32, #tpu.memory_space<vmem>>, vector<1x16xi32>,
    %swap3A_319 = vector.shape_cast %swap3A_318 : vector<1x16xi32> to vector<16xi32>
    %swap3A_320 = vector.shape_cast %add3A_314 : vector<16xi32> to vector<1x16xi32>
    tpu.vector_store %arg23[%swap3A_316, %swap3A_317], %swap3A_320 {strides = array<i32>} : memref<2x64xi32, #tpu.memory_space<vmem>>, vector<1x16xi32>,
    %get3A_321 = arith.constant 1 : i32
    %get3A_322 = arith.index_cast %get3A_321 : i32 to index
    %get3A_323 = arith.constant 16 : index
    %get3A_324 = tpu.vector_load %arg19[%get3A_322, %get3A_323] {strides = array<i32>} : memref<2x64xi32, #tpu.memory_space<vmem>>, vector<1x16xi32>,
    %get3A_325 = vector.shape_cast %get3A_324 : vector<1x16xi32> to vector<16xi32>
    %add3A_326 = arith.constant 1376256 : i32
    %add3A_327 = vector.broadcast %add3A_326 : i32 to vector<16xi32>
    %add3A_328 = arith.addi %get3A_325, %add3A_327 : vector<16xi32>
    %swap3A_329 = arith.constant 1 : i32
    %swap3A_330 = arith.index_cast %swap3A_329 : i32 to index
    %swap3A_331 = arith.constant 16 : index
    %swap3A_332 = tpu.vector_load %arg23[%swap3A_330, %swap3A_331] {strides = array<i32>} : memref<2x64xi32, #tpu.memory_space<vmem>>, vector<1x16xi32>,
    %swap3A_333 = vector.shape_cast %swap3A_332 : vector<1x16xi32> to vector<16xi32>
    %swap3A_334 = vector.shape_cast %add3A_328 : vector<16xi32> to vector<1x16xi32>
    tpu.vector_store %arg23[%swap3A_330, %swap3A_331], %swap3A_334 {strides = array<i32>} : memref<2x64xi32, #tpu.memory_space<vmem>>, vector<1x16xi32>,
    %get3A_335 = arith.constant 1 : i32
    %get3A_336 = arith.index_cast %get3A_335 : i32 to index
    %get3A_337 = arith.constant 32 : index
    %get3A_338 = tpu.vector_load %arg19[%get3A_336, %get3A_337] {strides = array<i32>} : memref<2x64xi32, #tpu.memory_space<vmem>>, vector<1x16xi32>,
    %get3A_339 = vector.shape_cast %get3A_338 : vector<1x16xi32> to vector<16xi32>
    %add3A_340 = arith.constant 1376256 : i32
    %add3A_341 = vector.broadcast %add3A_340 : i32 to vector<16xi32>
    %add3A_342 = arith.addi %get3A_339, %add3A_341 : vector<16xi32>
    %swap3A_343 = arith.constant 1 : i32
    %swap3A_344 = arith.index_cast %swap3A_343 : i32 to index
    %swap3A_345 = arith.constant 32 : index
    %swap3A_346 = tpu.vector_load %arg23[%swap3A_344, %swap3A_345] {strides = array<i32>} : memref<2x64xi32, #tpu.memory_space<vmem>>, vector<1x16xi32>,
    %swap3A_347 = vector.shape_cast %swap3A_346 : vector<1x16xi32> to vector<16xi32>
    %swap3A_348 = vector.shape_cast %add3A_342 : vector<16xi32> to vector<1x16xi32>
    tpu.vector_store %arg23[%swap3A_344, %swap3A_345], %swap3A_348 {strides = array<i32>} : memref<2x64xi32, #tpu.memory_space<vmem>>, vector<1x16xi32>,
    %get3A_349 = arith.constant 1 : i32
    %get3A_350 = arith.index_cast %get3A_349 : i32 to index
    %get3A_351 = arith.constant 48 : index
    %get3A_352 = tpu.vector_load %arg19[%get3A_350, %get3A_351] {strides = array<i32>} : memref<2x64xi32, #tpu.memory_space<vmem>>, vector<1x16xi32>,
    %get3A_353 = vector.shape_cast %get3A_352 : vector<1x16xi32> to vector<16xi32>
    %add3A_354 = arith.constant 1376256 : i32
    %add3A_355 = vector.broadcast %add3A_354 : i32 to vector<16xi32>
    %add3A_356 = arith.addi %get3A_353, %add3A_355 : vector<16xi32>
    %swap3A_357 = arith.constant 1 : i32
    %swap3A_358 = arith.index_cast %swap3A_357 : i32 to index
    %swap3A_359 = arith.constant 48 : index
    %swap3A_360 = tpu.vector_load %arg23[%swap3A_358, %swap3A_359] {strides = array<i32>} : memref<2x64xi32, #tpu.memory_space<vmem>>, vector<1x16xi32>,
    %swap3A_361 = vector.shape_cast %swap3A_360 : vector<1x16xi32> to vector<16xi32>
    %swap3A_362 = vector.shape_cast %add3A_356 : vector<16xi32> to vector<1x16xi32>
    tpu.vector_store %arg23[%swap3A_358, %swap3A_359], %swap3A_362 {strides = array<i32>} : memref<2x64xi32, #tpu.memory_space<vmem>>, vector<1x16xi32>,
    %get3A_363 = arith.constant 0 : i32
    %get3A_364 = arith.index_cast %get3A_363 : i32 to index
    %get3A_365 = arith.constant 0 : index
    %get3A_366 = tpu.vector_load %arg19[%get3A_364, %get3A_365] {strides = array<i32>} : memref<2x64xi32, #tpu.memory_space<vmem>>, vector<1x16xi32>,
    %get3A_367 = vector.shape_cast %get3A_366 : vector<1x16xi32> to vector<16xi32>
    %add3A_368 = arith.constant 2752512 : i32
    %add3A_369 = vector.broadcast %add3A_368 : i32 to vector<16xi32>
    %add3A_370 = arith.addi %get3A_367, %add3A_369 : vector<16xi32>
    %swap3A_371 = arith.constant 0 : i32
    %swap3A_372 = arith.index_cast %swap3A_371 : i32 to index
    %swap3A_373 = arith.constant 0 : index
    %swap3A_374 = tpu.vector_load %arg24[%swap3A_372, %swap3A_373] {strides = array<i32>} : memref<2x64xi32, #tpu.memory_space<vmem>>, vector<1x16xi32>,
    %swap3A_375 = vector.shape_cast %swap3A_374 : vector<1x16xi32> to vector<16xi32>
    %swap3A_376 = vector.shape_cast %add3A_370 : vector<16xi32> to vector<1x16xi32>
    tpu.vector_store %arg24[%swap3A_372, %swap3A_373], %swap3A_376 {strides = array<i32>} : memref<2x64xi32, #tpu.memory_space<vmem>>, vector<1x16xi32>,
    %get3A_377 = arith.constant 0 : i32
    %get3A_378 = arith.index_cast %get3A_377 : i32 to index
    %get3A_379 = arith.constant 16 : index
    %get3A_380 = tpu.vector_load %arg19[%get3A_378, %get3A_379] {strides = array<i32>} : memref<2x64xi32, #tpu.memory_space<vmem>>, vector<1x16xi32>,
    %get3A_381 = vector.shape_cast %get3A_380 : vector<1x16xi32> to vector<16xi32>
    %add3A_382 = arith.constant 2752512 : i32
    %add3A_383 = vector.broadcast %add3A_382 : i32 to vector<16xi32>
    %add3A_384 = arith.addi %get3A_381, %add3A_383 : vector<16xi32>
    %swap3A_385 = arith.constant 0 : i32
    %swap3A_386 = arith.index_cast %swap3A_385 : i32 to index
    %swap3A_387 = arith.constant 16 : index
    %swap3A_388 = tpu.vector_load %arg24[%swap3A_386, %swap3A_387] {strides = array<i32>} : memref<2x64xi32, #tpu.memory_space<vmem>>, vector<1x16xi32>,
    %swap3A_389 = vector.shape_cast %swap3A_388 : vector<1x16xi32> to vector<16xi32>
    %swap3A_390 = vector.shape_cast %add3A_384 : vector<16xi32> to vector<1x16xi32>
    tpu.vector_store %arg24[%swap3A_386, %swap3A_387], %swap3A_390 {strides = array<i32>} : memref<2x64xi32, #tpu.memory_space<vmem>>, vector<1x16xi32>,
    %get3A_391 = arith.constant 0 : i32
    %get3A_392 = arith.index_cast %get3A_391 : i32 to index
    %get3A_393 = arith.constant 32 : index
    %get3A_394 = tpu.vector_load %arg19[%get3A_392, %get3A_393] {strides = array<i32>} : memref<2x64xi32, #tpu.memory_space<vmem>>, vector<1x16xi32>,
    %get3A_395 = vector.shape_cast %get3A_394 : vector<1x16xi32> to vector<16xi32>
    %add3A_396 = arith.constant 2752512 : i32
    %add3A_397 = vector.broadcast %add3A_396 : i32 to vector<16xi32>
    %add3A_398 = arith.addi %get3A_395, %add3A_397 : vector<16xi32>
    %swap3A_399 = arith.constant 0 : i32
    %swap3A_400 = arith.index_cast %swap3A_399 : i32 to index
    %swap3A_401 = arith.constant 32 : index
    %swap3A_402 = tpu.vector_load %arg24[%swap3A_400, %swap3A_401] {strides = array<i32>} : memref<2x64xi32, #tpu.memory_space<vmem>>, vector<1x16xi32>,
    %swap3A_403 = vector.shape_cast %swap3A_402 : vector<1x16xi32> to vector<16xi32>
    %swap3A_404 = vector.shape_cast %add3A_398 : vector<16xi32> to vector<1x16xi32>
    tpu.vector_store %arg24[%swap3A_400, %swap3A_401], %swap3A_404 {strides = array<i32>} : memref<2x64xi32, #tpu.memory_space<vmem>>, vector<1x16xi32>,
    %get3A_405 = arith.constant 0 : i32
    %get3A_406 = arith.index_cast %get3A_405 : i32 to index
    %get3A_407 = arith.constant 48 : index
    %get3A_408 = tpu.vector_load %arg19[%get3A_406, %get3A_407] {strides = array<i32>} : memref<2x64xi32, #tpu.memory_space<vmem>>, vector<1x16xi32>,
    %get3A_409 = vector.shape_cast %get3A_408 : vector<1x16xi32> to vector<16xi32>
    %add3A_410 = arith.constant 2752512 : i32
    %add3A_411 = vector.broadcast %add3A_410 : i32 to vector<16xi32>
    %add3A_412 = arith.addi %get3A_409, %add3A_411 : vector<16xi32>
    %swap3A_413 = arith.constant 0 : i32
    %swap3A_414 = arith.index_cast %swap3A_413 : i32 to index
    %swap3A_415 = arith.constant 48 : index
    %swap3A_416 = tpu.vector_load %arg24[%swap3A_414, %swap3A_415] {strides = array<i32>} : memref<2x64xi32, #tpu.memory_space<vmem>>, vector<1x16xi32>,
    %swap3A_417 = vector.shape_cast %swap3A_416 : vector<1x16xi32> to vector<16xi32>
    %swap3A_418 = vector.shape_cast %add3A_412 : vector<16xi32> to vector<1x16xi32>
    tpu.vector_store %arg24[%swap3A_414, %swap3A_415], %swap3A_418 {strides = array<i32>} : memref<2x64xi32, #tpu.memory_space<vmem>>, vector<1x16xi32>,
    %get3A_419 = arith.constant 1 : i32
    %get3A_420 = arith.index_cast %get3A_419 : i32 to index
    %get3A_421 = arith.constant 0 : index
    %get3A_422 = tpu.vector_load %arg19[%get3A_420, %get3A_421] {strides = array<i32>} : memref<2x64xi32, #tpu.memory_space<vmem>>, vector<1x16xi32>,
    %get3A_423 = vector.shape_cast %get3A_422 : vector<1x16xi32> to vector<16xi32>
    %add3A_424 = arith.constant 2752512 : i32
    %add3A_425 = vector.broadcast %add3A_424 : i32 to vector<16xi32>
    %add3A_426 = arith.addi %get3A_423, %add3A_425 : vector<16xi32>
    %swap3A_427 = arith.constant 1 : i32
    %swap3A_428 = arith.index_cast %swap3A_427 : i32 to index
    %swap3A_429 = arith.constant 0 : index
    %swap3A_430 = tpu.vector_load %arg24[%swap3A_428, %swap3A_429] {strides = array<i32>} : memref<2x64xi32, #tpu.memory_space<vmem>>, vector<1x16xi32>,
    %swap3A_431 = vector.shape_cast %swap3A_430 : vector<1x16xi32> to vector<16xi32>
    %swap3A_432 = vector.shape_cast %add3A_426 : vector<16xi32> to vector<1x16xi32>
    tpu.vector_store %arg24[%swap3A_428, %swap3A_429], %swap3A_432 {strides = array<i32>} : memref<2x64xi32, #tpu.memory_space<vmem>>, vector<1x16xi32>,
    %get3A_433 = arith.constant 1 : i32
    %get3A_434 = arith.index_cast %get3A_433 : i32 to index
    %get3A_435 = arith.constant 16 : index
    %get3A_436 = tpu.vector_load %arg19[%get3A_434, %get3A_435] {strides = array<i32>} : memref<2x64xi32, #tpu.memory_space<vmem>>, vector<1x16xi32>,
    %get3A_437 = vector.shape_cast %get3A_436 : vector<1x16xi32> to vector<16xi32>
    %add3A_438 = arith.constant 2752512 : i32
    %add3A_439 = vector.broadcast %add3A_438 : i32 to vector<16xi32>
    %add3A_440 = arith.addi %get3A_437, %add3A_439 : vector<16xi32>
    %swap3A_441 = arith.constant 1 : i32
    %swap3A_442 = arith.index_cast %swap3A_441 : i32 to index
    %swap3A_443 = arith.constant 16 : index
    %swap3A_444 = tpu.vector_load %arg24[%swap3A_442, %swap3A_443] {strides = array<i32>} : memref<2x64xi32, #tpu.memory_space<vmem>>, vector<1x16xi32>,
    %swap3A_445 = vector.shape_cast %swap3A_444 : vector<1x16xi32> to vector<16xi32>
    %swap3A_446 = vector.shape_cast %add3A_440 : vector<16xi32> to vector<1x16xi32>
    tpu.vector_store %arg24[%swap3A_442, %swap3A_443], %swap3A_446 {strides = array<i32>} : memref<2x64xi32, #tpu.memory_space<vmem>>, vector<1x16xi32>,
    %get3A_447 = arith.constant 1 : i32
    %get3A_448 = arith.index_cast %get3A_447 : i32 to index
    %get3A_449 = arith.constant 32 : index
    %get3A_450 = tpu.vector_load %arg19[%get3A_448, %get3A_449] {strides = array<i32>} : memref<2x64xi32, #tpu.memory_space<vmem>>, vector<1x16xi32>,
    %get3A_451 = vector.shape_cast %get3A_450 : vector<1x16xi32> to vector<16xi32>
    %add3A_452 = arith.constant 2752512 : i32
    %add3A_453 = vector.broadcast %add3A_452 : i32 to vector<16xi32>
    %add3A_454 = arith.addi %get3A_451, %add3A_453 : vector<16xi32>
    %swap3A_455 = arith.constant 1 : i32
    %swap3A_456 = arith.index_cast %swap3A_455 : i32 to index
    %swap3A_457 = arith.constant 32 : index
    %swap3A_458 = tpu.vector_load %arg24[%swap3A_456, %swap3A_457] {strides = array<i32>} : memref<2x64xi32, #tpu.memory_space<vmem>>, vector<1x16xi32>,
    %swap3A_459 = vector.shape_cast %swap3A_458 : vector<1x16xi32> to vector<16xi32>
    %swap3A_460 = vector.shape_cast %add3A_454 : vector<16xi32> to vector<1x16xi32>
    tpu.vector_store %arg24[%swap3A_456, %swap3A_457], %swap3A_460 {strides = array<i32>} : memref<2x64xi32, #tpu.memory_space<vmem>>, vector<1x16xi32>,
    %get3A_461 = arith.constant 1 : i32
    %get3A_462 = arith.index_cast %get3A_461 : i32 to index
    %get3A_463 = arith.constant 48 : index
    %get3A_464 = tpu.vector_load %arg19[%get3A_462, %get3A_463] {strides = array<i32>} : memref<2x64xi32, #tpu.memory_space<vmem>>, vector<1x16xi32>,
    %get3A_465 = vector.shape_cast %get3A_464 : vector<1x16xi32> to vector<16xi32>
    %add3A_466 = arith.constant 2752512 : i32
    %add3A_467 = vector.broadcast %add3A_466 : i32 to vector<16xi32>
    %add3A_468 = arith.addi %get3A_465, %add3A_467 : vector<16xi32>
    %swap3A_469 = arith.constant 1 : i32
    %swap3A_470 = arith.index_cast %swap3A_469 : i32 to index
    %swap3A_471 = arith.constant 48 : index
    %swap3A_472 = tpu.vector_load %arg24[%swap3A_470, %swap3A_471] {strides = array<i32>} : memref<2x64xi32, #tpu.memory_space<vmem>>, vector<1x16xi32>,
    %swap3A_473 = vector.shape_cast %swap3A_472 : vector<1x16xi32> to vector<16xi32>
    %swap3A_474 = vector.shape_cast %add3A_468 : vector<16xi32> to vector<1x16xi32>
    tpu.vector_store %arg24[%swap3A_470, %swap3A_471], %swap3A_474 {strides = array<i32>} : memref<2x64xi32, #tpu.memory_space<vmem>>, vector<1x16xi32>,
    %get3A_475 = arith.constant 0 : i32
    %get3A_476 = arith.index_cast %get3A_475 : i32 to index
    %get3A_477 = arith.constant 0 : index
    %get3A_478 = tpu.vector_load %arg19[%get3A_476, %get3A_477] {strides = array<i32>} : memref<2x64xi32, #tpu.memory_space<vmem>>, vector<1x16xi32>,
    %get3A_479 = vector.shape_cast %get3A_478 : vector<1x16xi32> to vector<16xi32>
    %add3A_480 = arith.constant 4128768 : i32
    %add3A_481 = vector.broadcast %add3A_480 : i32 to vector<16xi32>
    %add3A_482 = arith.addi %get3A_479, %add3A_481 : vector<16xi32>
    %swap3A_483 = arith.constant 0 : i32
    %swap3A_484 = arith.index_cast %swap3A_483 : i32 to index
    %swap3A_485 = arith.constant 0 : index
    %swap3A_486 = tpu.vector_load %arg25[%swap3A_484, %swap3A_485] {strides = array<i32>} : memref<2x64xi32, #tpu.memory_space<vmem>>, vector<1x16xi32>,
    %swap3A_487 = vector.shape_cast %swap3A_486 : vector<1x16xi32> to vector<16xi32>
    %swap3A_488 = vector.shape_cast %add3A_482 : vector<16xi32> to vector<1x16xi32>
    tpu.vector_store %arg25[%swap3A_484, %swap3A_485], %swap3A_488 {strides = array<i32>} : memref<2x64xi32, #tpu.memory_space<vmem>>, vector<1x16xi32>,
    %get3A_489 = arith.constant 0 : i32
    %get3A_490 = arith.index_cast %get3A_489 : i32 to index
    %get3A_491 = arith.constant 16 : index
    %get3A_492 = tpu.vector_load %arg19[%get3A_490, %get3A_491] {strides = array<i32>} : memref<2x64xi32, #tpu.memory_space<vmem>>, vector<1x16xi32>,
    %get3A_493 = vector.shape_cast %get3A_492 : vector<1x16xi32> to vector<16xi32>
    %add3A_494 = arith.constant 4128768 : i32
    %add3A_495 = vector.broadcast %add3A_494 : i32 to vector<16xi32>
    %add3A_496 = arith.addi %get3A_493, %add3A_495 : vector<16xi32>
    %swap3A_497 = arith.constant 0 : i32
    %swap3A_498 = arith.index_cast %swap3A_497 : i32 to index
    %swap3A_499 = arith.constant 16 : index
    %swap3A_500 = tpu.vector_load %arg25[%swap3A_498, %swap3A_499] {strides = array<i32>} : memref<2x64xi32, #tpu.memory_space<vmem>>, vector<1x16xi32>,
    %swap3A_501 = vector.shape_cast %swap3A_500 : vector<1x16xi32> to vector<16xi32>
    %swap3A_502 = vector.shape_cast %add3A_496 : vector<16xi32> to vector<1x16xi32>
    tpu.vector_store %arg25[%swap3A_498, %swap3A_499], %swap3A_502 {strides = array<i32>} : memref<2x64xi32, #tpu.memory_space<vmem>>, vector<1x16xi32>,
    %get3A_503 = arith.constant 0 : i32
    %get3A_504 = arith.index_cast %get3A_503 : i32 to index
    %get3A_505 = arith.constant 32 : index
    %get3A_506 = tpu.vector_load %arg19[%get3A_504, %get3A_505] {strides = array<i32>} : memref<2x64xi32, #tpu.memory_space<vmem>>, vector<1x16xi32>,
    %get3A_507 = vector.shape_cast %get3A_506 : vector<1x16xi32> to vector<16xi32>
    %add3A_508 = arith.constant 4128768 : i32
    %add3A_509 = vector.broadcast %add3A_508 : i32 to vector<16xi32>
    %add3A_510 = arith.addi %get3A_507, %add3A_509 : vector<16xi32>
    %swap3A_511 = arith.constant 0 : i32
    %swap3A_512 = arith.index_cast %swap3A_511 : i32 to index
    %swap3A_513 = arith.constant 32 : index
    %swap3A_514 = tpu.vector_load %arg25[%swap3A_512, %swap3A_513] {strides = array<i32>} : memref<2x64xi32, #tpu.memory_space<vmem>>, vector<1x16xi32>,
    %swap3A_515 = vector.shape_cast %swap3A_514 : vector<1x16xi32> to vector<16xi32>
    %swap3A_516 = vector.shape_cast %add3A_510 : vector<16xi32> to vector<1x16xi32>
    tpu.vector_store %arg25[%swap3A_512, %swap3A_513], %swap3A_516 {strides = array<i32>} : memref<2x64xi32, #tpu.memory_space<vmem>>, vector<1x16xi32>,
    %get3A_517 = arith.constant 0 : i32
    %get3A_518 = arith.index_cast %get3A_517 : i32 to index
    %get3A_519 = arith.constant 48 : index
    %get3A_520 = tpu.vector_load %arg19[%get3A_518, %get3A_519] {strides = array<i32>} : memref<2x64xi32, #tpu.memory_space<vmem>>, vector<1x16xi32>,
    %get3A_521 = vector.shape_cast %get3A_520 : vector<1x16xi32> to vector<16xi32>
    %add3A_522 = arith.constant 4128768 : i32
    %add3A_523 = vector.broadcast %add3A_522 : i32 to vector<16xi32>
    %add3A_524 = arith.addi %get3A_521, %add3A_523 : vector<16xi32>
    %swap3A_525 = arith.constant 0 : i32
    %swap3A_526 = arith.index_cast %swap3A_525 : i32 to index
    %swap3A_527 = arith.constant 48 : index
    %swap3A_528 = tpu.vector_load %arg25[%swap3A_526, %swap3A_527] {strides = array<i32>} : memref<2x64xi32, #tpu.memory_space<vmem>>, vector<1x16xi32>,
    %swap3A_529 = vector.shape_cast %swap3A_528 : vector<1x16xi32> to vector<16xi32>
    %swap3A_530 = vector.shape_cast %add3A_524 : vector<16xi32> to vector<1x16xi32>
    tpu.vector_store %arg25[%swap3A_526, %swap3A_527], %swap3A_530 {strides = array<i32>} : memref<2x64xi32, #tpu.memory_space<vmem>>, vector<1x16xi32>,
    %get3A_531 = arith.constant 1 : i32
    %get3A_532 = arith.index_cast %get3A_531 : i32 to index
    %get3A_533 = arith.constant 0 : index
    %get3A_534 = tpu.vector_load %arg19[%get3A_532, %get3A_533] {strides = array<i32>} : memref<2x64xi32, #tpu.memory_space<vmem>>, vector<1x16xi32>,
    %get3A_535 = vector.shape_cast %get3A_534 : vector<1x16xi32> to vector<16xi32>
    %add3A_536 = arith.constant 4128768 : i32
    %add3A_537 = vector.broadcast %add3A_536 : i32 to vector<16xi32>
    %add3A_538 = arith.addi %get3A_535, %add3A_537 : vector<16xi32>
    %swap3A_539 = arith.constant 1 : i32
    %swap3A_540 = arith.index_cast %swap3A_539 : i32 to index
    %swap3A_541 = arith.constant 0 : index
    %swap3A_542 = tpu.vector_load %arg25[%swap3A_540, %swap3A_541] {strides = array<i32>} : memref<2x64xi32, #tpu.memory_space<vmem>>, vector<1x16xi32>,
    %swap3A_543 = vector.shape_cast %swap3A_542 : vector<1x16xi32> to vector<16xi32>
    %swap3A_544 = vector.shape_cast %add3A_538 : vector<16xi32> to vector<1x16xi32>
    tpu.vector_store %arg25[%swap3A_540, %swap3A_541], %swap3A_544 {strides = array<i32>} : memref<2x64xi32, #tpu.memory_space<vmem>>, vector<1x16xi32>,
    %get3A_545 = arith.constant 1 : i32
    %get3A_546 = arith.index_cast %get3A_545 : i32 to index
    %get3A_547 = arith.constant 16 : index
    %get3A_548 = tpu.vector_load %arg19[%get3A_546, %get3A_547] {strides = array<i32>} : memref<2x64xi32, #tpu.memory_space<vmem>>, vector<1x16xi32>,
    %get3A_549 = vector.shape_cast %get3A_548 : vector<1x16xi32> to vector<16xi32>
    %add3A_550 = arith.constant 4128768 : i32
    %add3A_551 = vector.broadcast %add3A_550 : i32 to vector<16xi32>
    %add3A_552 = arith.addi %get3A_549, %add3A_551 : vector<16xi32>
    %swap3A_553 = arith.constant 1 : i32
    %swap3A_554 = arith.index_cast %swap3A_553 : i32 to index
    %swap3A_555 = arith.constant 16 : index
    %swap3A_556 = tpu.vector_load %arg25[%swap3A_554, %swap3A_555] {strides = array<i32>} : memref<2x64xi32, #tpu.memory_space<vmem>>, vector<1x16xi32>,
    %swap3A_557 = vector.shape_cast %swap3A_556 : vector<1x16xi32> to vector<16xi32>
    %swap3A_558 = vector.shape_cast %add3A_552 : vector<16xi32> to vector<1x16xi32>
    tpu.vector_store %arg25[%swap3A_554, %swap3A_555], %swap3A_558 {strides = array<i32>} : memref<2x64xi32, #tpu.memory_space<vmem>>, vector<1x16xi32>,
    %get3A_559 = arith.constant 1 : i32
    %get3A_560 = arith.index_cast %get3A_559 : i32 to index
    %get3A_561 = arith.constant 32 : index
    %get3A_562 = tpu.vector_load %arg19[%get3A_560, %get3A_561] {strides = array<i32>} : memref<2x64xi32, #tpu.memory_space<vmem>>, vector<1x16xi32>,
    %get3A_563 = vector.shape_cast %get3A_562 : vector<1x16xi32> to vector<16xi32>
    %add3A_564 = arith.constant 4128768 : i32
    %add3A_565 = vector.broadcast %add3A_564 : i32 to vector<16xi32>
    %add3A_566 = arith.addi %get3A_563, %add3A_565 : vector<16xi32>
    %swap3A_567 = arith.constant 1 : i32
    %swap3A_568 = arith.index_cast %swap3A_567 : i32 to index
    %swap3A_569 = arith.constant 32 : index
    %swap3A_570 = tpu.vector_load %arg25[%swap3A_568, %swap3A_569] {strides = array<i32>} : memref<2x64xi32, #tpu.memory_space<vmem>>, vector<1x16xi32>,
    %swap3A_571 = vector.shape_cast %swap3A_570 : vector<1x16xi32> to vector<16xi32>
    %swap3A_572 = vector.shape_cast %add3A_566 : vector<16xi32> to vector<1x16xi32>
    tpu.vector_store %arg25[%swap3A_568, %swap3A_569], %swap3A_572 {strides = array<i32>} : memref<2x64xi32, #tpu.memory_space<vmem>>, vector<1x16xi32>,
    %get3A_573 = arith.constant 1 : i32
    %get3A_574 = arith.index_cast %get3A_573 : i32 to index
    %get3A_575 = arith.constant 48 : index
    %get3A_576 = tpu.vector_load %arg19[%get3A_574, %get3A_575] {strides = array<i32>} : memref<2x64xi32, #tpu.memory_space<vmem>>, vector<1x16xi32>,
    %get3A_577 = vector.shape_cast %get3A_576 : vector<1x16xi32> to vector<16xi32>
    %add3A_578 = arith.constant 4128768 : i32
    %add3A_579 = vector.broadcast %add3A_578 : i32 to vector<16xi32>
    %add3A_580 = arith.addi %get3A_577, %add3A_579 : vector<16xi32>
    %swap3A_581 = arith.constant 1 : i32
    %swap3A_582 = arith.index_cast %swap3A_581 : i32 to index
    %swap3A_583 = arith.constant 48 : index
    %swap3A_584 = tpu.vector_load %arg25[%swap3A_582, %swap3A_583] {strides = array<i32>} : memref<2x64xi32, #tpu.memory_space<vmem>>, vector<1x16xi32>,
    %swap3A_585 = vector.shape_cast %swap3A_584 : vector<1x16xi32> to vector<16xi32>
    %swap3A_586 = vector.shape_cast %add3A_580 : vector<16xi32> to vector<1x16xi32>
    tpu.vector_store %arg25[%swap3A_582, %swap3A_583], %swap3A_586 {strides = array<i32>} : memref<2x64xi32, #tpu.memory_space<vmem>>, vector<1x16xi32>,
    %get3A_587 = arith.constant 0 : i32
    %get3A_588 = arith.index_cast %get3A_587 : i32 to index
    %get3A_589 = arith.constant 0 : index
    %get3A_590 = tpu.vector_load %arg19[%get3A_588, %get3A_589] {strides = array<i32>} : memref<2x64xi32, #tpu.memory_space<vmem>>, vector<1x16xi32>,
    %get3A_591 = vector.shape_cast %get3A_590 : vector<1x16xi32> to vector<16xi32>
    %add3A_592 = arith.constant 5505024 : i32
    %add3A_593 = vector.broadcast %add3A_592 : i32 to vector<16xi32>
    %add3A_594 = arith.addi %get3A_591, %add3A_593 : vector<16xi32>
    %swap3A_595 = arith.constant 0 : i32
    %swap3A_596 = arith.index_cast %swap3A_595 : i32 to index
    %swap3A_597 = arith.constant 0 : index
    %swap3A_598 = tpu.vector_load %arg26[%swap3A_596, %swap3A_597] {strides = array<i32>} : memref<2x64xi32, #tpu.memory_space<vmem>>, vector<1x16xi32>,
    %swap3A_599 = vector.shape_cast %swap3A_598 : vector<1x16xi32> to vector<16xi32>
    %swap3A_600 = vector.shape_cast %add3A_594 : vector<16xi32> to vector<1x16xi32>
    tpu.vector_store %arg26[%swap3A_596, %swap3A_597], %swap3A_600 {strides = array<i32>} : memref<2x64xi32, #tpu.memory_space<vmem>>, vector<1x16xi32>,
    %get3A_601 = arith.constant 0 : i32
    %get3A_602 = arith.index_cast %get3A_601 : i32 to index
    %get3A_603 = arith.constant 16 : index
    %get3A_604 = tpu.vector_load %arg19[%get3A_602, %get3A_603] {strides = array<i32>} : memref<2x64xi32, #tpu.memory_space<vmem>>, vector<1x16xi32>,
    %get3A_605 = vector.shape_cast %get3A_604 : vector<1x16xi32> to vector<16xi32>
    %add3A_606 = arith.constant 5505024 : i32
    %add3A_607 = vector.broadcast %add3A_606 : i32 to vector<16xi32>
    %add3A_608 = arith.addi %get3A_605, %add3A_607 : vector<16xi32>
    %swap3A_609 = arith.constant 0 : i32
    %swap3A_610 = arith.index_cast %swap3A_609 : i32 to index
    %swap3A_611 = arith.constant 16 : index
    %swap3A_612 = tpu.vector_load %arg26[%swap3A_610, %swap3A_611] {strides = array<i32>} : memref<2x64xi32, #tpu.memory_space<vmem>>, vector<1x16xi32>,
    %swap3A_613 = vector.shape_cast %swap3A_612 : vector<1x16xi32> to vector<16xi32>
    %swap3A_614 = vector.shape_cast %add3A_608 : vector<16xi32> to vector<1x16xi32>
    tpu.vector_store %arg26[%swap3A_610, %swap3A_611], %swap3A_614 {strides = array<i32>} : memref<2x64xi32, #tpu.memory_space<vmem>>, vector<1x16xi32>,
    %get3A_615 = arith.constant 0 : i32
    %get3A_616 = arith.index_cast %get3A_615 : i32 to index
    %get3A_617 = arith.constant 32 : index
    %get3A_618 = tpu.vector_load %arg19[%get3A_616, %get3A_617] {strides = array<i32>} : memref<2x64xi32, #tpu.memory_space<vmem>>, vector<1x16xi32>,
    %get3A_619 = vector.shape_cast %get3A_618 : vector<1x16xi32> to vector<16xi32>
    %add3A_620 = arith.constant 5505024 : i32
    %add3A_621 = vector.broadcast %add3A_620 : i32 to vector<16xi32>
    %add3A_622 = arith.addi %get3A_619, %add3A_621 : vector<16xi32>
    %swap3A_623 = arith.constant 0 : i32
    %swap3A_624 = arith.index_cast %swap3A_623 : i32 to index
    %swap3A_625 = arith.constant 32 : index
    %swap3A_626 = tpu.vector_load %arg26[%swap3A_624, %swap3A_625] {strides = array<i32>} : memref<2x64xi32, #tpu.memory_space<vmem>>, vector<1x16xi32>,
    %swap3A_627 = vector.shape_cast %swap3A_626 : vector<1x16xi32> to vector<16xi32>
    %swap3A_628 = vector.shape_cast %add3A_622 : vector<16xi32> to vector<1x16xi32>
    tpu.vector_store %arg26[%swap3A_624, %swap3A_625], %swap3A_628 {strides = array<i32>} : memref<2x64xi32, #tpu.memory_space<vmem>>, vector<1x16xi32>,
    %get3A_629 = arith.constant 0 : i32
    %get3A_630 = arith.index_cast %get3A_629 : i32 to index
    %get3A_631 = arith.constant 48 : index
    %get3A_632 = tpu.vector_load %arg19[%get3A_630, %get3A_631] {strides = array<i32>} : memref<2x64xi32, #tpu.memory_space<vmem>>, vector<1x16xi32>,
    %get3A_633 = vector.shape_cast %get3A_632 : vector<1x16xi32> to vector<16xi32>
    %add3A_634 = arith.constant 5505024 : i32
    %add3A_635 = vector.broadcast %add3A_634 : i32 to vector<16xi32>
    %add3A_636 = arith.addi %get3A_633, %add3A_635 : vector<16xi32>
    %swap3A_637 = arith.constant 0 : i32
    %swap3A_638 = arith.index_cast %swap3A_637 : i32 to index
    %swap3A_639 = arith.constant 48 : index
    %swap3A_640 = tpu.vector_load %arg26[%swap3A_638, %swap3A_639] {strides = array<i32>} : memref<2x64xi32, #tpu.memory_space<vmem>>, vector<1x16xi32>,
    %swap3A_641 = vector.shape_cast %swap3A_640 : vector<1x16xi32> to vector<16xi32>
    %swap3A_642 = vector.shape_cast %add3A_636 : vector<16xi32> to vector<1x16xi32>
    tpu.vector_store %arg26[%swap3A_638, %swap3A_639], %swap3A_642 {strides = array<i32>} : memref<2x64xi32, #tpu.memory_space<vmem>>, vector<1x16xi32>,
    %get3A_643 = arith.constant 1 : i32
    %get3A_644 = arith.index_cast %get3A_643 : i32 to index
    %get3A_645 = arith.constant 0 : index
    %get3A_646 = tpu.vector_load %arg19[%get3A_644, %get3A_645] {strides = array<i32>} : memref<2x64xi32, #tpu.memory_space<vmem>>, vector<1x16xi32>,
    %get3A_647 = vector.shape_cast %get3A_646 : vector<1x16xi32> to vector<16xi32>
    %add3A_648 = arith.constant 5505024 : i32
    %add3A_649 = vector.broadcast %add3A_648 : i32 to vector<16xi32>
    %add3A_650 = arith.addi %get3A_647, %add3A_649 : vector<16xi32>
    %swap3A_651 = arith.constant 1 : i32
    %swap3A_652 = arith.index_cast %swap3A_651 : i32 to index
    %swap3A_653 = arith.constant 0 : index
    %swap3A_654 = tpu.vector_load %arg26[%swap3A_652, %swap3A_653] {strides = array<i32>} : memref<2x64xi32, #tpu.memory_space<vmem>>, vector<1x16xi32>,
    %swap3A_655 = vector.shape_cast %swap3A_654 : vector<1x16xi32> to vector<16xi32>
    %swap3A_656 = vector.shape_cast %add3A_650 : vector<16xi32> to vector<1x16xi32>
    tpu.vector_store %arg26[%swap3A_652, %swap3A_653], %swap3A_656 {strides = array<i32>} : memref<2x64xi32, #tpu.memory_space<vmem>>, vector<1x16xi32>,
    %get3A_657 = arith.constant 1 : i32
    %get3A_658 = arith.index_cast %get3A_657 : i32 to index
    %get3A_659 = arith.constant 16 : index
    %get3A_660 = tpu.vector_load %arg19[%get3A_658, %get3A_659] {strides = array<i32>} : memref<2x64xi32, #tpu.memory_space<vmem>>, vector<1x16xi32>,
    %get3A_661 = vector.shape_cast %get3A_660 : vector<1x16xi32> to vector<16xi32>
    %add3A_662 = arith.constant 5505024 : i32
    %add3A_663 = vector.broadcast %add3A_662 : i32 to vector<16xi32>
    %add3A_664 = arith.addi %get3A_661, %add3A_663 : vector<16xi32>
    %swap3A_665 = arith.constant 1 : i32
    %swap3A_666 = arith.index_cast %swap3A_665 : i32 to index
    %swap3A_667 = arith.constant 16 : index
    %swap3A_668 = tpu.vector_load %arg26[%swap3A_666, %swap3A_667] {strides = array<i32>} : memref<2x64xi32, #tpu.memory_space<vmem>>, vector<1x16xi32>,
    %swap3A_669 = vector.shape_cast %swap3A_668 : vector<1x16xi32> to vector<16xi32>
    %swap3A_670 = vector.shape_cast %add3A_664 : vector<16xi32> to vector<1x16xi32>
    tpu.vector_store %arg26[%swap3A_666, %swap3A_667], %swap3A_670 {strides = array<i32>} : memref<2x64xi32, #tpu.memory_space<vmem>>, vector<1x16xi32>,
    %get3A_671 = arith.constant 1 : i32
    %get3A_672 = arith.index_cast %get3A_671 : i32 to index
    %get3A_673 = arith.constant 32 : index
    %get3A_674 = tpu.vector_load %arg19[%get3A_672, %get3A_673] {strides = array<i32>} : memref<2x64xi32, #tpu.memory_space<vmem>>, vector<1x16xi32>,
    %get3A_675 = vector.shape_cast %get3A_674 : vector<1x16xi32> to vector<16xi32>
    %add3A_676 = arith.constant 5505024 : i32
    %add3A_677 = vector.broadcast %add3A_676 : i32 to vector<16xi32>
    %add3A_678 = arith.addi %get3A_675, %add3A_677 : vector<16xi32>
    %swap3A_679 = arith.constant 1 : i32
    %swap3A_680 = arith.index_cast %swap3A_679 : i32 to index
    %swap3A_681 = arith.constant 32 : index
    %swap3A_682 = tpu.vector_load %arg26[%swap3A_680, %swap3A_681] {strides = array<i32>} : memref<2x64xi32, #tpu.memory_space<vmem>>, vector<1x16xi32>,
    %swap3A_683 = vector.shape_cast %swap3A_682 : vector<1x16xi32> to vector<16xi32>
    %swap3A_684 = vector.shape_cast %add3A_678 : vector<16xi32> to vector<1x16xi32>
    tpu.vector_store %arg26[%swap3A_680, %swap3A_681], %swap3A_684 {strides = array<i32>} : memref<2x64xi32, #tpu.memory_space<vmem>>, vector<1x16xi32>,
    %get3A_685 = arith.constant 1 : i32
    %get3A_686 = arith.index_cast %get3A_685 : i32 to index
    %get3A_687 = arith.constant 48 : index
    %get3A_688 = tpu.vector_load %arg19[%get3A_686, %get3A_687] {strides = array<i32>} : memref<2x64xi32, #tpu.memory_space<vmem>>, vector<1x16xi32>,
    %get3A_689 = vector.shape_cast %get3A_688 : vector<1x16xi32> to vector<16xi32>
    %add3A_690 = arith.constant 5505024 : i32
    %add3A_691 = vector.broadcast %add3A_690 : i32 to vector<16xi32>
    %add3A_692 = arith.addi %get3A_689, %add3A_691 : vector<16xi32>
    %swap3A_693 = arith.constant 1 : i32
    %swap3A_694 = arith.index_cast %swap3A_693 : i32 to index
    %swap3A_695 = arith.constant 48 : index
    %swap3A_696 = tpu.vector_load %arg26[%swap3A_694, %swap3A_695] {strides = array<i32>} : memref<2x64xi32, #tpu.memory_space<vmem>>, vector<1x16xi32>,
    %swap3A_697 = vector.shape_cast %swap3A_696 : vector<1x16xi32> to vector<16xi32>
    %swap3A_698 = vector.shape_cast %add3A_692 : vector<16xi32> to vector<1x16xi32>
    tpu.vector_store %arg26[%swap3A_694, %swap3A_695], %swap3A_698 {strides = array<i32>} : memref<2x64xi32, #tpu.memory_space<vmem>>, vector<1x16xi32>,
    %get3A_699 = arith.constant 0 : i32
    %get3A_700 = arith.index_cast %get3A_699 : i32 to index
    %get3A_701 = arith.constant 0 : index
    %get3A_702 = tpu.vector_load %arg19[%get3A_700, %get3A_701] {strides = array<i32>} : memref<2x64xi32, #tpu.memory_space<vmem>>, vector<1x16xi32>,
    %get3A_703 = vector.shape_cast %get3A_702 : vector<1x16xi32> to vector<16xi32>
    %add3A_704 = arith.constant 6881280 : i32
    %add3A_705 = vector.broadcast %add3A_704 : i32 to vector<16xi32>
    %add3A_706 = arith.addi %get3A_703, %add3A_705 : vector<16xi32>
    %swap3A_707 = arith.constant 0 : i32
    %swap3A_708 = arith.index_cast %swap3A_707 : i32 to index
    %swap3A_709 = arith.constant 0 : index
    %swap3A_710 = tpu.vector_load %arg27[%swap3A_708, %swap3A_709] {strides = array<i32>} : memref<2x64xi32, #tpu.memory_space<vmem>>, vector<1x16xi32>,
    %swap3A_711 = vector.shape_cast %swap3A_710 : vector<1x16xi32> to vector<16xi32>
    %swap3A_712 = vector.shape_cast %add3A_706 : vector<16xi32> to vector<1x16xi32>
    tpu.vector_store %arg27[%swap3A_708, %swap3A_709], %swap3A_712 {strides = array<i32>} : memref<2x64xi32, #tpu.memory_space<vmem>>, vector<1x16xi32>,
    %get3A_713 = arith.constant 0 : i32
    %get3A_714 = arith.index_cast %get3A_713 : i32 to index
    %get3A_715 = arith.constant 16 : index
    %get3A_716 = tpu.vector_load %arg19[%get3A_714, %get3A_715] {strides = array<i32>} : memref<2x64xi32, #tpu.memory_space<vmem>>, vector<1x16xi32>,
    %get3A_717 = vector.shape_cast %get3A_716 : vector<1x16xi32> to vector<16xi32>
    %add3A_718 = arith.constant 6881280 : i32
    %add3A_719 = vector.broadcast %add3A_718 : i32 to vector<16xi32>
    %add3A_720 = arith.addi %get3A_717, %add3A_719 : vector<16xi32>
    %swap3A_721 = arith.constant 0 : i32
    %swap3A_722 = arith.index_cast %swap3A_721 : i32 to index
    %swap3A_723 = arith.constant 16 : index
    %swap3A_724 = tpu.vector_load %arg27[%swap3A_722, %swap3A_723] {strides = array<i32>} : memref<2x64xi32, #tpu.memory_space<vmem>>, vector<1x16xi32>,
    %swap3A_725 = vector.shape_cast %swap3A_724 : vector<1x16xi32> to vector<16xi32>
    %swap3A_726 = vector.shape_cast %add3A_720 : vector<16xi32> to vector<1x16xi32>
    tpu.vector_store %arg27[%swap3A_722, %swap3A_723], %swap3A_726 {strides = array<i32>} : memref<2x64xi32, #tpu.memory_space<vmem>>, vector<1x16xi32>,
    %get3A_727 = arith.constant 0 : i32
    %get3A_728 = arith.index_cast %get3A_727 : i32 to index
    %get3A_729 = arith.constant 32 : index
    %get3A_730 = tpu.vector_load %arg19[%get3A_728, %get3A_729] {strides = array<i32>} : memref<2x64xi32, #tpu.memory_space<vmem>>, vector<1x16xi32>,
    %get3A_731 = vector.shape_cast %get3A_730 : vector<1x16xi32> to vector<16xi32>
    %add3A_732 = arith.constant 6881280 : i32
    %add3A_733 = vector.broadcast %add3A_732 : i32 to vector<16xi32>
    %add3A_734 = arith.addi %get3A_731, %add3A_733 : vector<16xi32>
    %swap3A_735 = arith.constant 0 : i32
    %swap3A_736 = arith.index_cast %swap3A_735 : i32 to index
    %swap3A_737 = arith.constant 32 : index
    %swap3A_738 = tpu.vector_load %arg27[%swap3A_736, %swap3A_737] {strides = array<i32>} : memref<2x64xi32, #tpu.memory_space<vmem>>, vector<1x16xi32>,
    %swap3A_739 = vector.shape_cast %swap3A_738 : vector<1x16xi32> to vector<16xi32>
    %swap3A_740 = vector.shape_cast %add3A_734 : vector<16xi32> to vector<1x16xi32>
    tpu.vector_store %arg27[%swap3A_736, %swap3A_737], %swap3A_740 {strides = array<i32>} : memref<2x64xi32, #tpu.memory_space<vmem>>, vector<1x16xi32>,
    %get3A_741 = arith.constant 0 : i32
    %get3A_742 = arith.index_cast %get3A_741 : i32 to index
    %get3A_743 = arith.constant 48 : index
    %get3A_744 = tpu.vector_load %arg19[%get3A_742, %get3A_743] {strides = array<i32>} : memref<2x64xi32, #tpu.memory_space<vmem>>, vector<1x16xi32>,
    %get3A_745 = vector.shape_cast %get3A_744 : vector<1x16xi32> to vector<16xi32>
    %add3A_746 = arith.constant 6881280 : i32
    %add3A_747 = vector.broadcast %add3A_746 : i32 to vector<16xi32>
    %add3A_748 = arith.addi %get3A_745, %add3A_747 : vector<16xi32>
    %swap3A_749 = arith.constant 0 : i32
    %swap3A_750 = arith.index_cast %swap3A_749 : i32 to index
    %swap3A_751 = arith.constant 48 : index
    %swap3A_752 = tpu.vector_load %arg27[%swap3A_750, %swap3A_751] {strides = array<i32>} : memref<2x64xi32, #tpu.memory_space<vmem>>, vector<1x16xi32>,
    %swap3A_753 = vector.shape_cast %swap3A_752 : vector<1x16xi32> to vector<16xi32>
    %swap3A_754 = vector.shape_cast %add3A_748 : vector<16xi32> to vector<1x16xi32>
    tpu.vector_store %arg27[%swap3A_750, %swap3A_751], %swap3A_754 {strides = array<i32>} : memref<2x64xi32, #tpu.memory_space<vmem>>, vector<1x16xi32>,
    %get3A_755 = arith.constant 1 : i32
    %get3A_756 = arith.index_cast %get3A_755 : i32 to index
    %get3A_757 = arith.constant 0 : index
    %get3A_758 = tpu.vector_load %arg19[%get3A_756, %get3A_757] {strides = array<i32>} : memref<2x64xi32, #tpu.memory_space<vmem>>, vector<1x16xi32>,
    %get3A_759 = vector.shape_cast %get3A_758 : vector<1x16xi32> to vector<16xi32>
    %add3A_760 = arith.constant 6881280 : i32
    %add3A_761 = vector.broadcast %add3A_760 : i32 to vector<16xi32>
    %add3A_762 = arith.addi %get3A_759, %add3A_761 : vector<16xi32>
    %swap3A_763 = arith.constant 1 : i32
    %swap3A_764 = arith.index_cast %swap3A_763 : i32 to index
    %swap3A_765 = arith.constant 0 : index
    %swap3A_766 = tpu.vector_load %arg27[%swap3A_764, %swap3A_765] {strides = array<i32>} : memref<2x64xi32, #tpu.memory_space<vmem>>, vector<1x16xi32>,
    %swap3A_767 = vector.shape_cast %swap3A_766 : vector<1x16xi32> to vector<16xi32>
    %swap3A_768 = vector.shape_cast %add3A_762 : vector<16xi32> to vector<1x16xi32>
    tpu.vector_store %arg27[%swap3A_764, %swap3A_765], %swap3A_768 {strides = array<i32>} : memref<2x64xi32, #tpu.memory_space<vmem>>, vector<1x16xi32>,
    %get3A_769 = arith.constant 1 : i32
    %get3A_770 = arith.index_cast %get3A_769 : i32 to index
    %get3A_771 = arith.constant 16 : index
    %get3A_772 = tpu.vector_load %arg19[%get3A_770, %get3A_771] {strides = array<i32>} : memref<2x64xi32, #tpu.memory_space<vmem>>, vector<1x16xi32>,
    %get3A_773 = vector.shape_cast %get3A_772 : vector<1x16xi32> to vector<16xi32>
    %add3A_774 = arith.constant 6881280 : i32
    %add3A_775 = vector.broadcast %add3A_774 : i32 to vector<16xi32>
    %add3A_776 = arith.addi %get3A_773, %add3A_775 : vector<16xi32>
    %swap3A_777 = arith.constant 1 : i32
    %swap3A_778 = arith.index_cast %swap3A_777 : i32 to index
    %swap3A_779 = arith.constant 16 : index
    %swap3A_780 = tpu.vector_load %arg27[%swap3A_778, %swap3A_779] {strides = array<i32>} : memref<2x64xi32, #tpu.memory_space<vmem>>, vector<1x16xi32>,
    %swap3A_781 = vector.shape_cast %swap3A_780 : vector<1x16xi32> to vector<16xi32>
    %swap3A_782 = vector.shape_cast %add3A_776 : vector<16xi32> to vector<1x16xi32>
    tpu.vector_store %arg27[%swap3A_778, %swap3A_779], %swap3A_782 {strides = array<i32>} : memref<2x64xi32, #tpu.memory_space<vmem>>, vector<1x16xi32>,
    %get3A_783 = arith.constant 1 : i32
    %get3A_784 = arith.index_cast %get3A_783 : i32 to index
    %get3A_785 = arith.constant 32 : index
    %get3A_786 = tpu.vector_load %arg19[%get3A_784, %get3A_785] {strides = array<i32>} : memref<2x64xi32, #tpu.memory_space<vmem>>, vector<1x16xi32>,
    %get3A_787 = vector.shape_cast %get3A_786 : vector<1x16xi32> to vector<16xi32>
    %add3A_788 = arith.constant 6881280 : i32
    %add3A_789 = vector.broadcast %add3A_788 : i32 to vector<16xi32>
    %add3A_790 = arith.addi %get3A_787, %add3A_789 : vector<16xi32>
    %swap3A_791 = arith.constant 1 : i32
    %swap3A_792 = arith.index_cast %swap3A_791 : i32 to index
    %swap3A_793 = arith.constant 32 : index
    %swap3A_794 = tpu.vector_load %arg27[%swap3A_792, %swap3A_793] {strides = array<i32>} : memref<2x64xi32, #tpu.memory_space<vmem>>, vector<1x16xi32>,
    %swap3A_795 = vector.shape_cast %swap3A_794 : vector<1x16xi32> to vector<16xi32>
    %swap3A_796 = vector.shape_cast %add3A_790 : vector<16xi32> to vector<1x16xi32>
    tpu.vector_store %arg27[%swap3A_792, %swap3A_793], %swap3A_796 {strides = array<i32>} : memref<2x64xi32, #tpu.memory_space<vmem>>, vector<1x16xi32>,
    %get3A_797 = arith.constant 1 : i32
    %get3A_798 = arith.index_cast %get3A_797 : i32 to index
    %get3A_799 = arith.constant 48 : index
    %get3A_800 = tpu.vector_load %arg19[%get3A_798, %get3A_799] {strides = array<i32>} : memref<2x64xi32, #tpu.memory_space<vmem>>, vector<1x16xi32>,
    %get3A_801 = vector.shape_cast %get3A_800 : vector<1x16xi32> to vector<16xi32>
    %add3A_802 = arith.constant 6881280 : i32
    %add3A_803 = vector.broadcast %add3A_802 : i32 to vector<16xi32>
    %add3A_804 = arith.addi %get3A_801, %add3A_803 : vector<16xi32>
    %swap3A_805 = arith.constant 1 : i32
    %swap3A_806 = arith.index_cast %swap3A_805 : i32 to index
    %swap3A_807 = arith.constant 48 : index
    %swap3A_808 = tpu.vector_load %arg27[%swap3A_806, %swap3A_807] {strides = array<i32>} : memref<2x64xi32, #tpu.memory_space<vmem>>, vector<1x16xi32>,
    %swap3A_809 = vector.shape_cast %swap3A_808 : vector<1x16xi32> to vector<16xi32>
    %swap3A_810 = vector.shape_cast %add3A_804 : vector<16xi32> to vector<1x16xi32>
    tpu.vector_store %arg27[%swap3A_806, %swap3A_807], %swap3A_810 {strides = array<i32>} : memref<2x64xi32, #tpu.memory_space<vmem>>, vector<1x16xi32>,
    %get3A_811 = arith.constant 0 : i32
    %get3A_812 = arith.index_cast %get3A_811 : i32 to index
    %get3A_813 = arith.constant 0 : index
    %get3A_814 = tpu.vector_load %arg20[%get3A_812, %get3A_813] {strides = array<i32>} : memref<2x64xi32, #tpu.memory_space<vmem>>, vector<1x16xi32>,
    %get3A_815 = vector.shape_cast %get3A_814 : vector<1x16xi32> to vector<16xi32>
    %add3A_816 = arith.constant 8257536 : i32
    %add3A_817 = vector.broadcast %add3A_816 : i32 to vector<16xi32>
    %add3A_818 = arith.addi %get3A_815, %add3A_817 : vector<16xi32>
    %swap3A_819 = arith.constant 0 : i32
    %swap3A_820 = arith.index_cast %swap3A_819 : i32 to index
    %swap3A_821 = arith.constant 0 : index
    %swap3A_822 = tpu.vector_load %arg28[%swap3A_820, %swap3A_821] {strides = array<i32>} : memref<2x64xi32, #tpu.memory_space<vmem>>, vector<1x16xi32>,
    %swap3A_823 = vector.shape_cast %swap3A_822 : vector<1x16xi32> to vector<16xi32>
    %swap3A_824 = vector.shape_cast %add3A_818 : vector<16xi32> to vector<1x16xi32>
    tpu.vector_store %arg28[%swap3A_820, %swap3A_821], %swap3A_824 {strides = array<i32>} : memref<2x64xi32, #tpu.memory_space<vmem>>, vector<1x16xi32>,
    %get3A_825 = arith.constant 0 : i32
    %get3A_826 = arith.index_cast %get3A_825 : i32 to index
    %get3A_827 = arith.constant 16 : index
    %get3A_828 = tpu.vector_load %arg20[%get3A_826, %get3A_827] {strides = array<i32>} : memref<2x64xi32, #tpu.memory_space<vmem>>, vector<1x16xi32>,
    %get3A_829 = vector.shape_cast %get3A_828 : vector<1x16xi32> to vector<16xi32>
    %add3A_830 = arith.constant 8257536 : i32
    %add3A_831 = vector.broadcast %add3A_830 : i32 to vector<16xi32>
    %add3A_832 = arith.addi %get3A_829, %add3A_831 : vector<16xi32>
    %swap3A_833 = arith.constant 0 : i32
    %swap3A_834 = arith.index_cast %swap3A_833 : i32 to index
    %swap3A_835 = arith.constant 16 : index
    %swap3A_836 = tpu.vector_load %arg28[%swap3A_834, %swap3A_835] {strides = array<i32>} : memref<2x64xi32, #tpu.memory_space<vmem>>, vector<1x16xi32>,
    %swap3A_837 = vector.shape_cast %swap3A_836 : vector<1x16xi32> to vector<16xi32>
    %swap3A_838 = vector.shape_cast %add3A_832 : vector<16xi32> to vector<1x16xi32>
    tpu.vector_store %arg28[%swap3A_834, %swap3A_835], %swap3A_838 {strides = array<i32>} : memref<2x64xi32, #tpu.memory_space<vmem>>, vector<1x16xi32>,
    %get3A_839 = arith.constant 0 : i32
    %get3A_840 = arith.index_cast %get3A_839 : i32 to index
    %get3A_841 = arith.constant 32 : index
    %get3A_842 = tpu.vector_load %arg20[%get3A_840, %get3A_841] {strides = array<i32>} : memref<2x64xi32, #tpu.memory_space<vmem>>, vector<1x16xi32>,
    %get3A_843 = vector.shape_cast %get3A_842 : vector<1x16xi32> to vector<16xi32>
    %add3A_844 = arith.constant 8257536 : i32
    %add3A_845 = vector.broadcast %add3A_844 : i32 to vector<16xi32>
    %add3A_846 = arith.addi %get3A_843, %add3A_845 : vector<16xi32>
    %swap3A_847 = arith.constant 0 : i32
    %swap3A_848 = arith.index_cast %swap3A_847 : i32 to index
    %swap3A_849 = arith.constant 32 : index
    %swap3A_850 = tpu.vector_load %arg28[%swap3A_848, %swap3A_849] {strides = array<i32>} : memref<2x64xi32, #tpu.memory_space<vmem>>, vector<1x16xi32>,
    %swap3A_851 = vector.shape_cast %swap3A_850 : vector<1x16xi32> to vector<16xi32>
    %swap3A_852 = vector.shape_cast %add3A_846 : vector<16xi32> to vector<1x16xi32>
    tpu.vector_store %arg28[%swap3A_848, %swap3A_849], %swap3A_852 {strides = array<i32>} : memref<2x64xi32, #tpu.memory_space<vmem>>, vector<1x16xi32>,
    %get3A_853 = arith.constant 0 : i32
    %get3A_854 = arith.index_cast %get3A_853 : i32 to index
    %get3A_855 = arith.constant 48 : index
    %get3A_856 = tpu.vector_load %arg20[%get3A_854, %get3A_855] {strides = array<i32>} : memref<2x64xi32, #tpu.memory_space<vmem>>, vector<1x16xi32>,
    %get3A_857 = vector.shape_cast %get3A_856 : vector<1x16xi32> to vector<16xi32>
    %add3A_858 = arith.constant 8257536 : i32
    %add3A_859 = vector.broadcast %add3A_858 : i32 to vector<16xi32>
    %add3A_860 = arith.addi %get3A_857, %add3A_859 : vector<16xi32>
    %swap3A_861 = arith.constant 0 : i32
    %swap3A_862 = arith.index_cast %swap3A_861 : i32 to index
    %swap3A_863 = arith.constant 48 : index
    %swap3A_864 = tpu.vector_load %arg28[%swap3A_862, %swap3A_863] {strides = array<i32>} : memref<2x64xi32, #tpu.memory_space<vmem>>, vector<1x16xi32>,
    %swap3A_865 = vector.shape_cast %swap3A_864 : vector<1x16xi32> to vector<16xi32>
    %swap3A_866 = vector.shape_cast %add3A_860 : vector<16xi32> to vector<1x16xi32>
    tpu.vector_store %arg28[%swap3A_862, %swap3A_863], %swap3A_866 {strides = array<i32>} : memref<2x64xi32, #tpu.memory_space<vmem>>, vector<1x16xi32>,
    %get3A_867 = arith.constant 1 : i32
    %get3A_868 = arith.index_cast %get3A_867 : i32 to index
    %get3A_869 = arith.constant 0 : index
    %get3A_870 = tpu.vector_load %arg20[%get3A_868, %get3A_869] {strides = array<i32>} : memref<2x64xi32, #tpu.memory_space<vmem>>, vector<1x16xi32>,
    %get3A_871 = vector.shape_cast %get3A_870 : vector<1x16xi32> to vector<16xi32>
    %add3A_872 = arith.constant 8257536 : i32
    %add3A_873 = vector.broadcast %add3A_872 : i32 to vector<16xi32>
    %add3A_874 = arith.addi %get3A_871, %add3A_873 : vector<16xi32>
    %swap3A_875 = arith.constant 1 : i32
    %swap3A_876 = arith.index_cast %swap3A_875 : i32 to index
    %swap3A_877 = arith.constant 0 : index
    %swap3A_878 = tpu.vector_load %arg28[%swap3A_876, %swap3A_877] {strides = array<i32>} : memref<2x64xi32, #tpu.memory_space<vmem>>, vector<1x16xi32>,
    %swap3A_879 = vector.shape_cast %swap3A_878 : vector<1x16xi32> to vector<16xi32>
    %swap3A_880 = vector.shape_cast %add3A_874 : vector<16xi32> to vector<1x16xi32>
    tpu.vector_store %arg28[%swap3A_876, %swap3A_877], %swap3A_880 {strides = array<i32>} : memref<2x64xi32, #tpu.memory_space<vmem>>, vector<1x16xi32>,
    %get3A_881 = arith.constant 1 : i32
    %get3A_882 = arith.index_cast %get3A_881 : i32 to index
    %get3A_883 = arith.constant 16 : index
    %get3A_884 = tpu.vector_load %arg20[%get3A_882, %get3A_883] {strides = array<i32>} : memref<2x64xi32, #tpu.memory_space<vmem>>, vector<1x16xi32>,
    %get3A_885 = vector.shape_cast %get3A_884 : vector<1x16xi32> to vector<16xi32>
    %add3A_886 = arith.constant 8257536 : i32
    %add3A_887 = vector.broadcast %add3A_886 : i32 to vector<16xi32>
    %add3A_888 = arith.addi %get3A_885, %add3A_887 : vector<16xi32>
    %swap3A_889 = arith.constant 1 : i32
    %swap3A_890 = arith.index_cast %swap3A_889 : i32 to index
    %swap3A_891 = arith.constant 16 : index
    %swap3A_892 = tpu.vector_load %arg28[%swap3A_890, %swap3A_891] {strides = array<i32>} : memref<2x64xi32, #tpu.memory_space<vmem>>, vector<1x16xi32>,
    %swap3A_893 = vector.shape_cast %swap3A_892 : vector<1x16xi32> to vector<16xi32>
    %swap3A_894 = vector.shape_cast %add3A_888 : vector<16xi32> to vector<1x16xi32>
    tpu.vector_store %arg28[%swap3A_890, %swap3A_891], %swap3A_894 {strides = array<i32>} : memref<2x64xi32, #tpu.memory_space<vmem>>, vector<1x16xi32>,
    %get3A_895 = arith.constant 1 : i32
    %get3A_896 = arith.index_cast %get3A_895 : i32 to index
    %get3A_897 = arith.constant 32 : index
    %get3A_898 = tpu.vector_load %arg20[%get3A_896, %get3A_897] {strides = array<i32>} : memref<2x64xi32, #tpu.memory_space<vmem>>, vector<1x16xi32>,
    %get3A_899 = vector.shape_cast %get3A_898 : vector<1x16xi32> to vector<16xi32>
    %add3A_900 = arith.constant 8257536 : i32
    %add3A_901 = vector.broadcast %add3A_900 : i32 to vector<16xi32>
    %add3A_902 = arith.addi %get3A_899, %add3A_901 : vector<16xi32>
    %swap3A_903 = arith.constant 1 : i32
    %swap3A_904 = arith.index_cast %swap3A_903 : i32 to index
    %swap3A_905 = arith.constant 32 : index
    %swap3A_906 = tpu.vector_load %arg28[%swap3A_904, %swap3A_905] {strides = array<i32>} : memref<2x64xi32, #tpu.memory_space<vmem>>, vector<1x16xi32>,
    %swap3A_907 = vector.shape_cast %swap3A_906 : vector<1x16xi32> to vector<16xi32>
    %swap3A_908 = vector.shape_cast %add3A_902 : vector<16xi32> to vector<1x16xi32>
    tpu.vector_store %arg28[%swap3A_904, %swap3A_905], %swap3A_908 {strides = array<i32>} : memref<2x64xi32, #tpu.memory_space<vmem>>, vector<1x16xi32>,
    %get3A_909 = arith.constant 1 : i32
    %get3A_910 = arith.index_cast %get3A_909 : i32 to index
    %get3A_911 = arith.constant 48 : index
    %get3A_912 = tpu.vector_load %arg20[%get3A_910, %get3A_911] {strides = array<i32>} : memref<2x64xi32, #tpu.memory_space<vmem>>, vector<1x16xi32>,
    %get3A_913 = vector.shape_cast %get3A_912 : vector<1x16xi32> to vector<16xi32>
    %add3A_914 = arith.constant 8257536 : i32
    %add3A_915 = vector.broadcast %add3A_914 : i32 to vector<16xi32>
    %add3A_916 = arith.addi %get3A_913, %add3A_915 : vector<16xi32>
    %swap3A_917 = arith.constant 1 : i32
    %swap3A_918 = arith.index_cast %swap3A_917 : i32 to index
    %swap3A_919 = arith.constant 48 : index
    %swap3A_920 = tpu.vector_load %arg28[%swap3A_918, %swap3A_919] {strides = array<i32>} : memref<2x64xi32, #tpu.memory_space<vmem>>, vector<1x16xi32>,
    %swap3A_921 = vector.shape_cast %swap3A_920 : vector<1x16xi32> to vector<16xi32>
    %swap3A_922 = vector.shape_cast %add3A_916 : vector<16xi32> to vector<1x16xi32>
    tpu.vector_store %arg28[%swap3A_918, %swap3A_919], %swap3A_922 {strides = array<i32>} : memref<2x64xi32, #tpu.memory_space<vmem>>, vector<1x16xi32>,
    %get3A_923 = arith.constant 0 : i32
    %get3A_924 = arith.index_cast %get3A_923 : i32 to index
    %get3A_925 = arith.constant 0 : index
    %get3A_926 = tpu.vector_load %arg21[%get3A_924, %get3A_925] {strides = array<i32>} : memref<2x64xi32, #tpu.memory_space<vmem>>, vector<1x16xi32>,
    %get3A_927 = vector.shape_cast %get3A_926 : vector<1x16xi32> to vector<16xi32>
    %add3A_928 = arith.constant 8257536 : i32
    %add3A_929 = vector.broadcast %add3A_928 : i32 to vector<16xi32>
    %add3A_930 = arith.addi %get3A_927, %add3A_929 : vector<16xi32>
    %swap3A_931 = arith.constant 0 : i32
    %swap3A_932 = arith.index_cast %swap3A_931 : i32 to index
    %swap3A_933 = arith.constant 0 : index
    %swap3A_934 = tpu.vector_load %arg29[%swap3A_932, %swap3A_933] {strides = array<i32>} : memref<2x64xi32, #tpu.memory_space<vmem>>, vector<1x16xi32>,
    %swap3A_935 = vector.shape_cast %swap3A_934 : vector<1x16xi32> to vector<16xi32>
    %swap3A_936 = vector.shape_cast %add3A_930 : vector<16xi32> to vector<1x16xi32>
    tpu.vector_store %arg29[%swap3A_932, %swap3A_933], %swap3A_936 {strides = array<i32>} : memref<2x64xi32, #tpu.memory_space<vmem>>, vector<1x16xi32>,
    %get3A_937 = arith.constant 0 : i32
    %get3A_938 = arith.index_cast %get3A_937 : i32 to index
    %get3A_939 = arith.constant 16 : index
    %get3A_940 = tpu.vector_load %arg21[%get3A_938, %get3A_939] {strides = array<i32>} : memref<2x64xi32, #tpu.memory_space<vmem>>, vector<1x16xi32>,
    %get3A_941 = vector.shape_cast %get3A_940 : vector<1x16xi32> to vector<16xi32>
    %add3A_942 = arith.constant 8257536 : i32
    %add3A_943 = vector.broadcast %add3A_942 : i32 to vector<16xi32>
    %add3A_944 = arith.addi %get3A_941, %add3A_943 : vector<16xi32>
    %swap3A_945 = arith.constant 0 : i32
    %swap3A_946 = arith.index_cast %swap3A_945 : i32 to index
    %swap3A_947 = arith.constant 16 : index
    %swap3A_948 = tpu.vector_load %arg29[%swap3A_946, %swap3A_947] {strides = array<i32>} : memref<2x64xi32, #tpu.memory_space<vmem>>, vector<1x16xi32>,
    %swap3A_949 = vector.shape_cast %swap3A_948 : vector<1x16xi32> to vector<16xi32>
    %swap3A_950 = vector.shape_cast %add3A_944 : vector<16xi32> to vector<1x16xi32>
    tpu.vector_store %arg29[%swap3A_946, %swap3A_947], %swap3A_950 {strides = array<i32>} : memref<2x64xi32, #tpu.memory_space<vmem>>, vector<1x16xi32>,
    %get3A_951 = arith.constant 0 : i32
    %get3A_952 = arith.index_cast %get3A_951 : i32 to index
    %get3A_953 = arith.constant 32 : index
    %get3A_954 = tpu.vector_load %arg21[%get3A_952, %get3A_953] {strides = array<i32>} : memref<2x64xi32, #tpu.memory_space<vmem>>, vector<1x16xi32>,
    %get3A_955 = vector.shape_cast %get3A_954 : vector<1x16xi32> to vector<16xi32>
    %add3A_956 = arith.constant 8257536 : i32
    %add3A_957 = vector.broadcast %add3A_956 : i32 to vector<16xi32>
    %add3A_958 = arith.addi %get3A_955, %add3A_957 : vector<16xi32>
    %swap3A_959 = arith.constant 0 : i32
    %swap3A_960 = arith.index_cast %swap3A_959 : i32 to index
    %swap3A_961 = arith.constant 32 : index
    %swap3A_962 = tpu.vector_load %arg29[%swap3A_960, %swap3A_961] {strides = array<i32>} : memref<2x64xi32, #tpu.memory_space<vmem>>, vector<1x16xi32>,
    %swap3A_963 = vector.shape_cast %swap3A_962 : vector<1x16xi32> to vector<16xi32>
    %swap3A_964 = vector.shape_cast %add3A_958 : vector<16xi32> to vector<1x16xi32>
    tpu.vector_store %arg29[%swap3A_960, %swap3A_961], %swap3A_964 {strides = array<i32>} : memref<2x64xi32, #tpu.memory_space<vmem>>, vector<1x16xi32>,
    %get3A_965 = arith.constant 0 : i32
    %get3A_966 = arith.index_cast %get3A_965 : i32 to index
    %get3A_967 = arith.constant 48 : index
    %get3A_968 = tpu.vector_load %arg21[%get3A_966, %get3A_967] {strides = array<i32>} : memref<2x64xi32, #tpu.memory_space<vmem>>, vector<1x16xi32>,
    %get3A_969 = vector.shape_cast %get3A_968 : vector<1x16xi32> to vector<16xi32>
    %add3A_970 = arith.constant 8257536 : i32
    %add3A_971 = vector.broadcast %add3A_970 : i32 to vector<16xi32>
    %add3A_972 = arith.addi %get3A_969, %add3A_971 : vector<16xi32>
    %swap3A_973 = arith.constant 0 : i32
    %swap3A_974 = arith.index_cast %swap3A_973 : i32 to index
    %swap3A_975 = arith.constant 48 : index
    %swap3A_976 = tpu.vector_load %arg29[%swap3A_974, %swap3A_975] {strides = array<i32>} : memref<2x64xi32, #tpu.memory_space<vmem>>, vector<1x16xi32>,
    %swap3A_977 = vector.shape_cast %swap3A_976 : vector<1x16xi32> to vector<16xi32>
    %swap3A_978 = vector.shape_cast %add3A_972 : vector<16xi32> to vector<1x16xi32>
    tpu.vector_store %arg29[%swap3A_974, %swap3A_975], %swap3A_978 {strides = array<i32>} : memref<2x64xi32, #tpu.memory_space<vmem>>, vector<1x16xi32>,
    %get3A_979 = arith.constant 1 : i32
    %get3A_980 = arith.index_cast %get3A_979 : i32 to index
    %get3A_981 = arith.constant 0 : index
    %get3A_982 = tpu.vector_load %arg21[%get3A_980, %get3A_981] {strides = array<i32>} : memref<2x64xi32, #tpu.memory_space<vmem>>, vector<1x16xi32>,
    %get3A_983 = vector.shape_cast %get3A_982 : vector<1x16xi32> to vector<16xi32>
    %add3A_984 = arith.constant 8257536 : i32
    %add3A_985 = vector.broadcast %add3A_984 : i32 to vector<16xi32>
    %add3A_986 = arith.addi %get3A_983, %add3A_985 : vector<16xi32>
    %swap3A_987 = arith.constant 1 : i32
    %swap3A_988 = arith.index_cast %swap3A_987 : i32 to index
    %swap3A_989 = arith.constant 0 : index
    %swap3A_990 = tpu.vector_load %arg29[%swap3A_988, %swap3A_989] {strides = array<i32>} : memref<2x64xi32, #tpu.memory_space<vmem>>, vector<1x16xi32>,
    %swap3A_991 = vector.shape_cast %swap3A_990 : vector<1x16xi32> to vector<16xi32>
    %swap3A_992 = vector.shape_cast %add3A_986 : vector<16xi32> to vector<1x16xi32>
    tpu.vector_store %arg29[%swap3A_988, %swap3A_989], %swap3A_992 {strides = array<i32>} : memref<2x64xi32, #tpu.memory_space<vmem>>, vector<1x16xi32>,
    %get3A_993 = arith.constant 1 : i32
    %get3A_994 = arith.index_cast %get3A_993 : i32 to index
    %get3A_995 = arith.constant 16 : index
    %get3A_996 = tpu.vector_load %arg21[%get3A_994, %get3A_995] {strides = array<i32>} : memref<2x64xi32, #tpu.memory_space<vmem>>, vector<1x16xi32>,
    %get3A_997 = vector.shape_cast %get3A_996 : vector<1x16xi32> to vector<16xi32>
    %add3A_998 = arith.constant 8257536 : i32
    %add3A_999 = vector.broadcast %add3A_998 : i32 to vector<16xi32>
    %add3A_1000 = arith.addi %get3A_997, %add3A_999 : vector<16xi32>
    %swap3A_1001 = arith.constant 1 : i32
    %swap3A_1002 = arith.index_cast %swap3A_1001 : i32 to index
    %swap3A_1003 = arith.constant 16 : index
    %swap3A_1004 = tpu.vector_load %arg29[%swap3A_1002, %swap3A_1003] {strides = array<i32>} : memref<2x64xi32, #tpu.memory_space<vmem>>, vector<1x16xi32>,
    %swap3A_1005 = vector.shape_cast %swap3A_1004 : vector<1x16xi32> to vector<16xi32>
    %swap3A_1006 = vector.shape_cast %add3A_1000 : vector<16xi32> to vector<1x16xi32>
    tpu.vector_store %arg29[%swap3A_1002, %swap3A_1003], %swap3A_1006 {strides = array<i32>} : memref<2x64xi32, #tpu.memory_space<vmem>>, vector<1x16xi32>,
    %get3A_1007 = arith.constant 1 : i32
    %get3A_1008 = arith.index_cast %get3A_1007 : i32 to index
    %get3A_1009 = arith.constant 32 : index
    %get3A_1010 = tpu.vector_load %arg21[%get3A_1008, %get3A_1009] {strides = array<i32>} : memref<2x64xi32, #tpu.memory_space<vmem>>, vector<1x16xi32>,
    %get3A_1011 = vector.shape_cast %get3A_1010 : vector<1x16xi32> to vector<16xi32>
    %add3A_1012 = arith.constant 8257536 : i32
    %add3A_1013 = vector.broadcast %add3A_1012 : i32 to vector<16xi32>
    %add3A_1014 = arith.addi %get3A_1011, %add3A_1013 : vector<16xi32>
    %swap3A_1015 = arith.constant 1 : i32
    %swap3A_1016 = arith.index_cast %swap3A_1015 : i32 to index
    %swap3A_1017 = arith.constant 32 : index
    %swap3A_1018 = tpu.vector_load %arg29[%swap3A_1016, %swap3A_1017] {strides = array<i32>} : memref<2x64xi32, #tpu.memory_space<vmem>>, vector<1x16xi32>,
    %swap3A_1019 = vector.shape_cast %swap3A_1018 : vector<1x16xi32> to vector<16xi32>
    %swap3A_1020 = vector.shape_cast %add3A_1014 : vector<16xi32> to vector<1x16xi32>
    tpu.vector_store %arg29[%swap3A_1016, %swap3A_1017], %swap3A_1020 {strides = array<i32>} : memref<2x64xi32, #tpu.memory_space<vmem>>, vector<1x16xi32>,
    %get3A_1021 = arith.constant 1 : i32
    %get3A_1022 = arith.index_cast %get3A_1021 : i32 to index
    %get3A_1023 = arith.constant 48 : index
    %get3A_1024 = tpu.vector_load %arg21[%get3A_1022, %get3A_1023] {strides = array<i32>} : memref<2x64xi32, #tpu.memory_space<vmem>>, vector<1x16xi32>,
    %get3A_1025 = vector.shape_cast %get3A_1024 : vector<1x16xi32> to vector<16xi32>
    %add3A_1026 = arith.constant 8257536 : i32
    %add3A_1027 = vector.broadcast %add3A_1026 : i32 to vector<16xi32>
    %add3A_1028 = arith.addi %get3A_1025, %add3A_1027 : vector<16xi32>
    %swap3A_1029 = arith.constant 1 : i32
    %swap3A_1030 = arith.index_cast %swap3A_1029 : i32 to index
    %swap3A_1031 = arith.constant 48 : index
    %swap3A_1032 = tpu.vector_load %arg29[%swap3A_1030, %swap3A_1031] {strides = array<i32>} : memref<2x64xi32, #tpu.memory_space<vmem>>, vector<1x16xi32>,
    %swap3A_1033 = vector.shape_cast %swap3A_1032 : vector<1x16xi32> to vector<16xi32>
    %swap3A_1034 = vector.shape_cast %add3A_1028 : vector<16xi32> to vector<1x16xi32>
    tpu.vector_store %arg29[%swap3A_1030, %swap3A_1031], %swap3A_1034 {strides = array<i32>} : memref<2x64xi32, #tpu.memory_space<vmem>>, vector<1x16xi32>,
    %get3A_1035 = arith.constant 0 : i32
    %get3A_1036 = arith.index_cast %get3A_1035 : i32 to index
    %get3A_1037 = arith.constant 0 : index
    %get3A_1038 = tpu.vector_load %arg22[%get3A_1036, %get3A_1037] {strides = array<i32>} : memref<2x64xi32, #tpu.memory_space<vmem>>, vector<1x16xi32>,
    %get3A_1039 = vector.shape_cast %get3A_1038 : vector<1x16xi32> to vector<16xi32>
    %add3A_1040 = arith.constant 8257536 : i32
    %add3A_1041 = vector.broadcast %add3A_1040 : i32 to vector<16xi32>
    %add3A_1042 = arith.addi %get3A_1039, %add3A_1041 : vector<16xi32>
    %swap3A_1043 = arith.constant 0 : i32
    %swap3A_1044 = arith.index_cast %swap3A_1043 : i32 to index
    %swap3A_1045 = arith.constant 0 : index
    %swap3A_1046 = tpu.vector_load %arg30[%swap3A_1044, %swap3A_1045] {strides = array<i32>} : memref<2x64xi32, #tpu.memory_space<vmem>>, vector<1x16xi32>,
    %swap3A_1047 = vector.shape_cast %swap3A_1046 : vector<1x16xi32> to vector<16xi32>
    %swap3A_1048 = vector.shape_cast %add3A_1042 : vector<16xi32> to vector<1x16xi32>
    tpu.vector_store %arg30[%swap3A_1044, %swap3A_1045], %swap3A_1048 {strides = array<i32>} : memref<2x64xi32, #tpu.memory_space<vmem>>, vector<1x16xi32>,
    %get3A_1049 = arith.constant 0 : i32
    %get3A_1050 = arith.index_cast %get3A_1049 : i32 to index
    %get3A_1051 = arith.constant 16 : index
    %get3A_1052 = tpu.vector_load %arg22[%get3A_1050, %get3A_1051] {strides = array<i32>} : memref<2x64xi32, #tpu.memory_space<vmem>>, vector<1x16xi32>,
    %get3A_1053 = vector.shape_cast %get3A_1052 : vector<1x16xi32> to vector<16xi32>
    %add3A_1054 = arith.constant 8257536 : i32
    %add3A_1055 = vector.broadcast %add3A_1054 : i32 to vector<16xi32>
    %add3A_1056 = arith.addi %get3A_1053, %add3A_1055 : vector<16xi32>
    %swap3A_1057 = arith.constant 0 : i32
    %swap3A_1058 = arith.index_cast %swap3A_1057 : i32 to index
    %swap3A_1059 = arith.constant 16 : index
    %swap3A_1060 = tpu.vector_load %arg30[%swap3A_1058, %swap3A_1059] {strides = array<i32>} : memref<2x64xi32, #tpu.memory_space<vmem>>, vector<1x16xi32>,
    %swap3A_1061 = vector.shape_cast %swap3A_1060 : vector<1x16xi32> to vector<16xi32>
    %swap3A_1062 = vector.shape_cast %add3A_1056 : vector<16xi32> to vector<1x16xi32>
    tpu.vector_store %arg30[%swap3A_1058, %swap3A_1059], %swap3A_1062 {strides = array<i32>} : memref<2x64xi32, #tpu.memory_space<vmem>>, vector<1x16xi32>,
    %get3A_1063 = arith.constant 0 : i32
    %get3A_1064 = arith.index_cast %get3A_1063 : i32 to index
    %get3A_1065 = arith.constant 32 : index
    %get3A_1066 = tpu.vector_load %arg22[%get3A_1064, %get3A_1065] {strides = array<i32>} : memref<2x64xi32, #tpu.memory_space<vmem>>, vector<1x16xi32>,
    %get3A_1067 = vector.shape_cast %get3A_1066 : vector<1x16xi32> to vector<16xi32>
    %add3A_1068 = arith.constant 8257536 : i32
    %add3A_1069 = vector.broadcast %add3A_1068 : i32 to vector<16xi32>
    %add3A_1070 = arith.addi %get3A_1067, %add3A_1069 : vector<16xi32>
    %swap3A_1071 = arith.constant 0 : i32
    %swap3A_1072 = arith.index_cast %swap3A_1071 : i32 to index
    %swap3A_1073 = arith.constant 32 : index
    %swap3A_1074 = tpu.vector_load %arg30[%swap3A_1072, %swap3A_1073] {strides = array<i32>} : memref<2x64xi32, #tpu.memory_space<vmem>>, vector<1x16xi32>,
    %swap3A_1075 = vector.shape_cast %swap3A_1074 : vector<1x16xi32> to vector<16xi32>
    %swap3A_1076 = vector.shape_cast %add3A_1070 : vector<16xi32> to vector<1x16xi32>
    tpu.vector_store %arg30[%swap3A_1072, %swap3A_1073], %swap3A_1076 {strides = array<i32>} : memref<2x64xi32, #tpu.memory_space<vmem>>, vector<1x16xi32>,
    %get3A_1077 = arith.constant 0 : i32
    %get3A_1078 = arith.index_cast %get3A_1077 : i32 to index
    %get3A_1079 = arith.constant 48 : index
    %get3A_1080 = tpu.vector_load %arg22[%get3A_1078, %get3A_1079] {strides = array<i32>} : memref<2x64xi32, #tpu.memory_space<vmem>>, vector<1x16xi32>,
    %get3A_1081 = vector.shape_cast %get3A_1080 : vector<1x16xi32> to vector<16xi32>
    %add3A_1082 = arith.constant 8257536 : i32
    %add3A_1083 = vector.broadcast %add3A_1082 : i32 to vector<16xi32>
    %add3A_1084 = arith.addi %get3A_1081, %add3A_1083 : vector<16xi32>
    %swap3A_1085 = arith.constant 0 : i32
    %swap3A_1086 = arith.index_cast %swap3A_1085 : i32 to index
    %swap3A_1087 = arith.constant 48 : index
    %swap3A_1088 = tpu.vector_load %arg30[%swap3A_1086, %swap3A_1087] {strides = array<i32>} : memref<2x64xi32, #tpu.memory_space<vmem>>, vector<1x16xi32>,
    %swap3A_1089 = vector.shape_cast %swap3A_1088 : vector<1x16xi32> to vector<16xi32>
    %swap3A_1090 = vector.shape_cast %add3A_1084 : vector<16xi32> to vector<1x16xi32>
    tpu.vector_store %arg30[%swap3A_1086, %swap3A_1087], %swap3A_1090 {strides = array<i32>} : memref<2x64xi32, #tpu.memory_space<vmem>>, vector<1x16xi32>,
    %get3A_1091 = arith.constant 1 : i32
    %get3A_1092 = arith.index_cast %get3A_1091 : i32 to index
    %get3A_1093 = arith.constant 0 : index
    %get3A_1094 = tpu.vector_load %arg22[%get3A_1092, %get3A_1093] {strides = array<i32>} : memref<2x64xi32, #tpu.memory_space<vmem>>, vector<1x16xi32>,
    %get3A_1095 = vector.shape_cast %get3A_1094 : vector<1x16xi32> to vector<16xi32>
    %add3A_1096 = arith.constant 8257536 : i32
    %add3A_1097 = vector.broadcast %add3A_1096 : i32 to vector<16xi32>
    %add3A_1098 = arith.addi %get3A_1095, %add3A_1097 : vector<16xi32>
    %swap3A_1099 = arith.constant 1 : i32
    %swap3A_1100 = arith.index_cast %swap3A_1099 : i32 to index
    %swap3A_1101 = arith.constant 0 : index
    %swap3A_1102 = tpu.vector_load %arg30[%swap3A_1100, %swap3A_1101] {strides = array<i32>} : memref<2x64xi32, #tpu.memory_space<vmem>>, vector<1x16xi32>,
    %swap3A_1103 = vector.shape_cast %swap3A_1102 : vector<1x16xi32> to vector<16xi32>
    %swap3A_1104 = vector.shape_cast %add3A_1098 : vector<16xi32> to vector<1x16xi32>
    tpu.vector_store %arg30[%swap3A_1100, %swap3A_1101], %swap3A_1104 {strides = array<i32>} : memref<2x64xi32, #tpu.memory_space<vmem>>, vector<1x16xi32>,
    %get3A_1105 = arith.constant 1 : i32
    %get3A_1106 = arith.index_cast %get3A_1105 : i32 to index
    %get3A_1107 = arith.constant 16 : index
    %get3A_1108 = tpu.vector_load %arg22[%get3A_1106, %get3A_1107] {strides = array<i32>} : memref<2x64xi32, #tpu.memory_space<vmem>>, vector<1x16xi32>,
    %get3A_1109 = vector.shape_cast %get3A_1108 : vector<1x16xi32> to vector<16xi32>
    %add3A_1110 = arith.constant 8257536 : i32
    %add3A_1111 = vector.broadcast %add3A_1110 : i32 to vector<16xi32>
    %add3A_1112 = arith.addi %get3A_1109, %add3A_1111 : vector<16xi32>
    %swap3A_1113 = arith.constant 1 : i32
    %swap3A_1114 = arith.index_cast %swap3A_1113 : i32 to index
    %swap3A_1115 = arith.constant 16 : index
    %swap3A_1116 = tpu.vector_load %arg30[%swap3A_1114, %swap3A_1115] {strides = array<i32>} : memref<2x64xi32, #tpu.memory_space<vmem>>, vector<1x16xi32>,
    %swap3A_1117 = vector.shape_cast %swap3A_1116 : vector<1x16xi32> to vector<16xi32>
    %swap3A_1118 = vector.shape_cast %add3A_1112 : vector<16xi32> to vector<1x16xi32>
    tpu.vector_store %arg30[%swap3A_1114, %swap3A_1115], %swap3A_1118 {strides = array<i32>} : memref<2x64xi32, #tpu.memory_space<vmem>>, vector<1x16xi32>,
    %get3A_1119 = arith.constant 1 : i32
    %get3A_1120 = arith.index_cast %get3A_1119 : i32 to index
    %get3A_1121 = arith.constant 32 : index
    %get3A_1122 = tpu.vector_load %arg22[%get3A_1120, %get3A_1121] {strides = array<i32>} : memref<2x64xi32, #tpu.memory_space<vmem>>, vector<1x16xi32>,
    %get3A_1123 = vector.shape_cast %get3A_1122 : vector<1x16xi32> to vector<16xi32>
    %add3A_1124 = arith.constant 8257536 : i32
    %add3A_1125 = vector.broadcast %add3A_1124 : i32 to vector<16xi32>
    %add3A_1126 = arith.addi %get3A_1123, %add3A_1125 : vector<16xi32>
    %swap3A_1127 = arith.constant 1 : i32
    %swap3A_1128 = arith.index_cast %swap3A_1127 : i32 to index
    %swap3A_1129 = arith.constant 32 : index
    %swap3A_1130 = tpu.vector_load %arg30[%swap3A_1128, %swap3A_1129] {strides = array<i32>} : memref<2x64xi32, #tpu.memory_space<vmem>>, vector<1x16xi32>,
    %swap3A_1131 = vector.shape_cast %swap3A_1130 : vector<1x16xi32> to vector<16xi32>
    %swap3A_1132 = vector.shape_cast %add3A_1126 : vector<16xi32> to vector<1x16xi32>
    tpu.vector_store %arg30[%swap3A_1128, %swap3A_1129], %swap3A_1132 {strides = array<i32>} : memref<2x64xi32, #tpu.memory_space<vmem>>, vector<1x16xi32>,
    %get3A_1133 = arith.constant 1 : i32
    %get3A_1134 = arith.index_cast %get3A_1133 : i32 to index
    %get3A_1135 = arith.constant 48 : index
    %get3A_1136 = tpu.vector_load %arg22[%get3A_1134, %get3A_1135] {strides = array<i32>} : memref<2x64xi32, #tpu.memory_space<vmem>>, vector<1x16xi32>,
    %get3A_1137 = vector.shape_cast %get3A_1136 : vector<1x16xi32> to vector<16xi32>
    %add3A_1138 = arith.constant 8257536 : i32
    %add3A_1139 = vector.broadcast %add3A_1138 : i32 to vector<16xi32>
    %add3A_1140 = arith.addi %get3A_1137, %add3A_1139 : vector<16xi32>
    %swap3A_1141 = arith.constant 1 : i32
    %swap3A_1142 = arith.index_cast %swap3A_1141 : i32 to index
    %swap3A_1143 = arith.constant 48 : index
    %swap3A_1144 = tpu.vector_load %arg30[%swap3A_1142, %swap3A_1143] {strides = array<i32>} : memref<2x64xi32, #tpu.memory_space<vmem>>, vector<1x16xi32>,
    %swap3A_1145 = vector.shape_cast %swap3A_1144 : vector<1x16xi32> to vector<16xi32>
    %swap3A_1146 = vector.shape_cast %add3A_1140 : vector<16xi32> to vector<1x16xi32>
    tpu.vector_store %arg30[%swap3A_1142, %swap3A_1143], %swap3A_1146 {strides = array<i32>} : memref<2x64xi32, #tpu.memory_space<vmem>>, vector<1x16xi32>,
    %dma_wait3A_1147 = tpu.memref_slice %arg11[%add3A_48] : memref<9633792xf32, #tpu.memory_space<hbm>> -> memref<21504xf32, #tpu.memory_space<hbm>>
    %dma_wait3A_1148 = tpu.memref_slice %arg11[%add3A_48] : memref<9633792xf32, #tpu.memory_space<hbm>> -> memref<21504xf32, #tpu.memory_space<hbm>>
    tpu.wait_dma2 semaphore(%arg32 : memref<!tpu.dma_semaphore, #tpu.memory_space<semaphore_mem>>) src(%arg12 : memref<21504xf32, #tpu.memory_space<vmem>>) dst(%dma_wait3A_1148 : memref<21504xf32, #tpu.memory_space<hbm>>)
    %dma_wait3A_1149 = tpu.memref_slice %arg11[%add3A_54] : memref<9633792xf32, #tpu.memory_space<hbm>> -> memref<21504xf32, #tpu.memory_space<hbm>>
    %dma_wait3A_1150 = tpu.memref_slice %arg11[%add3A_54] : memref<9633792xf32, #tpu.memory_space<hbm>> -> memref<21504xf32, #tpu.memory_space<hbm>>
    tpu.wait_dma2 semaphore(%arg32 : memref<!tpu.dma_semaphore, #tpu.memory_space<semaphore_mem>>) src(%arg12 : memref<21504xf32, #tpu.memory_space<vmem>>) dst(%dma_wait3A_1150 : memref<21504xf32, #tpu.memory_space<hbm>>)
    %dma_wait3A_1151 = tpu.memref_slice %arg11[%add3A_60] : memref<9633792xf32, #tpu.memory_space<hbm>> -> memref<21504xf32, #tpu.memory_space<hbm>>
    %dma_wait3A_1152 = tpu.memref_slice %arg11[%add3A_60] : memref<9633792xf32, #tpu.memory_space<hbm>> -> memref<21504xf32, #tpu.memory_space<hbm>>
    tpu.wait_dma2 semaphore(%arg32 : memref<!tpu.dma_semaphore, #tpu.memory_space<semaphore_mem>>) src(%arg12 : memref<21504xf32, #tpu.memory_space<vmem>>) dst(%dma_wait3A_1152 : memref<21504xf32, #tpu.memory_space<hbm>>)
    %dma_wait3A_1153 = tpu.memref_slice %arg11[%add3A_66] : memref<9633792xf32, #tpu.memory_space<hbm>> -> memref<21504xf32, #tpu.memory_space<hbm>>
    %dma_wait3A_1154 = tpu.memref_slice %arg11[%add3A_66] : memref<9633792xf32, #tpu.memory_space<hbm>> -> memref<21504xf32, #tpu.memory_space<hbm>>
    tpu.wait_dma2 semaphore(%arg32 : memref<!tpu.dma_semaphore, #tpu.memory_space<semaphore_mem>>) src(%arg12 : memref<21504xf32, #tpu.memory_space<vmem>>) dst(%dma_wait3A_1154 : memref<21504xf32, #tpu.memory_space<hbm>>)
    %dma_wait3A_1155 = tpu.memref_slice %arg11[%add3A_72] : memref<9633792xf32, #tpu.memory_space<hbm>> -> memref<21504xf32, #tpu.memory_space<hbm>>
    %dma_wait3A_1156 = tpu.memref_slice %arg11[%add3A_72] : memref<9633792xf32, #tpu.memory_space<hbm>> -> memref<21504xf32, #tpu.memory_space<hbm>>
    tpu.wait_dma2 semaphore(%arg32 : memref<!tpu.dma_semaphore, #tpu.memory_space<semaphore_mem>>) src(%arg12 : memref<21504xf32, #tpu.memory_space<vmem>>) dst(%dma_wait3A_1156 : memref<21504xf32, #tpu.memory_space<hbm>>)
    %dma_wait3A_1157 = tpu.memref_slice %arg11[%add3A_78] : memref<9633792xf32, #tpu.memory_space<hbm>> -> memref<21504xf32, #tpu.memory_space<hbm>>
    %dma_wait3A_1158 = tpu.memref_slice %arg11[%add3A_78] : memref<9633792xf32, #tpu.memory_space<hbm>> -> memref<21504xf32, #tpu.memory_space<hbm>>
    tpu.wait_dma2 semaphore(%arg32 : memref<!tpu.dma_semaphore, #tpu.memory_space<semaphore_mem>>) src(%arg12 : memref<21504xf32, #tpu.memory_space<vmem>>) dst(%dma_wait3A_1158 : memref<21504xf32, #tpu.memory_space<hbm>>)
    %dma_wait3A_1159 = tpu.memref_slice %arg11[%add3A_84] : memref<9633792xf32, #tpu.memory_space<hbm>> -> memref<21504xf32, #tpu.memory_space<hbm>>
    %dma_wait3A_1160 = tpu.memref_slice %arg11[%add3A_84] : memref<9633792xf32, #tpu.memory_space<hbm>> -> memref<21504xf32, #tpu.memory_space<hbm>>
    tpu.wait_dma2 semaphore(%arg32 : memref<!tpu.dma_semaphore, #tpu.memory_space<semaphore_mem>>) src(%arg12 : memref<21504xf32, #tpu.memory_space<vmem>>) dst(%dma_wait3A_1160 : memref<21504xf32, #tpu.memory_space<hbm>>)
    %dma_wait3A_1161 = tpu.memref_slice %arg11[%add3A_90] : memref<9633792xf32, #tpu.memory_space<hbm>> -> memref<21504xf32, #tpu.memory_space<hbm>>
    %dma_wait3A_1162 = tpu.memref_slice %arg11[%add3A_90] : memref<9633792xf32, #tpu.memory_space<hbm>> -> memref<21504xf32, #tpu.memory_space<hbm>>
    tpu.wait_dma2 semaphore(%arg32 : memref<!tpu.dma_semaphore, #tpu.memory_space<semaphore_mem>>) src(%arg12 : memref<21504xf32, #tpu.memory_space<vmem>>) dst(%dma_wait3A_1162 : memref<21504xf32, #tpu.memory_space<hbm>>)
    %dma_wait3A_1163 = tpu.memref_slice %arg11[%add3A_96] : memref<9633792xf32, #tpu.memory_space<hbm>> -> memref<21504xf32, #tpu.memory_space<hbm>>
    %dma_wait3A_1164 = tpu.memref_slice %arg11[%add3A_96] : memref<9633792xf32, #tpu.memory_space<hbm>> -> memref<21504xf32, #tpu.memory_space<hbm>>
    tpu.wait_dma2 semaphore(%arg32 : memref<!tpu.dma_semaphore, #tpu.memory_space<semaphore_mem>>) src(%arg12 : memref<21504xf32, #tpu.memory_space<vmem>>) dst(%dma_wait3A_1164 : memref<21504xf32, #tpu.memory_space<hbm>>)
    %dma_wait3A_1165 = tpu.memref_slice %arg11[%add3A_102] : memref<9633792xf32, #tpu.memory_space<hbm>> -> memref<21504xf32, #tpu.memory_space<hbm>>
    %dma_wait3A_1166 = tpu.memref_slice %arg11[%add3A_102] : memref<9633792xf32, #tpu.memory_space<hbm>> -> memref<21504xf32, #tpu.memory_space<hbm>>
    tpu.wait_dma2 semaphore(%arg32 : memref<!tpu.dma_semaphore, #tpu.memory_space<semaphore_mem>>) src(%arg12 : memref<21504xf32, #tpu.memory_space<vmem>>) dst(%dma_wait3A_1166 : memref<21504xf32, #tpu.memory_space<hbm>>)
    %dma_wait3A_1167 = tpu.memref_slice %arg11[%add3A_108] : memref<9633792xf32, #tpu.memory_space<hbm>> -> memref<21504xf32, #tpu.memory_space<hbm>>
    %dma_wait3A_1168 = tpu.memref_slice %arg11[%add3A_108] : memref<9633792xf32, #tpu.memory_space<hbm>> -> memref<21504xf32, #tpu.memory_space<hbm>>
    tpu.wait_dma2 semaphore(%arg32 : memref<!tpu.dma_semaphore, #tpu.memory_space<semaphore_mem>>) src(%arg12 : memref<21504xf32, #tpu.memory_space<vmem>>) dst(%dma_wait3A_1168 : memref<21504xf32, #tpu.memory_space<hbm>>)
    %dma_wait3A_1169 = tpu.memref_slice %arg11[%add3A_114] : memref<9633792xf32, #tpu.memory_space<hbm>> -> memref<21504xf32, #tpu.memory_space<hbm>>
    %dma_wait3A_1170 = tpu.memref_slice %arg11[%add3A_114] : memref<9633792xf32, #tpu.memory_space<hbm>> -> memref<21504xf32, #tpu.memory_space<hbm>>
    tpu.wait_dma2 semaphore(%arg32 : memref<!tpu.dma_semaphore, #tpu.memory_space<semaphore_mem>>) src(%arg12 : memref<21504xf32, #tpu.memory_space<vmem>>) dst(%dma_wait3A_1170 : memref<21504xf32, #tpu.memory_space<hbm>>)
    %dma_wait3A_1171 = tpu.memref_slice %arg11[%add3A_120] : memref<9633792xf32, #tpu.memory_space<hbm>> -> memref<21504xf32, #tpu.memory_space<hbm>>
    %dma_wait3A_1172 = tpu.memref_slice %arg11[%add3A_120] : memref<9633792xf32, #tpu.memory_space<hbm>> -> memref<21504xf32, #tpu.memory_space<hbm>>
    tpu.wait_dma2 semaphore(%arg32 : memref<!tpu.dma_semaphore, #tpu.memory_space<semaphore_mem>>) src(%arg12 : memref<21504xf32, #tpu.memory_space<vmem>>) dst(%dma_wait3A_1172 : memref<21504xf32, #tpu.memory_space<hbm>>)
    %dma_wait3A_1173 = tpu.memref_slice %arg11[%add3A_126] : memref<9633792xf32, #tpu.memory_space<hbm>> -> memref<21504xf32, #tpu.memory_space<hbm>>
    %dma_wait3A_1174 = tpu.memref_slice %arg11[%add3A_126] : memref<9633792xf32, #tpu.memory_space<hbm>> -> memref<21504xf32, #tpu.memory_space<hbm>>
    tpu.wait_dma2 semaphore(%arg32 : memref<!tpu.dma_semaphore, #tpu.memory_space<semaphore_mem>>) src(%arg12 : memref<21504xf32, #tpu.memory_space<vmem>>) dst(%dma_wait3A_1174 : memref<21504xf32, #tpu.memory_space<hbm>>)
    %dma_start3A_1175 = arith.constant 0 : i32
    %dma_start3A_1176 = arith.constant 0 : i32
    %dma_start3A_1177 = arith.constant 0 : i32
    %dma_start3A_1178 = tpu.memref_slice %arg13[%dma_start3A_1175, %dma_start3A_1177] : memref<2x64xf32, #tpu.memory_space<vmem>> -> memref<1x64xf32, #tpu.memory_space<vmem>>
    %dma_start3A_1179 = tpu.memref_squeeze %dma_start3A_1178 : memref<1x64xf32, #tpu.memory_space<vmem>> -> memref<64xf32, #tpu.memory_space<vmem>>
    %dma_start3A_1180 = arith.constant 0 : i32
    %dma_start3A_1181 = tpu.memref_slice %arg19[%dma_start3A_1176, %dma_start3A_1180] : memref<2x64xi32, #tpu.memory_space<vmem>> -> memref<1x64xi32, #tpu.memory_space<vmem>>
    %dma_start3A_1182 = tpu.memref_squeeze %dma_start3A_1181 : memref<1x64xi32, #tpu.memory_space<vmem>> -> memref<64xi32, #tpu.memory_space<vmem>>
    %dma_start3A_1183 = arith.constant 0 : i32
    %dma_start3A_1184 = tpu.memref_slice %arg11[%dma_start3A_1183] : memref<9633792xf32, #tpu.memory_space<hbm>> -> memref<9633792xf32, #tpu.memory_space<hbm>>
    tpu.enqueue_indirect_dma source(%dma_start3A_1179 : memref<64xf32, #tpu.memory_space<vmem>>) target(%dma_start3A_1184 : memref<9633792xf32, #tpu.memory_space<hbm>>) offsets(%dma_start3A_1182 : memref<64xi32, #tpu.memory_space<vmem>>) semaphore(%arg33 : memref<!tpu.dma_semaphore, #tpu.memory_space<semaphore_mem>>)
    %dma_start3A_1185 = arith.constant 0 : i32
    %dma_start3A_1186 = arith.constant 0 : i32
    %dma_start3A_1187 = arith.constant 0 : i32
    %dma_start3A_1188 = tpu.memref_slice %arg14[%dma_start3A_1185, %dma_start3A_1187] : memref<2x64xf32, #tpu.memory_space<vmem>> -> memref<1x64xf32, #tpu.memory_space<vmem>>
    %dma_start3A_1189 = tpu.memref_squeeze %dma_start3A_1188 : memref<1x64xf32, #tpu.memory_space<vmem>> -> memref<64xf32, #tpu.memory_space<vmem>>
    %dma_start3A_1190 = arith.constant 0 : i32
    %dma_start3A_1191 = tpu.memref_slice %arg23[%dma_start3A_1186, %dma_start3A_1190] : memref<2x64xi32, #tpu.memory_space<vmem>> -> memref<1x64xi32, #tpu.memory_space<vmem>>
    %dma_start3A_1192 = tpu.memref_squeeze %dma_start3A_1191 : memref<1x64xi32, #tpu.memory_space<vmem>> -> memref<64xi32, #tpu.memory_space<vmem>>
    %dma_start3A_1193 = arith.constant 0 : i32
    %dma_start3A_1194 = tpu.memref_slice %arg11[%dma_start3A_1193] : memref<9633792xf32, #tpu.memory_space<hbm>> -> memref<9633792xf32, #tpu.memory_space<hbm>>
    tpu.enqueue_indirect_dma source(%dma_start3A_1189 : memref<64xf32, #tpu.memory_space<vmem>>) target(%dma_start3A_1194 : memref<9633792xf32, #tpu.memory_space<hbm>>) offsets(%dma_start3A_1192 : memref<64xi32, #tpu.memory_space<vmem>>) semaphore(%arg33 : memref<!tpu.dma_semaphore, #tpu.memory_space<semaphore_mem>>)
    %dma_start3A_1195 = arith.constant 0 : i32
    %dma_start3A_1196 = arith.constant 0 : i32
    %dma_start3A_1197 = arith.constant 0 : i32
    %dma_start3A_1198 = tpu.memref_slice %arg15[%dma_start3A_1195, %dma_start3A_1197] : memref<2x64xf32, #tpu.memory_space<vmem>> -> memref<1x64xf32, #tpu.memory_space<vmem>>
    %dma_start3A_1199 = tpu.memref_squeeze %dma_start3A_1198 : memref<1x64xf32, #tpu.memory_space<vmem>> -> memref<64xf32, #tpu.memory_space<vmem>>
    %dma_start3A_1200 = arith.constant 0 : i32
    %dma_start3A_1201 = tpu.memref_slice %arg24[%dma_start3A_1196, %dma_start3A_1200] : memref<2x64xi32, #tpu.memory_space<vmem>> -> memref<1x64xi32, #tpu.memory_space<vmem>>
    %dma_start3A_1202 = tpu.memref_squeeze %dma_start3A_1201 : memref<1x64xi32, #tpu.memory_space<vmem>> -> memref<64xi32, #tpu.memory_space<vmem>>
    %dma_start3A_1203 = arith.constant 0 : i32
    %dma_start3A_1204 = tpu.memref_slice %arg11[%dma_start3A_1203] : memref<9633792xf32, #tpu.memory_space<hbm>> -> memref<9633792xf32, #tpu.memory_space<hbm>>
    tpu.enqueue_indirect_dma source(%dma_start3A_1199 : memref<64xf32, #tpu.memory_space<vmem>>) target(%dma_start3A_1204 : memref<9633792xf32, #tpu.memory_space<hbm>>) offsets(%dma_start3A_1202 : memref<64xi32, #tpu.memory_space<vmem>>) semaphore(%arg33 : memref<!tpu.dma_semaphore, #tpu.memory_space<semaphore_mem>>)
    %dma_start3A_1205 = arith.constant 0 : i32
    %dma_start3A_1206 = arith.constant 0 : i32
    %dma_start3A_1207 = arith.constant 0 : i32
    %dma_start3A_1208 = tpu.memref_slice %arg16[%dma_start3A_1205, %dma_start3A_1207] : memref<2x64xf32, #tpu.memory_space<vmem>> -> memref<1x64xf32, #tpu.memory_space<vmem>>
    %dma_start3A_1209 = tpu.memref_squeeze %dma_start3A_1208 : memref<1x64xf32, #tpu.memory_space<vmem>> -> memref<64xf32, #tpu.memory_space<vmem>>
    %dma_start3A_1210 = arith.constant 0 : i32
    %dma_start3A_1211 = tpu.memref_slice %arg25[%dma_start3A_1206, %dma_start3A_1210] : memref<2x64xi32, #tpu.memory_space<vmem>> -> memref<1x64xi32, #tpu.memory_space<vmem>>
    %dma_start3A_1212 = tpu.memref_squeeze %dma_start3A_1211 : memref<1x64xi32, #tpu.memory_space<vmem>> -> memref<64xi32, #tpu.memory_space<vmem>>
    %dma_start3A_1213 = arith.constant 0 : i32
    %dma_start3A_1214 = tpu.memref_slice %arg11[%dma_start3A_1213] : memref<9633792xf32, #tpu.memory_space<hbm>> -> memref<9633792xf32, #tpu.memory_space<hbm>>
    tpu.enqueue_indirect_dma source(%dma_start3A_1209 : memref<64xf32, #tpu.memory_space<vmem>>) target(%dma_start3A_1214 : memref<9633792xf32, #tpu.memory_space<hbm>>) offsets(%dma_start3A_1212 : memref<64xi32, #tpu.memory_space<vmem>>) semaphore(%arg33 : memref<!tpu.dma_semaphore, #tpu.memory_space<semaphore_mem>>)
    %dma_start3A_1215 = arith.constant 0 : i32
    %dma_start3A_1216 = arith.constant 0 : i32
    %dma_start3A_1217 = arith.constant 0 : i32
    %dma_start3A_1218 = tpu.memref_slice %arg17[%dma_start3A_1215, %dma_start3A_1217] : memref<2x64xf32, #tpu.memory_space<vmem>> -> memref<1x64xf32, #tpu.memory_space<vmem>>
    %dma_start3A_1219 = tpu.memref_squeeze %dma_start3A_1218 : memref<1x64xf32, #tpu.memory_space<vmem>> -> memref<64xf32, #tpu.memory_space<vmem>>
    %dma_start3A_1220 = arith.constant 0 : i32
    %dma_start3A_1221 = tpu.memref_slice %arg26[%dma_start3A_1216, %dma_start3A_1220] : memref<2x64xi32, #tpu.memory_space<vmem>> -> memref<1x64xi32, #tpu.memory_space<vmem>>
    %dma_start3A_1222 = tpu.memref_squeeze %dma_start3A_1221 : memref<1x64xi32, #tpu.memory_space<vmem>> -> memref<64xi32, #tpu.memory_space<vmem>>
    %dma_start3A_1223 = arith.constant 0 : i32
    %dma_start3A_1224 = tpu.memref_slice %arg11[%dma_start3A_1223] : memref<9633792xf32, #tpu.memory_space<hbm>> -> memref<9633792xf32, #tpu.memory_space<hbm>>
    tpu.enqueue_indirect_dma source(%dma_start3A_1219 : memref<64xf32, #tpu.memory_space<vmem>>) target(%dma_start3A_1224 : memref<9633792xf32, #tpu.memory_space<hbm>>) offsets(%dma_start3A_1222 : memref<64xi32, #tpu.memory_space<vmem>>) semaphore(%arg33 : memref<!tpu.dma_semaphore, #tpu.memory_space<semaphore_mem>>)
    %dma_start3A_1225 = arith.constant 0 : i32
    %dma_start3A_1226 = arith.constant 0 : i32
    %dma_start3A_1227 = arith.constant 0 : i32
    %dma_start3A_1228 = tpu.memref_slice %arg18[%dma_start3A_1225, %dma_start3A_1227] : memref<2x64xf32, #tpu.memory_space<vmem>> -> memref<1x64xf32, #tpu.memory_space<vmem>>
    %dma_start3A_1229 = tpu.memref_squeeze %dma_start3A_1228 : memref<1x64xf32, #tpu.memory_space<vmem>> -> memref<64xf32, #tpu.memory_space<vmem>>
    %dma_start3A_1230 = arith.constant 0 : i32
    %dma_start3A_1231 = tpu.memref_slice %arg27[%dma_start3A_1226, %dma_start3A_1230] : memref<2x64xi32, #tpu.memory_space<vmem>> -> memref<1x64xi32, #tpu.memory_space<vmem>>
    %dma_start3A_1232 = tpu.memref_squeeze %dma_start3A_1231 : memref<1x64xi32, #tpu.memory_space<vmem>> -> memref<64xi32, #tpu.memory_space<vmem>>
    %dma_start3A_1233 = arith.constant 0 : i32
    %dma_start3A_1234 = tpu.memref_slice %arg11[%dma_start3A_1233] : memref<9633792xf32, #tpu.memory_space<hbm>> -> memref<9633792xf32, #tpu.memory_space<hbm>>
    tpu.enqueue_indirect_dma source(%dma_start3A_1229 : memref<64xf32, #tpu.memory_space<vmem>>) target(%dma_start3A_1234 : memref<9633792xf32, #tpu.memory_space<hbm>>) offsets(%dma_start3A_1232 : memref<64xi32, #tpu.memory_space<vmem>>) semaphore(%arg33 : memref<!tpu.dma_semaphore, #tpu.memory_space<semaphore_mem>>)
    %dma_start3A_1235 = arith.constant 0 : i32
    %dma_start3A_1236 = arith.constant 0 : i32
    %dma_start3A_1237 = arith.constant 0 : i32
    %dma_start3A_1238 = tpu.memref_slice %arg13[%dma_start3A_1235, %dma_start3A_1237] : memref<2x64xf32, #tpu.memory_space<vmem>> -> memref<1x64xf32, #tpu.memory_space<vmem>>
    %dma_start3A_1239 = tpu.memref_squeeze %dma_start3A_1238 : memref<1x64xf32, #tpu.memory_space<vmem>> -> memref<64xf32, #tpu.memory_space<vmem>>
    %dma_start3A_1240 = arith.constant 0 : i32
    %dma_start3A_1241 = tpu.memref_slice %arg28[%dma_start3A_1236, %dma_start3A_1240] : memref<2x64xi32, #tpu.memory_space<vmem>> -> memref<1x64xi32, #tpu.memory_space<vmem>>
    %dma_start3A_1242 = tpu.memref_squeeze %dma_start3A_1241 : memref<1x64xi32, #tpu.memory_space<vmem>> -> memref<64xi32, #tpu.memory_space<vmem>>
    %dma_start3A_1243 = arith.constant 0 : i32
    %dma_start3A_1244 = tpu.memref_slice %arg11[%dma_start3A_1243] : memref<9633792xf32, #tpu.memory_space<hbm>> -> memref<9633792xf32, #tpu.memory_space<hbm>>
    tpu.enqueue_indirect_dma source(%dma_start3A_1239 : memref<64xf32, #tpu.memory_space<vmem>>) target(%dma_start3A_1244 : memref<9633792xf32, #tpu.memory_space<hbm>>) offsets(%dma_start3A_1242 : memref<64xi32, #tpu.memory_space<vmem>>) semaphore(%arg33 : memref<!tpu.dma_semaphore, #tpu.memory_space<semaphore_mem>>)
    %dma_start3A_1245 = arith.constant 0 : i32
    %dma_start3A_1246 = arith.constant 0 : i32
    %dma_start3A_1247 = arith.constant 0 : i32
    %dma_start3A_1248 = tpu.memref_slice %arg13[%dma_start3A_1245, %dma_start3A_1247] : memref<2x64xf32, #tpu.memory_space<vmem>> -> memref<1x64xf32, #tpu.memory_space<vmem>>
    %dma_start3A_1249 = tpu.memref_squeeze %dma_start3A_1248 : memref<1x64xf32, #tpu.memory_space<vmem>> -> memref<64xf32, #tpu.memory_space<vmem>>
    %dma_start3A_1250 = arith.constant 0 : i32
    %dma_start3A_1251 = tpu.memref_slice %arg29[%dma_start3A_1246, %dma_start3A_1250] : memref<2x64xi32, #tpu.memory_space<vmem>> -> memref<1x64xi32, #tpu.memory_space<vmem>>
    %dma_start3A_1252 = tpu.memref_squeeze %dma_start3A_1251 : memref<1x64xi32, #tpu.memory_space<vmem>> -> memref<64xi32, #tpu.memory_space<vmem>>
    %dma_start3A_1253 = arith.constant 0 : i32
    %dma_start3A_1254 = tpu.memref_slice %arg11[%dma_start3A_1253] : memref<9633792xf32, #tpu.memory_space<hbm>> -> memref<9633792xf32, #tpu.memory_space<hbm>>
    tpu.enqueue_indirect_dma source(%dma_start3A_1249 : memref<64xf32, #tpu.memory_space<vmem>>) target(%dma_start3A_1254 : memref<9633792xf32, #tpu.memory_space<hbm>>) offsets(%dma_start3A_1252 : memref<64xi32, #tpu.memory_space<vmem>>) semaphore(%arg33 : memref<!tpu.dma_semaphore, #tpu.memory_space<semaphore_mem>>)
    %dma_start3A_1255 = arith.constant 0 : i32
    %dma_start3A_1256 = arith.constant 0 : i32
    %dma_start3A_1257 = arith.constant 0 : i32
    %dma_start3A_1258 = tpu.memref_slice %arg13[%dma_start3A_1255, %dma_start3A_1257] : memref<2x64xf32, #tpu.memory_space<vmem>> -> memref<1x64xf32, #tpu.memory_space<vmem>>
    %dma_start3A_1259 = tpu.memref_squeeze %dma_start3A_1258 : memref<1x64xf32, #tpu.memory_space<vmem>> -> memref<64xf32, #tpu.memory_space<vmem>>
    %dma_start3A_1260 = arith.constant 0 : i32
    %dma_start3A_1261 = tpu.memref_slice %arg30[%dma_start3A_1256, %dma_start3A_1260] : memref<2x64xi32, #tpu.memory_space<vmem>> -> memref<1x64xi32, #tpu.memory_space<vmem>>
    %dma_start3A_1262 = tpu.memref_squeeze %dma_start3A_1261 : memref<1x64xi32, #tpu.memory_space<vmem>> -> memref<64xi32, #tpu.memory_space<vmem>>
    %dma_start3A_1263 = arith.constant 0 : i32
    %dma_start3A_1264 = tpu.memref_slice %arg11[%dma_start3A_1263] : memref<9633792xf32, #tpu.memory_space<hbm>> -> memref<9633792xf32, #tpu.memory_space<hbm>>
    tpu.enqueue_indirect_dma source(%dma_start3A_1259 : memref<64xf32, #tpu.memory_space<vmem>>) target(%dma_start3A_1264 : memref<9633792xf32, #tpu.memory_space<hbm>>) offsets(%dma_start3A_1262 : memref<64xi32, #tpu.memory_space<vmem>>) semaphore(%arg33 : memref<!tpu.dma_semaphore, #tpu.memory_space<semaphore_mem>>)
    %dma_start3A_1265 = arith.constant 1 : i32
    %dma_start3A_1266 = arith.constant 1 : i32
    %dma_start3A_1267 = arith.constant 0 : i32
    %dma_start3A_1268 = tpu.memref_slice %arg13[%dma_start3A_1265, %dma_start3A_1267] : memref<2x64xf32, #tpu.memory_space<vmem>> -> memref<1x64xf32, #tpu.memory_space<vmem>>
    %dma_start3A_1269 = tpu.memref_squeeze %dma_start3A_1268 : memref<1x64xf32, #tpu.memory_space<vmem>> -> memref<64xf32, #tpu.memory_space<vmem>>
    %dma_start3A_1270 = arith.constant 0 : i32
    %dma_start3A_1271 = tpu.memref_slice %arg19[%dma_start3A_1266, %dma_start3A_1270] : memref<2x64xi32, #tpu.memory_space<vmem>> -> memref<1x64xi32, #tpu.memory_space<vmem>>
    %dma_start3A_1272 = tpu.memref_squeeze %dma_start3A_1271 : memref<1x64xi32, #tpu.memory_space<vmem>> -> memref<64xi32, #tpu.memory_space<vmem>>
    %dma_start3A_1273 = arith.constant 0 : i32
    %dma_start3A_1274 = tpu.memref_slice %arg11[%dma_start3A_1273] : memref<9633792xf32, #tpu.memory_space<hbm>> -> memref<9633792xf32, #tpu.memory_space<hbm>>
    tpu.enqueue_indirect_dma source(%dma_start3A_1269 : memref<64xf32, #tpu.memory_space<vmem>>) target(%dma_start3A_1274 : memref<9633792xf32, #tpu.memory_space<hbm>>) offsets(%dma_start3A_1272 : memref<64xi32, #tpu.memory_space<vmem>>) semaphore(%arg33 : memref<!tpu.dma_semaphore, #tpu.memory_space<semaphore_mem>>)
    %dma_start3A_1275 = arith.constant 1 : i32
    %dma_start3A_1276 = arith.constant 1 : i32
    %dma_start3A_1277 = arith.constant 0 : i32
    %dma_start3A_1278 = tpu.memref_slice %arg14[%dma_start3A_1275, %dma_start3A_1277] : memref<2x64xf32, #tpu.memory_space<vmem>> -> memref<1x64xf32, #tpu.memory_space<vmem>>
    %dma_start3A_1279 = tpu.memref_squeeze %dma_start3A_1278 : memref<1x64xf32, #tpu.memory_space<vmem>> -> memref<64xf32, #tpu.memory_space<vmem>>
    %dma_start3A_1280 = arith.constant 0 : i32
    %dma_start3A_1281 = tpu.memref_slice %arg23[%dma_start3A_1276, %dma_start3A_1280] : memref<2x64xi32, #tpu.memory_space<vmem>> -> memref<1x64xi32, #tpu.memory_space<vmem>>
    %dma_start3A_1282 = tpu.memref_squeeze %dma_start3A_1281 : memref<1x64xi32, #tpu.memory_space<vmem>> -> memref<64xi32, #tpu.memory_space<vmem>>
    %dma_start3A_1283 = arith.constant 0 : i32
    %dma_start3A_1284 = tpu.memref_slice %arg11[%dma_start3A_1283] : memref<9633792xf32, #tpu.memory_space<hbm>> -> memref<9633792xf32, #tpu.memory_space<hbm>>
    tpu.enqueue_indirect_dma source(%dma_start3A_1279 : memref<64xf32, #tpu.memory_space<vmem>>) target(%dma_start3A_1284 : memref<9633792xf32, #tpu.memory_space<hbm>>) offsets(%dma_start3A_1282 : memref<64xi32, #tpu.memory_space<vmem>>) semaphore(%arg33 : memref<!tpu.dma_semaphore, #tpu.memory_space<semaphore_mem>>)
    %dma_start3A_1285 = arith.constant 1 : i32
    %dma_start3A_1286 = arith.constant 1 : i32
    %dma_start3A_1287 = arith.constant 0 : i32
    %dma_start3A_1288 = tpu.memref_slice %arg15[%dma_start3A_1285, %dma_start3A_1287] : memref<2x64xf32, #tpu.memory_space<vmem>> -> memref<1x64xf32, #tpu.memory_space<vmem>>
    %dma_start3A_1289 = tpu.memref_squeeze %dma_start3A_1288 : memref<1x64xf32, #tpu.memory_space<vmem>> -> memref<64xf32, #tpu.memory_space<vmem>>
    %dma_start3A_1290 = arith.constant 0 : i32
    %dma_start3A_1291 = tpu.memref_slice %arg24[%dma_start3A_1286, %dma_start3A_1290] : memref<2x64xi32, #tpu.memory_space<vmem>> -> memref<1x64xi32, #tpu.memory_space<vmem>>
    %dma_start3A_1292 = tpu.memref_squeeze %dma_start3A_1291 : memref<1x64xi32, #tpu.memory_space<vmem>> -> memref<64xi32, #tpu.memory_space<vmem>>
    %dma_start3A_1293 = arith.constant 0 : i32
    %dma_start3A_1294 = tpu.memref_slice %arg11[%dma_start3A_1293] : memref<9633792xf32, #tpu.memory_space<hbm>> -> memref<9633792xf32, #tpu.memory_space<hbm>>
    tpu.enqueue_indirect_dma source(%dma_start3A_1289 : memref<64xf32, #tpu.memory_space<vmem>>) target(%dma_start3A_1294 : memref<9633792xf32, #tpu.memory_space<hbm>>) offsets(%dma_start3A_1292 : memref<64xi32, #tpu.memory_space<vmem>>) semaphore(%arg33 : memref<!tpu.dma_semaphore, #tpu.memory_space<semaphore_mem>>)
    %dma_start3A_1295 = arith.constant 1 : i32
    %dma_start3A_1296 = arith.constant 1 : i32
    %dma_start3A_1297 = arith.constant 0 : i32
    %dma_start3A_1298 = tpu.memref_slice %arg16[%dma_start3A_1295, %dma_start3A_1297] : memref<2x64xf32, #tpu.memory_space<vmem>> -> memref<1x64xf32, #tpu.memory_space<vmem>>
    %dma_start3A_1299 = tpu.memref_squeeze %dma_start3A_1298 : memref<1x64xf32, #tpu.memory_space<vmem>> -> memref<64xf32, #tpu.memory_space<vmem>>
    %dma_start3A_1300 = arith.constant 0 : i32
    %dma_start3A_1301 = tpu.memref_slice %arg25[%dma_start3A_1296, %dma_start3A_1300] : memref<2x64xi32, #tpu.memory_space<vmem>> -> memref<1x64xi32, #tpu.memory_space<vmem>>
    %dma_start3A_1302 = tpu.memref_squeeze %dma_start3A_1301 : memref<1x64xi32, #tpu.memory_space<vmem>> -> memref<64xi32, #tpu.memory_space<vmem>>
    %dma_start3A_1303 = arith.constant 0 : i32
    %dma_start3A_1304 = tpu.memref_slice %arg11[%dma_start3A_1303] : memref<9633792xf32, #tpu.memory_space<hbm>> -> memref<9633792xf32, #tpu.memory_space<hbm>>
    tpu.enqueue_indirect_dma source(%dma_start3A_1299 : memref<64xf32, #tpu.memory_space<vmem>>) target(%dma_start3A_1304 : memref<9633792xf32, #tpu.memory_space<hbm>>) offsets(%dma_start3A_1302 : memref<64xi32, #tpu.memory_space<vmem>>) semaphore(%arg33 : memref<!tpu.dma_semaphore, #tpu.memory_space<semaphore_mem>>)
    %dma_start3A_1305 = arith.constant 1 : i32
    %dma_start3A_1306 = arith.constant 1 : i32
    %dma_start3A_1307 = arith.constant 0 : i32
    %dma_start3A_1308 = tpu.memref_slice %arg17[%dma_start3A_1305, %dma_start3A_1307] : memref<2x64xf32, #tpu.memory_space<vmem>> -> memref<1x64xf32, #tpu.memory_space<vmem>>
    %dma_start3A_1309 = tpu.memref_squeeze %dma_start3A_1308 : memref<1x64xf32, #tpu.memory_space<vmem>> -> memref<64xf32, #tpu.memory_space<vmem>>
    %dma_start3A_1310 = arith.constant 0 : i32
    %dma_start3A_1311 = tpu.memref_slice %arg26[%dma_start3A_1306, %dma_start3A_1310] : memref<2x64xi32, #tpu.memory_space<vmem>> -> memref<1x64xi32, #tpu.memory_space<vmem>>
    %dma_start3A_1312 = tpu.memref_squeeze %dma_start3A_1311 : memref<1x64xi32, #tpu.memory_space<vmem>> -> memref<64xi32, #tpu.memory_space<vmem>>
    %dma_start3A_1313 = arith.constant 0 : i32
    %dma_start3A_1314 = tpu.memref_slice %arg11[%dma_start3A_1313] : memref<9633792xf32, #tpu.memory_space<hbm>> -> memref<9633792xf32, #tpu.memory_space<hbm>>
    tpu.enqueue_indirect_dma source(%dma_start3A_1309 : memref<64xf32, #tpu.memory_space<vmem>>) target(%dma_start3A_1314 : memref<9633792xf32, #tpu.memory_space<hbm>>) offsets(%dma_start3A_1312 : memref<64xi32, #tpu.memory_space<vmem>>) semaphore(%arg33 : memref<!tpu.dma_semaphore, #tpu.memory_space<semaphore_mem>>)
    %dma_start3A_1315 = arith.constant 1 : i32
    %dma_start3A_1316 = arith.constant 1 : i32
    %dma_start3A_1317 = arith.constant 0 : i32
    %dma_start3A_1318 = tpu.memref_slice %arg18[%dma_start3A_1315, %dma_start3A_1317] : memref<2x64xf32, #tpu.memory_space<vmem>> -> memref<1x64xf32, #tpu.memory_space<vmem>>
    %dma_start3A_1319 = tpu.memref_squeeze %dma_start3A_1318 : memref<1x64xf32, #tpu.memory_space<vmem>> -> memref<64xf32, #tpu.memory_space<vmem>>
    %dma_start3A_1320 = arith.constant 0 : i32
    %dma_start3A_1321 = tpu.memref_slice %arg27[%dma_start3A_1316, %dma_start3A_1320] : memref<2x64xi32, #tpu.memory_space<vmem>> -> memref<1x64xi32, #tpu.memory_space<vmem>>
    %dma_start3A_1322 = tpu.memref_squeeze %dma_start3A_1321 : memref<1x64xi32, #tpu.memory_space<vmem>> -> memref<64xi32, #tpu.memory_space<vmem>>
    %dma_start3A_1323 = arith.constant 0 : i32
    %dma_start3A_1324 = tpu.memref_slice %arg11[%dma_start3A_1323] : memref<9633792xf32, #tpu.memory_space<hbm>> -> memref<9633792xf32, #tpu.memory_space<hbm>>
    tpu.enqueue_indirect_dma source(%dma_start3A_1319 : memref<64xf32, #tpu.memory_space<vmem>>) target(%dma_start3A_1324 : memref<9633792xf32, #tpu.memory_space<hbm>>) offsets(%dma_start3A_1322 : memref<64xi32, #tpu.memory_space<vmem>>) semaphore(%arg33 : memref<!tpu.dma_semaphore, #tpu.memory_space<semaphore_mem>>)
    %dma_start3A_1325 = arith.constant 1 : i32
    %dma_start3A_1326 = arith.constant 1 : i32
    %dma_start3A_1327 = arith.constant 0 : i32
    %dma_start3A_1328 = tpu.memref_slice %arg13[%dma_start3A_1325, %dma_start3A_1327] : memref<2x64xf32, #tpu.memory_space<vmem>> -> memref<1x64xf32, #tpu.memory_space<vmem>>
    %dma_start3A_1329 = tpu.memref_squeeze %dma_start3A_1328 : memref<1x64xf32, #tpu.memory_space<vmem>> -> memref<64xf32, #tpu.memory_space<vmem>>
    %dma_start3A_1330 = arith.constant 0 : i32
    %dma_start3A_1331 = tpu.memref_slice %arg28[%dma_start3A_1326, %dma_start3A_1330] : memref<2x64xi32, #tpu.memory_space<vmem>> -> memref<1x64xi32, #tpu.memory_space<vmem>>
    %dma_start3A_1332 = tpu.memref_squeeze %dma_start3A_1331 : memref<1x64xi32, #tpu.memory_space<vmem>> -> memref<64xi32, #tpu.memory_space<vmem>>
    %dma_start3A_1333 = arith.constant 0 : i32
    %dma_start3A_1334 = tpu.memref_slice %arg11[%dma_start3A_1333] : memref<9633792xf32, #tpu.memory_space<hbm>> -> memref<9633792xf32, #tpu.memory_space<hbm>>
    tpu.enqueue_indirect_dma source(%dma_start3A_1329 : memref<64xf32, #tpu.memory_space<vmem>>) target(%dma_start3A_1334 : memref<9633792xf32, #tpu.memory_space<hbm>>) offsets(%dma_start3A_1332 : memref<64xi32, #tpu.memory_space<vmem>>) semaphore(%arg33 : memref<!tpu.dma_semaphore, #tpu.memory_space<semaphore_mem>>)
    %dma_start3A_1335 = arith.constant 1 : i32
    %dma_start3A_1336 = arith.constant 1 : i32
    %dma_start3A_1337 = arith.constant 0 : i32
    %dma_start3A_1338 = tpu.memref_slice %arg13[%dma_start3A_1335, %dma_start3A_1337] : memref<2x64xf32, #tpu.memory_space<vmem>> -> memref<1x64xf32, #tpu.memory_space<vmem>>
    %dma_start3A_1339 = tpu.memref_squeeze %dma_start3A_1338 : memref<1x64xf32, #tpu.memory_space<vmem>> -> memref<64xf32, #tpu.memory_space<vmem>>
    %dma_start3A_1340 = arith.constant 0 : i32
    %dma_start3A_1341 = tpu.memref_slice %arg29[%dma_start3A_1336, %dma_start3A_1340] : memref<2x64xi32, #tpu.memory_space<vmem>> -> memref<1x64xi32, #tpu.memory_space<vmem>>
    %dma_start3A_1342 = tpu.memref_squeeze %dma_start3A_1341 : memref<1x64xi32, #tpu.memory_space<vmem>> -> memref<64xi32, #tpu.memory_space<vmem>>
    %dma_start3A_1343 = arith.constant 0 : i32
    %dma_start3A_1344 = tpu.memref_slice %arg11[%dma_start3A_1343] : memref<9633792xf32, #tpu.memory_space<hbm>> -> memref<9633792xf32, #tpu.memory_space<hbm>>
    tpu.enqueue_indirect_dma source(%dma_start3A_1339 : memref<64xf32, #tpu.memory_space<vmem>>) target(%dma_start3A_1344 : memref<9633792xf32, #tpu.memory_space<hbm>>) offsets(%dma_start3A_1342 : memref<64xi32, #tpu.memory_space<vmem>>) semaphore(%arg33 : memref<!tpu.dma_semaphore, #tpu.memory_space<semaphore_mem>>)
    %dma_start3A_1345 = arith.constant 1 : i32
    %dma_start3A_1346 = arith.constant 1 : i32
    %dma_start3A_1347 = arith.constant 0 : i32
    %dma_start3A_1348 = tpu.memref_slice %arg13[%dma_start3A_1345, %dma_start3A_1347] : memref<2x64xf32, #tpu.memory_space<vmem>> -> memref<1x64xf32, #tpu.memory_space<vmem>>
    %dma_start3A_1349 = tpu.memref_squeeze %dma_start3A_1348 : memref<1x64xf32, #tpu.memory_space<vmem>> -> memref<64xf32, #tpu.memory_space<vmem>>
    %dma_start3A_1350 = arith.constant 0 : i32
    %dma_start3A_1351 = tpu.memref_slice %arg30[%dma_start3A_1346, %dma_start3A_1350] : memref<2x64xi32, #tpu.memory_space<vmem>> -> memref<1x64xi32, #tpu.memory_space<vmem>>
    %dma_start3A_1352 = tpu.memref_squeeze %dma_start3A_1351 : memref<1x64xi32, #tpu.memory_space<vmem>> -> memref<64xi32, #tpu.memory_space<vmem>>
    %dma_start3A_1353 = arith.constant 0 : i32
    %dma_start3A_1354 = tpu.memref_slice %arg11[%dma_start3A_1353] : memref<9633792xf32, #tpu.memory_space<hbm>> -> memref<9633792xf32, #tpu.memory_space<hbm>>
    tpu.enqueue_indirect_dma source(%dma_start3A_1349 : memref<64xf32, #tpu.memory_space<vmem>>) target(%dma_start3A_1354 : memref<9633792xf32, #tpu.memory_space<hbm>>) offsets(%dma_start3A_1352 : memref<64xi32, #tpu.memory_space<vmem>>) semaphore(%arg33 : memref<!tpu.dma_semaphore, #tpu.memory_space<semaphore_mem>>)
    %dma_wait3A_1355 = arith.constant 0 : i32
    %dma_wait3A_1356 = arith.constant 0 : i32
    %dma_wait3A_1357 = arith.constant 0 : i32
    %dma_wait3A_1358 = tpu.memref_slice %arg13[%dma_wait3A_1355, %dma_wait3A_1357] : memref<2x64xf32, #tpu.memory_space<vmem>> -> memref<1x64xf32, #tpu.memory_space<vmem>>
    %dma_wait3A_1359 = tpu.memref_squeeze %dma_wait3A_1358 : memref<1x64xf32, #tpu.memory_space<vmem>> -> memref<64xf32, #tpu.memory_space<vmem>>
    %dma_wait3A_1360 = arith.constant 0 : i32
    %dma_wait3A_1361 = tpu.memref_slice %arg19[%dma_wait3A_1356, %dma_wait3A_1360] : memref<2x64xi32, #tpu.memory_space<vmem>> -> memref<1x64xi32, #tpu.memory_space<vmem>>
    %dma_wait3A_1362 = tpu.memref_squeeze %dma_wait3A_1361 : memref<1x64xi32, #tpu.memory_space<vmem>> -> memref<64xi32, #tpu.memory_space<vmem>>
    %dma_wait3A_1363 = arith.constant 0 : i32
    %dma_wait3A_1364 = tpu.memref_slice %arg11[%dma_wait3A_1363] : memref<9633792xf32, #tpu.memory_space<hbm>> -> memref<9633792xf32, #tpu.memory_space<hbm>>
    tpu.wait_indirect_dma semaphore(%arg33 : memref<!tpu.dma_semaphore, #tpu.memory_space<semaphore_mem>>) src(%dma_wait3A_1359 : memref<64xf32, #tpu.memory_space<vmem>>) dst(%dma_wait3A_1364 : memref<9633792xf32, #tpu.memory_space<hbm>>)
    %dma_wait3A_1365 = arith.constant 0 : i32
    %dma_wait3A_1366 = arith.constant 0 : i32
    %dma_wait3A_1367 = arith.constant 0 : i32
    %dma_wait3A_1368 = tpu.memref_slice %arg14[%dma_wait3A_1365, %dma_wait3A_1367] : memref<2x64xf32, #tpu.memory_space<vmem>> -> memref<1x64xf32, #tpu.memory_space<vmem>>
    %dma_wait3A_1369 = tpu.memref_squeeze %dma_wait3A_1368 : memref<1x64xf32, #tpu.memory_space<vmem>> -> memref<64xf32, #tpu.memory_space<vmem>>
    %dma_wait3A_1370 = arith.constant 0 : i32
    %dma_wait3A_1371 = tpu.memref_slice %arg23[%dma_wait3A_1366, %dma_wait3A_1370] : memref<2x64xi32, #tpu.memory_space<vmem>> -> memref<1x64xi32, #tpu.memory_space<vmem>>
    %dma_wait3A_1372 = tpu.memref_squeeze %dma_wait3A_1371 : memref<1x64xi32, #tpu.memory_space<vmem>> -> memref<64xi32, #tpu.memory_space<vmem>>
    %dma_wait3A_1373 = arith.constant 0 : i32
    %dma_wait3A_1374 = tpu.memref_slice %arg11[%dma_wait3A_1373] : memref<9633792xf32, #tpu.memory_space<hbm>> -> memref<9633792xf32, #tpu.memory_space<hbm>>
    tpu.wait_indirect_dma semaphore(%arg33 : memref<!tpu.dma_semaphore, #tpu.memory_space<semaphore_mem>>) src(%dma_wait3A_1369 : memref<64xf32, #tpu.memory_space<vmem>>) dst(%dma_wait3A_1374 : memref<9633792xf32, #tpu.memory_space<hbm>>)
    %dma_wait3A_1375 = arith.constant 0 : i32
    %dma_wait3A_1376 = arith.constant 0 : i32
    %dma_wait3A_1377 = arith.constant 0 : i32
    %dma_wait3A_1378 = tpu.memref_slice %arg15[%dma_wait3A_1375, %dma_wait3A_1377] : memref<2x64xf32, #tpu.memory_space<vmem>> -> memref<1x64xf32, #tpu.memory_space<vmem>>
    %dma_wait3A_1379 = tpu.memref_squeeze %dma_wait3A_1378 : memref<1x64xf32, #tpu.memory_space<vmem>> -> memref<64xf32, #tpu.memory_space<vmem>>
    %dma_wait3A_1380 = arith.constant 0 : i32
    %dma_wait3A_1381 = tpu.memref_slice %arg24[%dma_wait3A_1376, %dma_wait3A_1380] : memref<2x64xi32, #tpu.memory_space<vmem>> -> memref<1x64xi32, #tpu.memory_space<vmem>>
    %dma_wait3A_1382 = tpu.memref_squeeze %dma_wait3A_1381 : memref<1x64xi32, #tpu.memory_space<vmem>> -> memref<64xi32, #tpu.memory_space<vmem>>
    %dma_wait3A_1383 = arith.constant 0 : i32
    %dma_wait3A_1384 = tpu.memref_slice %arg11[%dma_wait3A_1383] : memref<9633792xf32, #tpu.memory_space<hbm>> -> memref<9633792xf32, #tpu.memory_space<hbm>>
    tpu.wait_indirect_dma semaphore(%arg33 : memref<!tpu.dma_semaphore, #tpu.memory_space<semaphore_mem>>) src(%dma_wait3A_1379 : memref<64xf32, #tpu.memory_space<vmem>>) dst(%dma_wait3A_1384 : memref<9633792xf32, #tpu.memory_space<hbm>>)
    %dma_wait3A_1385 = arith.constant 0 : i32
    %dma_wait3A_1386 = arith.constant 0 : i32
    %dma_wait3A_1387 = arith.constant 0 : i32
    %dma_wait3A_1388 = tpu.memref_slice %arg16[%dma_wait3A_1385, %dma_wait3A_1387] : memref<2x64xf32, #tpu.memory_space<vmem>> -> memref<1x64xf32, #tpu.memory_space<vmem>>
    %dma_wait3A_1389 = tpu.memref_squeeze %dma_wait3A_1388 : memref<1x64xf32, #tpu.memory_space<vmem>> -> memref<64xf32, #tpu.memory_space<vmem>>
    %dma_wait3A_1390 = arith.constant 0 : i32
    %dma_wait3A_1391 = tpu.memref_slice %arg25[%dma_wait3A_1386, %dma_wait3A_1390] : memref<2x64xi32, #tpu.memory_space<vmem>> -> memref<1x64xi32, #tpu.memory_space<vmem>>
    %dma_wait3A_1392 = tpu.memref_squeeze %dma_wait3A_1391 : memref<1x64xi32, #tpu.memory_space<vmem>> -> memref<64xi32, #tpu.memory_space<vmem>>
    %dma_wait3A_1393 = arith.constant 0 : i32
    %dma_wait3A_1394 = tpu.memref_slice %arg11[%dma_wait3A_1393] : memref<9633792xf32, #tpu.memory_space<hbm>> -> memref<9633792xf32, #tpu.memory_space<hbm>>
    tpu.wait_indirect_dma semaphore(%arg33 : memref<!tpu.dma_semaphore, #tpu.memory_space<semaphore_mem>>) src(%dma_wait3A_1389 : memref<64xf32, #tpu.memory_space<vmem>>) dst(%dma_wait3A_1394 : memref<9633792xf32, #tpu.memory_space<hbm>>)
    %dma_wait3A_1395 = arith.constant 0 : i32
    %dma_wait3A_1396 = arith.constant 0 : i32
    %dma_wait3A_1397 = arith.constant 0 : i32
    %dma_wait3A_1398 = tpu.memref_slice %arg17[%dma_wait3A_1395, %dma_wait3A_1397] : memref<2x64xf32, #tpu.memory_space<vmem>> -> memref<1x64xf32, #tpu.memory_space<vmem>>
    %dma_wait3A_1399 = tpu.memref_squeeze %dma_wait3A_1398 : memref<1x64xf32, #tpu.memory_space<vmem>> -> memref<64xf32, #tpu.memory_space<vmem>>
    %dma_wait3A_1400 = arith.constant 0 : i32
    %dma_wait3A_1401 = tpu.memref_slice %arg26[%dma_wait3A_1396, %dma_wait3A_1400] : memref<2x64xi32, #tpu.memory_space<vmem>> -> memref<1x64xi32, #tpu.memory_space<vmem>>
    %dma_wait3A_1402 = tpu.memref_squeeze %dma_wait3A_1401 : memref<1x64xi32, #tpu.memory_space<vmem>> -> memref<64xi32, #tpu.memory_space<vmem>>
    %dma_wait3A_1403 = arith.constant 0 : i32
    %dma_wait3A_1404 = tpu.memref_slice %arg11[%dma_wait3A_1403] : memref<9633792xf32, #tpu.memory_space<hbm>> -> memref<9633792xf32, #tpu.memory_space<hbm>>
    tpu.wait_indirect_dma semaphore(%arg33 : memref<!tpu.dma_semaphore, #tpu.memory_space<semaphore_mem>>) src(%dma_wait3A_1399 : memref<64xf32, #tpu.memory_space<vmem>>) dst(%dma_wait3A_1404 : memref<9633792xf32, #tpu.memory_space<hbm>>)
    %dma_wait3A_1405 = arith.constant 0 : i32
    %dma_wait3A_1406 = arith.constant 0 : i32
    %dma_wait3A_1407 = arith.constant 0 : i32
    %dma_wait3A_1408 = tpu.memref_slice %arg18[%dma_wait3A_1405, %dma_wait3A_1407] : memref<2x64xf32, #tpu.memory_space<vmem>> -> memref<1x64xf32, #tpu.memory_space<vmem>>
    %dma_wait3A_1409 = tpu.memref_squeeze %dma_wait3A_1408 : memref<1x64xf32, #tpu.memory_space<vmem>> -> memref<64xf32, #tpu.memory_space<vmem>>
    %dma_wait3A_1410 = arith.constant 0 : i32
    %dma_wait3A_1411 = tpu.memref_slice %arg27[%dma_wait3A_1406, %dma_wait3A_1410] : memref<2x64xi32, #tpu.memory_space<vmem>> -> memref<1x64xi32, #tpu.memory_space<vmem>>
    %dma_wait3A_1412 = tpu.memref_squeeze %dma_wait3A_1411 : memref<1x64xi32, #tpu.memory_space<vmem>> -> memref<64xi32, #tpu.memory_space<vmem>>
    %dma_wait3A_1413 = arith.constant 0 : i32
    %dma_wait3A_1414 = tpu.memref_slice %arg11[%dma_wait3A_1413] : memref<9633792xf32, #tpu.memory_space<hbm>> -> memref<9633792xf32, #tpu.memory_space<hbm>>
    tpu.wait_indirect_dma semaphore(%arg33 : memref<!tpu.dma_semaphore, #tpu.memory_space<semaphore_mem>>) src(%dma_wait3A_1409 : memref<64xf32, #tpu.memory_space<vmem>>) dst(%dma_wait3A_1414 : memref<9633792xf32, #tpu.memory_space<hbm>>)
    %dma_wait3A_1415 = arith.constant 0 : i32
    %dma_wait3A_1416 = arith.constant 0 : i32
    %dma_wait3A_1417 = arith.constant 0 : i32
    %dma_wait3A_1418 = tpu.memref_slice %arg13[%dma_wait3A_1415, %dma_wait3A_1417] : memref<2x64xf32, #tpu.memory_space<vmem>> -> memref<1x64xf32, #tpu.memory_space<vmem>>
    %dma_wait3A_1419 = tpu.memref_squeeze %dma_wait3A_1418 : memref<1x64xf32, #tpu.memory_space<vmem>> -> memref<64xf32, #tpu.memory_space<vmem>>
    %dma_wait3A_1420 = arith.constant 0 : i32
    %dma_wait3A_1421 = tpu.memref_slice %arg28[%dma_wait3A_1416, %dma_wait3A_1420] : memref<2x64xi32, #tpu.memory_space<vmem>> -> memref<1x64xi32, #tpu.memory_space<vmem>>
    %dma_wait3A_1422 = tpu.memref_squeeze %dma_wait3A_1421 : memref<1x64xi32, #tpu.memory_space<vmem>> -> memref<64xi32, #tpu.memory_space<vmem>>
    %dma_wait3A_1423 = arith.constant 0 : i32
    %dma_wait3A_1424 = tpu.memref_slice %arg11[%dma_wait3A_1423] : memref<9633792xf32, #tpu.memory_space<hbm>> -> memref<9633792xf32, #tpu.memory_space<hbm>>
    tpu.wait_indirect_dma semaphore(%arg33 : memref<!tpu.dma_semaphore, #tpu.memory_space<semaphore_mem>>) src(%dma_wait3A_1419 : memref<64xf32, #tpu.memory_space<vmem>>) dst(%dma_wait3A_1424 : memref<9633792xf32, #tpu.memory_space<hbm>>)
    %dma_wait3A_1425 = arith.constant 0 : i32
    %dma_wait3A_1426 = arith.constant 0 : i32
    %dma_wait3A_1427 = arith.constant 0 : i32
    %dma_wait3A_1428 = tpu.memref_slice %arg13[%dma_wait3A_1425, %dma_wait3A_1427] : memref<2x64xf32, #tpu.memory_space<vmem>> -> memref<1x64xf32, #tpu.memory_space<vmem>>
    %dma_wait3A_1429 = tpu.memref_squeeze %dma_wait3A_1428 : memref<1x64xf32, #tpu.memory_space<vmem>> -> memref<64xf32, #tpu.memory_space<vmem>>
    %dma_wait3A_1430 = arith.constant 0 : i32
    %dma_wait3A_1431 = tpu.memref_slice %arg29[%dma_wait3A_1426, %dma_wait3A_1430] : memref<2x64xi32, #tpu.memory_space<vmem>> -> memref<1x64xi32, #tpu.memory_space<vmem>>
    %dma_wait3A_1432 = tpu.memref_squeeze %dma_wait3A_1431 : memref<1x64xi32, #tpu.memory_space<vmem>> -> memref<64xi32, #tpu.memory_space<vmem>>
    %dma_wait3A_1433 = arith.constant 0 : i32
    %dma_wait3A_1434 = tpu.memref_slice %arg11[%dma_wait3A_1433] : memref<9633792xf32, #tpu.memory_space<hbm>> -> memref<9633792xf32, #tpu.memory_space<hbm>>
    tpu.wait_indirect_dma semaphore(%arg33 : memref<!tpu.dma_semaphore, #tpu.memory_space<semaphore_mem>>) src(%dma_wait3A_1429 : memref<64xf32, #tpu.memory_space<vmem>>) dst(%dma_wait3A_1434 : memref<9633792xf32, #tpu.memory_space<hbm>>)
    %dma_wait3A_1435 = arith.constant 0 : i32
    %dma_wait3A_1436 = arith.constant 0 : i32
    %dma_wait3A_1437 = arith.constant 0 : i32
    %dma_wait3A_1438 = tpu.memref_slice %arg13[%dma_wait3A_1435, %dma_wait3A_1437] : memref<2x64xf32, #tpu.memory_space<vmem>> -> memref<1x64xf32, #tpu.memory_space<vmem>>
    %dma_wait3A_1439 = tpu.memref_squeeze %dma_wait3A_1438 : memref<1x64xf32, #tpu.memory_space<vmem>> -> memref<64xf32, #tpu.memory_space<vmem>>
    %dma_wait3A_1440 = arith.constant 0 : i32
    %dma_wait3A_1441 = tpu.memref_slice %arg30[%dma_wait3A_1436, %dma_wait3A_1440] : memref<2x64xi32, #tpu.memory_space<vmem>> -> memref<1x64xi32, #tpu.memory_space<vmem>>
    %dma_wait3A_1442 = tpu.memref_squeeze %dma_wait3A_1441 : memref<1x64xi32, #tpu.memory_space<vmem>> -> memref<64xi32, #tpu.memory_space<vmem>>
    %dma_wait3A_1443 = arith.constant 0 : i32
    %dma_wait3A_1444 = tpu.memref_slice %arg11[%dma_wait3A_1443] : memref<9633792xf32, #tpu.memory_space<hbm>> -> memref<9633792xf32, #tpu.memory_space<hbm>>
    tpu.wait_indirect_dma semaphore(%arg33 : memref<!tpu.dma_semaphore, #tpu.memory_space<semaphore_mem>>) src(%dma_wait3A_1439 : memref<64xf32, #tpu.memory_space<vmem>>) dst(%dma_wait3A_1444 : memref<9633792xf32, #tpu.memory_space<hbm>>)
    %dma_wait3A_1445 = arith.constant 1 : i32
    %dma_wait3A_1446 = arith.constant 1 : i32
    %dma_wait3A_1447 = arith.constant 0 : i32
    %dma_wait3A_1448 = tpu.memref_slice %arg13[%dma_wait3A_1445, %dma_wait3A_1447] : memref<2x64xf32, #tpu.memory_space<vmem>> -> memref<1x64xf32, #tpu.memory_space<vmem>>
    %dma_wait3A_1449 = tpu.memref_squeeze %dma_wait3A_1448 : memref<1x64xf32, #tpu.memory_space<vmem>> -> memref<64xf32, #tpu.memory_space<vmem>>
    %dma_wait3A_1450 = arith.constant 0 : i32
    %dma_wait3A_1451 = tpu.memref_slice %arg19[%dma_wait3A_1446, %dma_wait3A_1450] : memref<2x64xi32, #tpu.memory_space<vmem>> -> memref<1x64xi32, #tpu.memory_space<vmem>>
    %dma_wait3A_1452 = tpu.memref_squeeze %dma_wait3A_1451 : memref<1x64xi32, #tpu.memory_space<vmem>> -> memref<64xi32, #tpu.memory_space<vmem>>
    %dma_wait3A_1453 = arith.constant 0 : i32
    %dma_wait3A_1454 = tpu.memref_slice %arg11[%dma_wait3A_1453] : memref<9633792xf32, #tpu.memory_space<hbm>> -> memref<9633792xf32, #tpu.memory_space<hbm>>
    tpu.wait_indirect_dma semaphore(%arg33 : memref<!tpu.dma_semaphore, #tpu.memory_space<semaphore_mem>>) src(%dma_wait3A_1449 : memref<64xf32, #tpu.memory_space<vmem>>) dst(%dma_wait3A_1454 : memref<9633792xf32, #tpu.memory_space<hbm>>)
    %dma_wait3A_1455 = arith.constant 1 : i32
    %dma_wait3A_1456 = arith.constant 1 : i32
    %dma_wait3A_1457 = arith.constant 0 : i32
    %dma_wait3A_1458 = tpu.memref_slice %arg14[%dma_wait3A_1455, %dma_wait3A_1457] : memref<2x64xf32, #tpu.memory_space<vmem>> -> memref<1x64xf32, #tpu.memory_space<vmem>>
    %dma_wait3A_1459 = tpu.memref_squeeze %dma_wait3A_1458 : memref<1x64xf32, #tpu.memory_space<vmem>> -> memref<64xf32, #tpu.memory_space<vmem>>
    %dma_wait3A_1460 = arith.constant 0 : i32
    %dma_wait3A_1461 = tpu.memref_slice %arg23[%dma_wait3A_1456, %dma_wait3A_1460] : memref<2x64xi32, #tpu.memory_space<vmem>> -> memref<1x64xi32, #tpu.memory_space<vmem>>
    %dma_wait3A_1462 = tpu.memref_squeeze %dma_wait3A_1461 : memref<1x64xi32, #tpu.memory_space<vmem>> -> memref<64xi32, #tpu.memory_space<vmem>>
    %dma_wait3A_1463 = arith.constant 0 : i32
    %dma_wait3A_1464 = tpu.memref_slice %arg11[%dma_wait3A_1463] : memref<9633792xf32, #tpu.memory_space<hbm>> -> memref<9633792xf32, #tpu.memory_space<hbm>>
    tpu.wait_indirect_dma semaphore(%arg33 : memref<!tpu.dma_semaphore, #tpu.memory_space<semaphore_mem>>) src(%dma_wait3A_1459 : memref<64xf32, #tpu.memory_space<vmem>>) dst(%dma_wait3A_1464 : memref<9633792xf32, #tpu.memory_space<hbm>>)
    %dma_wait3A_1465 = arith.constant 1 : i32
    %dma_wait3A_1466 = arith.constant 1 : i32
    %dma_wait3A_1467 = arith.constant 0 : i32
    %dma_wait3A_1468 = tpu.memref_slice %arg15[%dma_wait3A_1465, %dma_wait3A_1467] : memref<2x64xf32, #tpu.memory_space<vmem>> -> memref<1x64xf32, #tpu.memory_space<vmem>>
    %dma_wait3A_1469 = tpu.memref_squeeze %dma_wait3A_1468 : memref<1x64xf32, #tpu.memory_space<vmem>> -> memref<64xf32, #tpu.memory_space<vmem>>
    %dma_wait3A_1470 = arith.constant 0 : i32
    %dma_wait3A_1471 = tpu.memref_slice %arg24[%dma_wait3A_1466, %dma_wait3A_1470] : memref<2x64xi32, #tpu.memory_space<vmem>> -> memref<1x64xi32, #tpu.memory_space<vmem>>
    %dma_wait3A_1472 = tpu.memref_squeeze %dma_wait3A_1471 : memref<1x64xi32, #tpu.memory_space<vmem>> -> memref<64xi32, #tpu.memory_space<vmem>>
    %dma_wait3A_1473 = arith.constant 0 : i32
    %dma_wait3A_1474 = tpu.memref_slice %arg11[%dma_wait3A_1473] : memref<9633792xf32, #tpu.memory_space<hbm>> -> memref<9633792xf32, #tpu.memory_space<hbm>>
    tpu.wait_indirect_dma semaphore(%arg33 : memref<!tpu.dma_semaphore, #tpu.memory_space<semaphore_mem>>) src(%dma_wait3A_1469 : memref<64xf32, #tpu.memory_space<vmem>>) dst(%dma_wait3A_1474 : memref<9633792xf32, #tpu.memory_space<hbm>>)
    %dma_wait3A_1475 = arith.constant 1 : i32
    %dma_wait3A_1476 = arith.constant 1 : i32
    %dma_wait3A_1477 = arith.constant 0 : i32
    %dma_wait3A_1478 = tpu.memref_slice %arg16[%dma_wait3A_1475, %dma_wait3A_1477] : memref<2x64xf32, #tpu.memory_space<vmem>> -> memref<1x64xf32, #tpu.memory_space<vmem>>
    %dma_wait3A_1479 = tpu.memref_squeeze %dma_wait3A_1478 : memref<1x64xf32, #tpu.memory_space<vmem>> -> memref<64xf32, #tpu.memory_space<vmem>>
    %dma_wait3A_1480 = arith.constant 0 : i32
    %dma_wait3A_1481 = tpu.memref_slice %arg25[%dma_wait3A_1476, %dma_wait3A_1480] : memref<2x64xi32, #tpu.memory_space<vmem>> -> memref<1x64xi32, #tpu.memory_space<vmem>>
    %dma_wait3A_1482 = tpu.memref_squeeze %dma_wait3A_1481 : memref<1x64xi32, #tpu.memory_space<vmem>> -> memref<64xi32, #tpu.memory_space<vmem>>
    %dma_wait3A_1483 = arith.constant 0 : i32
    %dma_wait3A_1484 = tpu.memref_slice %arg11[%dma_wait3A_1483] : memref<9633792xf32, #tpu.memory_space<hbm>> -> memref<9633792xf32, #tpu.memory_space<hbm>>
    tpu.wait_indirect_dma semaphore(%arg33 : memref<!tpu.dma_semaphore, #tpu.memory_space<semaphore_mem>>) src(%dma_wait3A_1479 : memref<64xf32, #tpu.memory_space<vmem>>) dst(%dma_wait3A_1484 : memref<9633792xf32, #tpu.memory_space<hbm>>)
    %dma_wait3A_1485 = arith.constant 1 : i32
    %dma_wait3A_1486 = arith.constant 1 : i32
    %dma_wait3A_1487 = arith.constant 0 : i32
    %dma_wait3A_1488 = tpu.memref_slice %arg17[%dma_wait3A_1485, %dma_wait3A_1487] : memref<2x64xf32, #tpu.memory_space<vmem>> -> memref<1x64xf32, #tpu.memory_space<vmem>>
    %dma_wait3A_1489 = tpu.memref_squeeze %dma_wait3A_1488 : memref<1x64xf32, #tpu.memory_space<vmem>> -> memref<64xf32, #tpu.memory_space<vmem>>
    %dma_wait3A_1490 = arith.constant 0 : i32
    %dma_wait3A_1491 = tpu.memref_slice %arg26[%dma_wait3A_1486, %dma_wait3A_1490] : memref<2x64xi32, #tpu.memory_space<vmem>> -> memref<1x64xi32, #tpu.memory_space<vmem>>
    %dma_wait3A_1492 = tpu.memref_squeeze %dma_wait3A_1491 : memref<1x64xi32, #tpu.memory_space<vmem>> -> memref<64xi32, #tpu.memory_space<vmem>>
    %dma_wait3A_1493 = arith.constant 0 : i32
    %dma_wait3A_1494 = tpu.memref_slice %arg11[%dma_wait3A_1493] : memref<9633792xf32, #tpu.memory_space<hbm>> -> memref<9633792xf32, #tpu.memory_space<hbm>>
    tpu.wait_indirect_dma semaphore(%arg33 : memref<!tpu.dma_semaphore, #tpu.memory_space<semaphore_mem>>) src(%dma_wait3A_1489 : memref<64xf32, #tpu.memory_space<vmem>>) dst(%dma_wait3A_1494 : memref<9633792xf32, #tpu.memory_space<hbm>>)
    %dma_wait3A_1495 = arith.constant 1 : i32
    %dma_wait3A_1496 = arith.constant 1 : i32
    %dma_wait3A_1497 = arith.constant 0 : i32
    %dma_wait3A_1498 = tpu.memref_slice %arg18[%dma_wait3A_1495, %dma_wait3A_1497] : memref<2x64xf32, #tpu.memory_space<vmem>> -> memref<1x64xf32, #tpu.memory_space<vmem>>
    %dma_wait3A_1499 = tpu.memref_squeeze %dma_wait3A_1498 : memref<1x64xf32, #tpu.memory_space<vmem>> -> memref<64xf32, #tpu.memory_space<vmem>>
    %dma_wait3A_1500 = arith.constant 0 : i32
    %dma_wait3A_1501 = tpu.memref_slice %arg27[%dma_wait3A_1496, %dma_wait3A_1500] : memref<2x64xi32, #tpu.memory_space<vmem>> -> memref<1x64xi32, #tpu.memory_space<vmem>>
    %dma_wait3A_1502 = tpu.memref_squeeze %dma_wait3A_1501 : memref<1x64xi32, #tpu.memory_space<vmem>> -> memref<64xi32, #tpu.memory_space<vmem>>
    %dma_wait3A_1503 = arith.constant 0 : i32
    %dma_wait3A_1504 = tpu.memref_slice %arg11[%dma_wait3A_1503] : memref<9633792xf32, #tpu.memory_space<hbm>> -> memref<9633792xf32, #tpu.memory_space<hbm>>
    tpu.wait_indirect_dma semaphore(%arg33 : memref<!tpu.dma_semaphore, #tpu.memory_space<semaphore_mem>>) src(%dma_wait3A_1499 : memref<64xf32, #tpu.memory_space<vmem>>) dst(%dma_wait3A_1504 : memref<9633792xf32, #tpu.memory_space<hbm>>)
    %dma_wait3A_1505 = arith.constant 1 : i32
    %dma_wait3A_1506 = arith.constant 1 : i32
    %dma_wait3A_1507 = arith.constant 0 : i32
    %dma_wait3A_1508 = tpu.memref_slice %arg13[%dma_wait3A_1505, %dma_wait3A_1507] : memref<2x64xf32, #tpu.memory_space<vmem>> -> memref<1x64xf32, #tpu.memory_space<vmem>>
    %dma_wait3A_1509 = tpu.memref_squeeze %dma_wait3A_1508 : memref<1x64xf32, #tpu.memory_space<vmem>> -> memref<64xf32, #tpu.memory_space<vmem>>
    %dma_wait3A_1510 = arith.constant 0 : i32
    %dma_wait3A_1511 = tpu.memref_slice %arg28[%dma_wait3A_1506, %dma_wait3A_1510] : memref<2x64xi32, #tpu.memory_space<vmem>> -> memref<1x64xi32, #tpu.memory_space<vmem>>
    %dma_wait3A_1512 = tpu.memref_squeeze %dma_wait3A_1511 : memref<1x64xi32, #tpu.memory_space<vmem>> -> memref<64xi32, #tpu.memory_space<vmem>>
    %dma_wait3A_1513 = arith.constant 0 : i32
    %dma_wait3A_1514 = tpu.memref_slice %arg11[%dma_wait3A_1513] : memref<9633792xf32, #tpu.memory_space<hbm>> -> memref<9633792xf32, #tpu.memory_space<hbm>>
    tpu.wait_indirect_dma semaphore(%arg33 : memref<!tpu.dma_semaphore, #tpu.memory_space<semaphore_mem>>) src(%dma_wait3A_1509 : memref<64xf32, #tpu.memory_space<vmem>>) dst(%dma_wait3A_1514 : memref<9633792xf32, #tpu.memory_space<hbm>>)
    %dma_wait3A_1515 = arith.constant 1 : i32
    %dma_wait3A_1516 = arith.constant 1 : i32
    %dma_wait3A_1517 = arith.constant 0 : i32
    %dma_wait3A_1518 = tpu.memref_slice %arg13[%dma_wait3A_1515, %dma_wait3A_1517] : memref<2x64xf32, #tpu.memory_space<vmem>> -> memref<1x64xf32, #tpu.memory_space<vmem>>
    %dma_wait3A_1519 = tpu.memref_squeeze %dma_wait3A_1518 : memref<1x64xf32, #tpu.memory_space<vmem>> -> memref<64xf32, #tpu.memory_space<vmem>>
    %dma_wait3A_1520 = arith.constant 0 : i32
    %dma_wait3A_1521 = tpu.memref_slice %arg29[%dma_wait3A_1516, %dma_wait3A_1520] : memref<2x64xi32, #tpu.memory_space<vmem>> -> memref<1x64xi32, #tpu.memory_space<vmem>>
    %dma_wait3A_1522 = tpu.memref_squeeze %dma_wait3A_1521 : memref<1x64xi32, #tpu.memory_space<vmem>> -> memref<64xi32, #tpu.memory_space<vmem>>
    %dma_wait3A_1523 = arith.constant 0 : i32
    %dma_wait3A_1524 = tpu.memref_slice %arg11[%dma_wait3A_1523] : memref<9633792xf32, #tpu.memory_space<hbm>> -> memref<9633792xf32, #tpu.memory_space<hbm>>
    tpu.wait_indirect_dma semaphore(%arg33 : memref<!tpu.dma_semaphore, #tpu.memory_space<semaphore_mem>>) src(%dma_wait3A_1519 : memref<64xf32, #tpu.memory_space<vmem>>) dst(%dma_wait3A_1524 : memref<9633792xf32, #tpu.memory_space<hbm>>)
    %dma_wait3A_1525 = arith.constant 1 : i32
    %dma_wait3A_1526 = arith.constant 1 : i32
    %dma_wait3A_1527 = arith.constant 0 : i32
    %dma_wait3A_1528 = tpu.memref_slice %arg13[%dma_wait3A_1525, %dma_wait3A_1527] : memref<2x64xf32, #tpu.memory_space<vmem>> -> memref<1x64xf32, #tpu.memory_space<vmem>>
    %dma_wait3A_1529 = tpu.memref_squeeze %dma_wait3A_1528 : memref<1x64xf32, #tpu.memory_space<vmem>> -> memref<64xf32, #tpu.memory_space<vmem>>
    %dma_wait3A_1530 = arith.constant 0 : i32
    %dma_wait3A_1531 = tpu.memref_slice %arg30[%dma_wait3A_1526, %dma_wait3A_1530] : memref<2x64xi32, #tpu.memory_space<vmem>> -> memref<1x64xi32, #tpu.memory_space<vmem>>
    %dma_wait3A_1532 = tpu.memref_squeeze %dma_wait3A_1531 : memref<1x64xi32, #tpu.memory_space<vmem>> -> memref<64xi32, #tpu.memory_space<vmem>>
    %dma_wait3A_1533 = arith.constant 0 : i32
    %dma_wait3A_1534 = tpu.memref_slice %arg11[%dma_wait3A_1533] : memref<9633792xf32, #tpu.memory_space<hbm>> -> memref<9633792xf32, #tpu.memory_space<hbm>>
    tpu.wait_indirect_dma semaphore(%arg33 : memref<!tpu.dma_semaphore, #tpu.memory_space<semaphore_mem>>) src(%dma_wait3A_1529 : memref<64xf32, #tpu.memory_space<vmem>>) dst(%dma_wait3A_1534 : memref<9633792xf32, #tpu.memory_space<hbm>>)
    return
  }
}

module attributes {stable_mosaic.version = 14 : i64} {
  func.func @_encode_body(%arg0: memref<64x64xf32, #tpu.memory_space<vmem>>, %arg1: memref<64x64xf32, #tpu.memory_space<vmem>>, %arg2: memref<64x64xf32, #tpu.memory_space<vmem>>, %arg3: memref<64x64xf32, #tpu.memory_space<vmem>>, %arg4: memref<64x64xf32, #tpu.memory_space<vmem>>, %arg5: memref<64x64xf32, #tpu.memory_space<vmem>>, %arg6: memref<64x64xf32, #tpu.memory_space<vmem>>, %arg7: memref<64x64xf32, #tpu.memory_space<vmem>>, %arg8: memref<64x64xf32, #tpu.memory_space<vmem>>, %arg9: memref<64x64xf32, #tpu.memory_space<vmem>>, %arg10: memref<64x64xi32, #tpu.memory_space<vmem>>, %arg11: memref<64x64xi32, #tpu.memory_space<vmem>>, %arg12: memref<64x64xi32, #tpu.memory_space<vmem>>, %arg13: memref<64x64xi32, #tpu.memory_space<vmem>>) attributes {dimension_semantics = [], scalar_prefetch = 0 : i64, scratch_operands = 0 : i64, tpu.core_type = #tpu.core_type<tc>} {
    %get3A = arith.constant 0 : index
    %get3A_0 = arith.constant 0 : index
    %get3A_1 = vector.load %arg0[%get3A, %get3A_0] : memref<64x64xf32, #tpu.memory_space<vmem>>, vector<64x64xf32>
    %get3A_2 = arith.constant 0 : index
    %get3A_3 = arith.constant 0 : index
    %get3A_4 = vector.load %arg1[%get3A_2, %get3A_3] : memref<64x64xf32, #tpu.memory_space<vmem>>, vector<64x64xf32>
    %get3A_5 = arith.constant 0 : index
    %get3A_6 = arith.constant 0 : index
    %get3A_7 = vector.load %arg2[%get3A_5, %get3A_6] : memref<64x64xf32, #tpu.memory_space<vmem>>, vector<64x64xf32>
    %get3A_8 = arith.constant 0 : index
    %get3A_9 = arith.constant 0 : index
    %get3A_10 = vector.load %arg3[%get3A_8, %get3A_9] : memref<64x64xf32, #tpu.memory_space<vmem>>, vector<64x64xf32>
    %get3A_11 = arith.constant 0 : index
    %get3A_12 = arith.constant 0 : index
    %get3A_13 = vector.load %arg4[%get3A_11, %get3A_12] : memref<64x64xf32, #tpu.memory_space<vmem>>, vector<64x64xf32>
    %add3A = arith.addf %get3A_1, %get3A_4 : vector<64x64xf32>
    %add3A_14 = arith.addf %add3A, %get3A_7 : vector<64x64xf32>
    %add3A_15 = arith.addf %add3A_14, %get3A_10 : vector<64x64xf32>
    %add3A_16 = arith.addf %add3A_15, %get3A_13 : vector<64x64xf32>
    %gt3A = arith.constant 0.000000e+00 : f32
    %gt3A_17 = vector.broadcast %gt3A : f32 to vector<64x64xf32>
    %gt3A_18 = arith.cmpf ogt, %add3A_16, %gt3A_17 : vector<64x64xf32>
    %mul3A = arith.constant 4.097000e+03 : f32
    %mul3A_19 = vector.broadcast %mul3A : f32 to vector<64x64xf32>
    %mul3A_20 = arith.mulf %get3A_1, %mul3A_19 : vector<64x64xf32>
    %sub3A = arith.subf %mul3A_20, %get3A_1 : vector<64x64xf32>
    %sub3A_21 = arith.subf %mul3A_20, %sub3A : vector<64x64xf32>
    %sub3A_22 = arith.subf %get3A_1, %sub3A_21 : vector<64x64xf32>
    %mul3A_23 = arith.constant 5.200000e+01 : f32
    %mul3A_24 = vector.broadcast %mul3A_23 : f32 to vector<64x64xf32>
    %mul3A_25 = arith.mulf %sub3A_21, %mul3A_24 : vector<64x64xf32>
    %mul3A_26 = arith.constant 5.200000e+01 : f32
    %mul3A_27 = vector.broadcast %mul3A_26 : f32 to vector<64x64xf32>
    %mul3A_28 = arith.mulf %sub3A_22, %mul3A_27 : vector<64x64xf32>
    %add3A_29 = arith.addf %mul3A_25, %mul3A_28 : vector<64x64xf32>
    %floor3A = math.floor %add3A_29 : vector<64x64xf32>
    %sub3A_30 = arith.subf %mul3A_25, %floor3A : vector<64x64xf32>
    %add3A_31 = arith.addf %sub3A_30, %mul3A_28 : vector<64x64xf32>
    %ge3A = arith.constant 1.000000e+00 : f32
    %ge3A_32 = vector.broadcast %ge3A : f32 to vector<64x64xf32>
    %ge3A_33 = arith.cmpf oge, %add3A_31, %ge3A_32 : vector<64x64xf32>
    %convert_element_type3A = arith.extui %ge3A_33 : vector<64x64xi1> to vector<64x64xi32>
    %convert_element_type3A_34 = arith.sitofp %convert_element_type3A : vector<64x64xi32> to vector<64x64xf32>
    %add3A_35 = arith.addf %floor3A, %convert_element_type3A_34 : vector<64x64xf32>
    %lt3A = arith.constant 0.000000e+00 : f32
    %lt3A_36 = vector.broadcast %lt3A : f32 to vector<64x64xf32>
    %lt3A_37 = arith.cmpf olt, %add3A_31, %lt3A_36 : vector<64x64xf32>
    %convert_element_type3A_38 = arith.extui %lt3A_37 : vector<64x64xi1> to vector<64x64xi32>
    %convert_element_type3A_39 = arith.sitofp %convert_element_type3A_38 : vector<64x64xi32> to vector<64x64xf32>
    %sub3A_40 = arith.subf %add3A_35, %convert_element_type3A_39 : vector<64x64xf32>
    %sub3A_41 = arith.subf %mul3A_25, %sub3A_40 : vector<64x64xf32>
    %add3A_42 = arith.addf %sub3A_41, %mul3A_28 : vector<64x64xf32>
    %convert_element_type3A_43 = arith.fptosi %sub3A_40 : vector<64x64xf32> to vector<64x64xi32>
    %mul3A_44 = arith.constant 4.097000e+03 : f32
    %mul3A_45 = vector.broadcast %mul3A_44 : f32 to vector<64x64xf32>
    %mul3A_46 = arith.mulf %get3A_4, %mul3A_45 : vector<64x64xf32>
    %sub3A_47 = arith.subf %mul3A_46, %get3A_4 : vector<64x64xf32>
    %sub3A_48 = arith.subf %mul3A_46, %sub3A_47 : vector<64x64xf32>
    %sub3A_49 = arith.subf %get3A_4, %sub3A_48 : vector<64x64xf32>
    %mul3A_50 = arith.constant 5.200000e+01 : f32
    %mul3A_51 = vector.broadcast %mul3A_50 : f32 to vector<64x64xf32>
    %mul3A_52 = arith.mulf %sub3A_48, %mul3A_51 : vector<64x64xf32>
    %mul3A_53 = arith.constant 5.200000e+01 : f32
    %mul3A_54 = vector.broadcast %mul3A_53 : f32 to vector<64x64xf32>
    %mul3A_55 = arith.mulf %sub3A_49, %mul3A_54 : vector<64x64xf32>
    %add3A_56 = arith.addf %mul3A_52, %mul3A_55 : vector<64x64xf32>
    %floor3A_57 = math.floor %add3A_56 : vector<64x64xf32>
    %sub3A_58 = arith.subf %mul3A_52, %floor3A_57 : vector<64x64xf32>
    %add3A_59 = arith.addf %sub3A_58, %mul3A_55 : vector<64x64xf32>
    %ge3A_60 = arith.constant 1.000000e+00 : f32
    %ge3A_61 = vector.broadcast %ge3A_60 : f32 to vector<64x64xf32>
    %ge3A_62 = arith.cmpf oge, %add3A_59, %ge3A_61 : vector<64x64xf32>
    %convert_element_type3A_63 = arith.extui %ge3A_62 : vector<64x64xi1> to vector<64x64xi32>
    %convert_element_type3A_64 = arith.sitofp %convert_element_type3A_63 : vector<64x64xi32> to vector<64x64xf32>
    %add3A_65 = arith.addf %floor3A_57, %convert_element_type3A_64 : vector<64x64xf32>
    %lt3A_66 = arith.constant 0.000000e+00 : f32
    %lt3A_67 = vector.broadcast %lt3A_66 : f32 to vector<64x64xf32>
    %lt3A_68 = arith.cmpf olt, %add3A_59, %lt3A_67 : vector<64x64xf32>
    %convert_element_type3A_69 = arith.extui %lt3A_68 : vector<64x64xi1> to vector<64x64xi32>
    %convert_element_type3A_70 = arith.sitofp %convert_element_type3A_69 : vector<64x64xi32> to vector<64x64xf32>
    %sub3A_71 = arith.subf %add3A_65, %convert_element_type3A_70 : vector<64x64xf32>
    %sub3A_72 = arith.subf %mul3A_52, %sub3A_71 : vector<64x64xf32>
    %add3A_73 = arith.addf %sub3A_72, %mul3A_55 : vector<64x64xf32>
    %convert_element_type3A_74 = arith.fptosi %sub3A_71 : vector<64x64xf32> to vector<64x64xi32>
    %mul3A_75 = arith.constant 5.200000e+01 : f32
    %mul3A_76 = vector.broadcast %mul3A_75 : f32 to vector<64x64xf32>
    %mul3A_77 = arith.mulf %get3A_7, %mul3A_76 : vector<64x64xf32>
    %mul3A_78 = arith.constant 5.200000e+01 : f32
    %mul3A_79 = vector.broadcast %mul3A_78 : f32 to vector<64x64xf32>
    %mul3A_80 = arith.mulf %get3A_10, %mul3A_79 : vector<64x64xf32>
    %min3A = arith.constant 1.250000e+00 : f32
    %min3A_81 = vector.broadcast %min3A : f32 to vector<64x64xf32>
    %min3A_82 = arith.minimumf %mul3A_77, %min3A_81 : vector<64x64xf32>
    %min3A_83 = arith.constant 1.625000e+00 : f32
    %min3A_84 = vector.broadcast %min3A_83 : f32 to vector<64x64xf32>
    %min3A_85 = arith.minimumf %mul3A_80, %min3A_84 : vector<64x64xf32>
    %mul3A_86 = arith.mulf %min3A_82, %min3A_85 : vector<64x64xf32>
    %mul3A_87 = arith.mulf %mul3A_77, %mul3A_80 : vector<64x64xf32>
    %add3A_88 = arith.constant 2.031250e+00 : f32
    %add3A_89 = vector.broadcast %add3A_88 : f32 to vector<64x64xf32>
    %add3A_90 = arith.addf %mul3A_87, %add3A_89 : vector<64x64xf32>
    %sub3A_91 = arith.subf %add3A_90, %mul3A_86 : vector<64x64xf32>
    %add3A_92 = arith.constant 1.000000e-16 : f32
    %add3A_93 = vector.broadcast %add3A_92 : f32 to vector<64x64xf32>
    %add3A_94 = arith.addf %sub3A_91, %add3A_93 : vector<64x64xf32>
    %div3A = arith.divf %mul3A_86, %add3A_94 : vector<64x64xf32>
    %min3A_95 = arith.constant 2.000000e+00 : f32
    %min3A_96 = vector.broadcast %min3A_95 : f32 to vector<64x64xf32>
    %min3A_97 = arith.minimumf %mul3A_77, %min3A_96 : vector<64x64xf32>
    %min3A_98 = arith.constant 3.750000e+00 : f32
    %min3A_99 = vector.broadcast %min3A_98 : f32 to vector<64x64xf32>
    %min3A_100 = arith.minimumf %mul3A_80, %min3A_99 : vector<64x64xf32>
    %mul3A_101 = arith.mulf %min3A_97, %min3A_100 : vector<64x64xf32>
    %mul3A_102 = arith.mulf %mul3A_77, %mul3A_80 : vector<64x64xf32>
    %add3A_103 = arith.constant 7.500000e+00 : f32
    %add3A_104 = vector.broadcast %add3A_103 : f32 to vector<64x64xf32>
    %add3A_105 = arith.addf %mul3A_102, %add3A_104 : vector<64x64xf32>
    %sub3A_106 = arith.subf %add3A_105, %mul3A_101 : vector<64x64xf32>
    %add3A_107 = arith.constant 1.000000e-16 : f32
    %add3A_108 = vector.broadcast %add3A_107 : f32 to vector<64x64xf32>
    %add3A_109 = arith.addf %sub3A_106, %add3A_108 : vector<64x64xf32>
    %div3A_110 = arith.divf %mul3A_101, %add3A_109 : vector<64x64xf32>
    %min3A_111 = arith.constant 4.125000e+00 : f32
    %min3A_112 = vector.broadcast %min3A_111 : f32 to vector<64x64xf32>
    %min3A_113 = arith.minimumf %mul3A_77, %min3A_112 : vector<64x64xf32>
    %min3A_114 = arith.constant 2.875000e+00 : f32
    %min3A_115 = vector.broadcast %min3A_114 : f32 to vector<64x64xf32>
    %min3A_116 = arith.minimumf %mul3A_80, %min3A_115 : vector<64x64xf32>
    %mul3A_117 = arith.mulf %min3A_113, %min3A_116 : vector<64x64xf32>
    %mul3A_118 = arith.mulf %mul3A_77, %mul3A_80 : vector<64x64xf32>
    %add3A_119 = arith.constant 11.859375 : f32
    %add3A_120 = vector.broadcast %add3A_119 : f32 to vector<64x64xf32>
    %add3A_121 = arith.addf %mul3A_118, %add3A_120 : vector<64x64xf32>
    %sub3A_122 = arith.subf %add3A_121, %mul3A_117 : vector<64x64xf32>
    %add3A_123 = arith.constant 1.000000e-16 : f32
    %add3A_124 = vector.broadcast %add3A_123 : f32 to vector<64x64xf32>
    %add3A_125 = arith.addf %sub3A_122, %add3A_124 : vector<64x64xf32>
    %div3A_126 = arith.divf %mul3A_117, %add3A_125 : vector<64x64xf32>
    %ge3A_127 = arith.cmpf oge, %div3A, %div3A_110 : vector<64x64xf32>
    %ge3A_128 = arith.cmpf oge, %div3A, %div3A_126 : vector<64x64xf32>
    %jit3A = arith.constant 0 : i32
    %jit3A_129 = arith.constant 2 : i32
    %broadcast_in_dim3A = vector.broadcast %jit3A : i32 to vector<64x64xi32>
    %broadcast_in_dim3A_130 = vector.broadcast %jit3A_129 : i32 to vector<64x64xi32>
    %select_n3A = arith.select %ge3A_128, %broadcast_in_dim3A, %broadcast_in_dim3A_130 : vector<64x64xi1>, vector<64x64xi32>
    %ge3A_131 = arith.cmpf oge, %div3A_110, %div3A_126 : vector<64x64xf32>
    %jit3A_132 = arith.constant 1 : i32
    %jit3A_133 = arith.constant 2 : i32
    %broadcast_in_dim3A_134 = vector.broadcast %jit3A_132 : i32 to vector<64x64xi32>
    %broadcast_in_dim3A_135 = vector.broadcast %jit3A_133 : i32 to vector<64x64xi32>
    %select_n3A_136 = arith.select %ge3A_131, %broadcast_in_dim3A_134, %broadcast_in_dim3A_135 : vector<64x64xi1>, vector<64x64xi32>
    %select_n3A_137 = arith.select %ge3A_127, %select_n3A, %select_n3A_136 : vector<64x64xi1>, vector<64x64xi32>
    %gt3A_138 = arith.constant 0.699999988 : f32
    %gt3A_139 = vector.broadcast %gt3A_138 : f32 to vector<64x64xf32>
    %gt3A_140 = arith.cmpf ogt, %div3A, %gt3A_139 : vector<64x64xf32>
    %and3A = arith.andi %gt3A_18, %gt3A_140 : vector<64x64xi1>
    %gt3A_141 = arith.constant 0.699999988 : f32
    %gt3A_142 = vector.broadcast %gt3A_141 : f32 to vector<64x64xf32>
    %gt3A_143 = arith.cmpf ogt, %div3A_110, %gt3A_142 : vector<64x64xf32>
    %and3A_144 = arith.andi %gt3A_18, %gt3A_143 : vector<64x64xi1>
    %gt3A_145 = arith.constant 0.699999988 : f32
    %gt3A_146 = vector.broadcast %gt3A_145 : f32 to vector<64x64xf32>
    %gt3A_147 = arith.cmpf ogt, %div3A_126, %gt3A_146 : vector<64x64xf32>
    %and3A_148 = arith.andi %gt3A_18, %gt3A_147 : vector<64x64xi1>
    %eq3A = arith.constant 0 : i32
    %eq3A_149 = vector.broadcast %eq3A : i32 to vector<64x64xi32>
    %eq3A_150 = arith.cmpi eq, %select_n3A_137, %eq3A_149 : vector<64x64xi32>
    %eq3A_151 = arith.constant 1 : i32
    %eq3A_152 = vector.broadcast %eq3A_151 : i32 to vector<64x64xi32>
    %eq3A_153 = arith.cmpi eq, %select_n3A_137, %eq3A_152 : vector<64x64xi32>
    %jit3A_154 = arith.constant 2.000000e+00 : f32
    %jit3A_155 = arith.constant 4.125000e+00 : f32
    %broadcast_in_dim3A_156 = vector.broadcast %jit3A_154 : f32 to vector<64x64xf32>
    %broadcast_in_dim3A_157 = vector.broadcast %jit3A_155 : f32 to vector<64x64xf32>
    %select_n3A_158 = arith.select %eq3A_153, %broadcast_in_dim3A_156, %broadcast_in_dim3A_157 : vector<64x64xi1>, vector<64x64xf32>
    %jit3A_159 = arith.constant 1.250000e+00 : f32
    %broadcast_in_dim3A_160 = vector.broadcast %jit3A_159 : f32 to vector<64x64xf32>
    %select_n3A_161 = arith.select %eq3A_150, %broadcast_in_dim3A_160, %select_n3A_158 : vector<64x64xi1>, vector<64x64xf32>
    %eq3A_162 = arith.constant 0 : i32
    %eq3A_163 = vector.broadcast %eq3A_162 : i32 to vector<64x64xi32>
    %eq3A_164 = arith.cmpi eq, %select_n3A_137, %eq3A_163 : vector<64x64xi32>
    %eq3A_165 = arith.constant 1 : i32
    %eq3A_166 = vector.broadcast %eq3A_165 : i32 to vector<64x64xi32>
    %eq3A_167 = arith.cmpi eq, %select_n3A_137, %eq3A_166 : vector<64x64xi32>
    %jit3A_168 = arith.constant 3.750000e+00 : f32
    %jit3A_169 = arith.constant 2.875000e+00 : f32
    %broadcast_in_dim3A_170 = vector.broadcast %jit3A_168 : f32 to vector<64x64xf32>
    %broadcast_in_dim3A_171 = vector.broadcast %jit3A_169 : f32 to vector<64x64xf32>
    %select_n3A_172 = arith.select %eq3A_167, %broadcast_in_dim3A_170, %broadcast_in_dim3A_171 : vector<64x64xi1>, vector<64x64xf32>
    %jit3A_173 = arith.constant 1.625000e+00 : f32
    %broadcast_in_dim3A_174 = vector.broadcast %jit3A_173 : f32 to vector<64x64xf32>
    %select_n3A_175 = arith.select %eq3A_164, %broadcast_in_dim3A_174, %select_n3A_172 : vector<64x64xi1>, vector<64x64xf32>
    %mul3A_176 = arith.constant 2704 : i32
    %mul3A_177 = vector.broadcast %mul3A_176 : i32 to vector<64x64xi32>
    %mul3A_178 = arith.muli %select_n3A_137, %mul3A_177 : vector<64x64xi32>
    %mul3A_179 = arith.constant 52 : i32
    %mul3A_180 = vector.broadcast %mul3A_179 : i32 to vector<64x64xi32>
    %mul3A_181 = arith.muli %convert_element_type3A_74, %mul3A_180 : vector<64x64xi32>
    %add3A_182 = arith.addi %mul3A_178, %mul3A_181 : vector<64x64xi32>
    %add3A_183 = arith.addi %add3A_182, %convert_element_type3A_43 : vector<64x64xi32>
    %iota3A = tpu.iota {dimensions = array<i32: 1>} : vector<64x64x64xi32>
    %iota3A_184 = tpu.iota {dimensions = array<i32: 2>} : vector<64x64x64xi32>
    %broadcast_in_dim3A_185 = vector.shape_cast %add3A_183 : vector<64x64xi32> to vector<64x64x1xi32>
    %broadcast_in_dim3A_186 = vector.shape_cast %add3A_183 : vector<64x64xi32> to vector<64x1x64xi32>
    %eq3A_187 = vector.broadcast %broadcast_in_dim3A_185 : vector<64x64x1xi32> to vector<64x64x64xi32>
    %eq3A_188 = vector.broadcast %broadcast_in_dim3A_186 : vector<64x1x64xi32> to vector<64x64x64xi32>
    %eq3A_189 = arith.cmpi eq, %eq3A_187, %eq3A_188 : vector<64x64x64xi32>
    %broadcast_in_dim3A_190 = vector.shape_cast %gt3A_18 : vector<64x64xi1> to vector<64x1x64xi1>
    %broadcast_in_dim3A_191 = vector.shape_cast %broadcast_in_dim3A_190 : vector<64x1x64xi1> to vector<64x1x64xi1>
    %broadcast_in_dim3A_192 = vector.broadcast %broadcast_in_dim3A_191 : vector<64x1x64xi1> to vector<64x64x64xi1>
    %and3A_193 = arith.andi %eq3A_189, %broadcast_in_dim3A_192 : vector<64x64x64xi1>
    %gt3A_194 = arith.cmpi sgt, %iota3A_184, %iota3A : vector<64x64x64xi32>
    %and3A_195 = arith.andi %and3A_193, %gt3A_194 : vector<64x64x64xi1>
    %reduce_or3A = arith.constant 1.000000e+00 : f32
    %reduce_or3A_196 = arith.constant 0.000000e+00 : f32
    %reduce_or3A_197 = vector.broadcast %reduce_or3A : f32 to vector<64x64x64xf32>
    %reduce_or3A_198 = vector.broadcast %reduce_or3A_196 : f32 to vector<64x64x64xf32>
    %reduce_or3A_199 = arith.select %and3A_195, %reduce_or3A_197, %reduce_or3A_198 : vector<64x64x64xi1>, vector<64x64x64xf32>
    %reduce_or3A_200 = arith.constant dense<0xFF800000> : vector<64x64xf32>
    %reduce_or3A_201 = vector.multi_reduction <maximumf>, %reduce_or3A_199, %reduce_or3A_200 [2] : vector<64x64x64xf32> to vector<64x64xf32>
    %reduce_or3A_202 = arith.constant 0.000000e+00 : f32
    %reduce_or3A_203 = vector.broadcast %reduce_or3A_202 : f32 to vector<64x64xf32>
    %reduce_or3A_204 = arith.cmpf ogt, %reduce_or3A_201, %reduce_or3A_203 : vector<64x64xf32>
    %not3A = arith.constant dense<true> : vector<64x64xi1>
    %not3A_205 = arith.xori %reduce_or3A_204, %not3A : vector<64x64xi1>
    %and3A_206 = arith.andi %gt3A_18, %not3A_205 : vector<64x64xi1>
    %swap3A = arith.constant 0 : index
    %swap3A_207 = arith.constant 0 : index
    %swap3A_208 = vector.load %arg5[%swap3A, %swap3A_207] : memref<64x64xf32, #tpu.memory_space<vmem>>, vector<64x64xf32>
    tpu.vector_store %arg5[%swap3A, %swap3A_207], %add3A_42 {strides = array<i32>} : memref<64x64xf32, #tpu.memory_space<vmem>>, vector<64x64xf32>,
    %swap3A_209 = arith.constant 0 : index
    %swap3A_210 = arith.constant 0 : index
    %swap3A_211 = vector.load %arg6[%swap3A_209, %swap3A_210] : memref<64x64xf32, #tpu.memory_space<vmem>>, vector<64x64xf32>
    tpu.vector_store %arg6[%swap3A_209, %swap3A_210], %add3A_73 {strides = array<i32>} : memref<64x64xf32, #tpu.memory_space<vmem>>, vector<64x64xf32>,
    %div3A_212 = arith.divf %mul3A_77, %select_n3A_161 : vector<64x64xf32>
    %swap3A_213 = arith.constant 0 : index
    %swap3A_214 = arith.constant 0 : index
    %swap3A_215 = vector.load %arg7[%swap3A_213, %swap3A_214] : memref<64x64xf32, #tpu.memory_space<vmem>>, vector<64x64xf32>
    tpu.vector_store %arg7[%swap3A_213, %swap3A_214], %div3A_212 {strides = array<i32>} : memref<64x64xf32, #tpu.memory_space<vmem>>, vector<64x64xf32>,
    %div3A_216 = arith.divf %mul3A_80, %select_n3A_175 : vector<64x64xf32>
    %swap3A_217 = arith.constant 0 : index
    %swap3A_218 = arith.constant 0 : index
    %swap3A_219 = vector.load %arg8[%swap3A_217, %swap3A_218] : memref<64x64xf32, #tpu.memory_space<vmem>>, vector<64x64xf32>
    tpu.vector_store %arg8[%swap3A_217, %swap3A_218], %div3A_216 {strides = array<i32>} : memref<64x64xf32, #tpu.memory_space<vmem>>, vector<64x64xf32>,
    %convert_element_type3A_220 = arith.fptosi %get3A_13 : vector<64x64xf32> to vector<64x64xi32>
    %convert_element_type3A_221 = arith.sitofp %convert_element_type3A_220 : vector<64x64xi32> to vector<64x64xf32>
    %swap3A_222 = arith.constant 0 : index
    %swap3A_223 = arith.constant 0 : index
    %swap3A_224 = vector.load %arg9[%swap3A_222, %swap3A_223] : memref<64x64xf32, #tpu.memory_space<vmem>>, vector<64x64xf32>
    tpu.vector_store %arg9[%swap3A_222, %swap3A_223], %convert_element_type3A_221 {strides = array<i32>} : memref<64x64xf32, #tpu.memory_space<vmem>>, vector<64x64xf32>,
    %iota3A_225 = tpu.iota {dimensions = array<i32: 0>} : vector<64x64xi32>
    %mul3A_226 = arith.constant 21504 : i32
    %mul3A_227 = vector.broadcast %mul3A_226 : i32 to vector<64x64xi32>
    %mul3A_228 = arith.muli %iota3A_225, %mul3A_227 : vector<64x64xi32>
    %add3A_229 = arith.constant 127 : i32
    %add3A_230 = vector.broadcast %add3A_229 : i32 to vector<64x64xi32>
    %add3A_231 = arith.addi %mul3A_228, %add3A_230 : vector<64x64xi32>
    %mul3A_232 = arith.constant 3 : i32
    %mul3A_233 = vector.broadcast %mul3A_232 : i32 to vector<64x64xi32>
    %mul3A_234 = arith.muli %iota3A_225, %mul3A_233 : vector<64x64xi32>
    %add3A_235 = arith.addi %mul3A_234, %select_n3A_137 : vector<64x64xi32>
    %mul3A_236 = arith.constant 56 : i32
    %mul3A_237 = vector.broadcast %mul3A_236 : i32 to vector<64x64xi32>
    %mul3A_238 = arith.muli %add3A_235, %mul3A_237 : vector<64x64xi32>
    %add3A_239 = arith.addi %mul3A_238, %convert_element_type3A_74 : vector<64x64xi32>
    %mul3A_240 = arith.constant 128 : i32
    %mul3A_241 = vector.broadcast %mul3A_240 : i32 to vector<64x64xi32>
    %mul3A_242 = arith.muli %add3A_239, %mul3A_241 : vector<64x64xi32>
    %add3A_243 = arith.addi %mul3A_242, %convert_element_type3A_43 : vector<64x64xi32>
    %select_n3A_244 = arith.select %and3A_206, %add3A_243, %add3A_231 : vector<64x64xi1>, vector<64x64xi32>
    %swap3A_245 = arith.constant 0 : index
    %swap3A_246 = arith.constant 0 : index
    %swap3A_247 = vector.load %arg10[%swap3A_245, %swap3A_246] : memref<64x64xi32, #tpu.memory_space<vmem>>, vector<64x64xi32>
    tpu.vector_store %arg10[%swap3A_245, %swap3A_246], %select_n3A_244 {strides = array<i32>} : memref<64x64xi32, #tpu.memory_space<vmem>>, vector<64x64xi32>,
    %mul3A_248 = arith.constant 128 : i32
    %mul3A_249 = vector.broadcast %mul3A_248 : i32 to vector<64x64xi32>
    %mul3A_250 = arith.muli %convert_element_type3A_74, %mul3A_249 : vector<64x64xi32>
    %add3A_251 = arith.addi %mul3A_250, %convert_element_type3A_43 : vector<64x64xi32>
    %mul3A_252 = arith.constant 3 : i32
    %mul3A_253 = vector.broadcast %mul3A_252 : i32 to vector<64x64xi32>
    %mul3A_254 = arith.muli %iota3A_225, %mul3A_253 : vector<64x64xi32>
    %add3A_255 = arith.constant 0 : i32
    %add3A_256 = vector.broadcast %add3A_255 : i32 to vector<64x64xi32>
    %add3A_257 = arith.addi %mul3A_254, %add3A_256 : vector<64x64xi32>
    %mul3A_258 = arith.constant 56 : i32
    %mul3A_259 = vector.broadcast %mul3A_258 : i32 to vector<64x64xi32>
    %mul3A_260 = arith.muli %add3A_257, %mul3A_259 : vector<64x64xi32>
    %mul3A_261 = arith.constant 128 : i32
    %mul3A_262 = vector.broadcast %mul3A_261 : i32 to vector<64x64xi32>
    %mul3A_263 = arith.muli %mul3A_260, %mul3A_262 : vector<64x64xi32>
    %add3A_264 = arith.addi %mul3A_263, %add3A_251 : vector<64x64xi32>
    %select_n3A_265 = arith.select %and3A, %add3A_264, %add3A_231 : vector<64x64xi1>, vector<64x64xi32>
    %swap3A_266 = arith.constant 0 : index
    %swap3A_267 = arith.constant 0 : index
    %swap3A_268 = vector.load %arg11[%swap3A_266, %swap3A_267] : memref<64x64xi32, #tpu.memory_space<vmem>>, vector<64x64xi32>
    tpu.vector_store %arg11[%swap3A_266, %swap3A_267], %select_n3A_265 {strides = array<i32>} : memref<64x64xi32, #tpu.memory_space<vmem>>, vector<64x64xi32>,
    %mul3A_269 = arith.constant 3 : i32
    %mul3A_270 = vector.broadcast %mul3A_269 : i32 to vector<64x64xi32>
    %mul3A_271 = arith.muli %iota3A_225, %mul3A_270 : vector<64x64xi32>
    %add3A_272 = arith.constant 1 : i32
    %add3A_273 = vector.broadcast %add3A_272 : i32 to vector<64x64xi32>
    %add3A_274 = arith.addi %mul3A_271, %add3A_273 : vector<64x64xi32>
    %mul3A_275 = arith.constant 56 : i32
    %mul3A_276 = vector.broadcast %mul3A_275 : i32 to vector<64x64xi32>
    %mul3A_277 = arith.muli %add3A_274, %mul3A_276 : vector<64x64xi32>
    %mul3A_278 = arith.constant 128 : i32
    %mul3A_279 = vector.broadcast %mul3A_278 : i32 to vector<64x64xi32>
    %mul3A_280 = arith.muli %mul3A_277, %mul3A_279 : vector<64x64xi32>
    %add3A_281 = arith.addi %mul3A_280, %add3A_251 : vector<64x64xi32>
    %select_n3A_282 = arith.select %and3A_144, %add3A_281, %add3A_231 : vector<64x64xi1>, vector<64x64xi32>
    %swap3A_283 = arith.constant 0 : index
    %swap3A_284 = arith.constant 0 : index
    %swap3A_285 = vector.load %arg12[%swap3A_283, %swap3A_284] : memref<64x64xi32, #tpu.memory_space<vmem>>, vector<64x64xi32>
    tpu.vector_store %arg12[%swap3A_283, %swap3A_284], %select_n3A_282 {strides = array<i32>} : memref<64x64xi32, #tpu.memory_space<vmem>>, vector<64x64xi32>,
    %mul3A_286 = arith.constant 3 : i32
    %mul3A_287 = vector.broadcast %mul3A_286 : i32 to vector<64x64xi32>
    %mul3A_288 = arith.muli %iota3A_225, %mul3A_287 : vector<64x64xi32>
    %add3A_289 = arith.constant 2 : i32
    %add3A_290 = vector.broadcast %add3A_289 : i32 to vector<64x64xi32>
    %add3A_291 = arith.addi %mul3A_288, %add3A_290 : vector<64x64xi32>
    %mul3A_292 = arith.constant 56 : i32
    %mul3A_293 = vector.broadcast %mul3A_292 : i32 to vector<64x64xi32>
    %mul3A_294 = arith.muli %add3A_291, %mul3A_293 : vector<64x64xi32>
    %mul3A_295 = arith.constant 128 : i32
    %mul3A_296 = vector.broadcast %mul3A_295 : i32 to vector<64x64xi32>
    %mul3A_297 = arith.muli %mul3A_294, %mul3A_296 : vector<64x64xi32>
    %add3A_298 = arith.addi %mul3A_297, %add3A_251 : vector<64x64xi32>
    %select_n3A_299 = arith.select %and3A_148, %add3A_298, %add3A_231 : vector<64x64xi1>, vector<64x64xi32>
    %swap3A_300 = arith.constant 0 : index
    %swap3A_301 = arith.constant 0 : index
    %swap3A_302 = vector.load %arg13[%swap3A_300, %swap3A_301] : memref<64x64xi32, #tpu.memory_space<vmem>>, vector<64x64xi32>
    tpu.vector_store %arg13[%swap3A_300, %swap3A_301], %select_n3A_299 {strides = array<i32>} : memref<64x64xi32, #tpu.memory_space<vmem>>, vector<64x64xi32>,
    return
  }
}

module attributes {stable_mosaic.version = 14 : i64} {
  func.func @_dense_body(%arg0: i32, %arg1: i32, %arg2: memref<1x85x52x52xf32, #tpu.memory_space<vmem>>, %arg3: memref<56x128xf32, #tpu.memory_space<vmem>>, %arg4: memref<56x128xf32, #tpu.memory_space<vmem>>, %arg5: memref<56x128xf32, #tpu.memory_space<vmem>>, %arg6: memref<56x128xf32, #tpu.memory_space<vmem>>, %arg7: memref<56x128xf32, #tpu.memory_space<vmem>>, %arg8: memref<56x128xf32, #tpu.memory_space<vmem>>, %arg9: memref<56x128xf32, #tpu.memory_space<vmem>>, %arg10: memref<1x8xf32, #tpu.memory_space<smem>>) attributes {dimension_semantics = [#tpu.dimension_semantics<arbitrary>, #tpu.dimension_semantics<arbitrary>], iteration_bounds = array<i64: 64, 3>, scalar_prefetch = 0 : i64, scratch_operands = 0 : i64, tpu.core_type = #tpu.core_type<tc>, window_params = [{transform_indices = @transform_0, window_bounds = array<i64: 1, 85, 52, 52>}, {transform_indices = @transform_1, window_bounds = array<i64: 56, 128>}, {transform_indices = @transform_2, window_bounds = array<i64: 56, 128>}, {transform_indices = @transform_3, window_bounds = array<i64: 56, 128>}, {transform_indices = @transform_4, window_bounds = array<i64: 56, 128>}, {transform_indices = @transform_5, window_bounds = array<i64: 56, 128>}, {transform_indices = @transform_6, window_bounds = array<i64: 56, 128>}, {transform_indices = @transform_7, window_bounds = array<i64: 56, 128>}, {transform_indices = @transform_8, window_bounds = array<i64: 1, 8>}]} {
    %eq3A = arith.constant 0 : i32
    %eq3A_0 = arith.cmpi eq, %arg0, %eq3A : i32
    %eq3A_1 = arith.constant 0 : i32
    %eq3A_2 = arith.cmpi eq, %arg1, %eq3A_1 : i32
    %and3A = arith.andi %eq3A_0, %eq3A_2 : i1
    %convert_element_type3A = arith.extui %and3A : i1 to i32
    %cond3A = arith.constant 0 : i32
    %cond3A_3 = arith.cmpi ne, %convert_element_type3A, %cond3A : i32
    scf.if %cond3A_3 {
      %swap3A_196 = arith.constant 0.000000e+00 : f32
      %swap3A_197 = arith.constant 0 : index
      %swap3A_198 = arith.constant 0 : index
      %swap3A_199 = memref.load %arg10[%swap3A_197, %swap3A_198] : memref<1x8xf32, #tpu.memory_space<smem>>
      memref.store %swap3A_196, %arg10[%swap3A_197, %swap3A_198] : memref<1x8xf32, #tpu.memory_space<smem>>
      %swap3A_200 = arith.constant 0.000000e+00 : f32
      %swap3A_201 = arith.constant 0 : index
      %swap3A_202 = arith.constant 1 : index
      %swap3A_203 = memref.load %arg10[%swap3A_201, %swap3A_202] : memref<1x8xf32, #tpu.memory_space<smem>>
      memref.store %swap3A_200, %arg10[%swap3A_201, %swap3A_202] : memref<1x8xf32, #tpu.memory_space<smem>>
      %swap3A_204 = arith.constant 0.000000e+00 : f32
      %swap3A_205 = arith.constant 0 : index
      %swap3A_206 = arith.constant 2 : index
      %swap3A_207 = memref.load %arg10[%swap3A_205, %swap3A_206] : memref<1x8xf32, #tpu.memory_space<smem>>
      memref.store %swap3A_204, %arg10[%swap3A_205, %swap3A_206] : memref<1x8xf32, #tpu.memory_space<smem>>
      %swap3A_208 = arith.constant 0.000000e+00 : f32
      %swap3A_209 = arith.constant 0 : index
      %swap3A_210 = arith.constant 3 : index
      %swap3A_211 = memref.load %arg10[%swap3A_209, %swap3A_210] : memref<1x8xf32, #tpu.memory_space<smem>>
      memref.store %swap3A_208, %arg10[%swap3A_209, %swap3A_210] : memref<1x8xf32, #tpu.memory_space<smem>>
      %swap3A_212 = arith.constant 0.000000e+00 : f32
      %swap3A_213 = arith.constant 0 : index
      %swap3A_214 = arith.constant 4 : index
      %swap3A_215 = memref.load %arg10[%swap3A_213, %swap3A_214] : memref<1x8xf32, #tpu.memory_space<smem>>
      memref.store %swap3A_212, %arg10[%swap3A_213, %swap3A_214] : memref<1x8xf32, #tpu.memory_space<smem>>
      %swap3A_216 = arith.constant 0.000000e+00 : f32
      %swap3A_217 = arith.constant 0 : index
      %swap3A_218 = arith.constant 5 : index
      %swap3A_219 = memref.load %arg10[%swap3A_217, %swap3A_218] : memref<1x8xf32, #tpu.memory_space<smem>>
      memref.store %swap3A_216, %arg10[%swap3A_217, %swap3A_218] : memref<1x8xf32, #tpu.memory_space<smem>>
      %swap3A_220 = arith.constant 0.000000e+00 : f32
      %swap3A_221 = arith.constant 0 : index
      %swap3A_222 = arith.constant 6 : index
      %swap3A_223 = memref.load %arg10[%swap3A_221, %swap3A_222] : memref<1x8xf32, #tpu.memory_space<smem>>
      memref.store %swap3A_220, %arg10[%swap3A_221, %swap3A_222] : memref<1x8xf32, #tpu.memory_space<smem>>
      %swap3A_224 = arith.constant 0.000000e+00 : f32
      %swap3A_225 = arith.constant 0 : index
      %swap3A_226 = arith.constant 7 : index
      %swap3A_227 = memref.load %arg10[%swap3A_225, %swap3A_226] : memref<1x8xf32, #tpu.memory_space<smem>>
      memref.store %swap3A_224, %arg10[%swap3A_225, %swap3A_226] : memref<1x8xf32, #tpu.memory_space<smem>>
    } else {
    }
    %get3A = arith.constant 0 : index
    %get3A_4 = arith.constant 0 : index
    %get3A_5 = arith.constant 0 : index
    %get3A_6 = arith.constant 0 : index
    %get3A_7 = vector.load %arg2[%get3A, %get3A_4, %get3A_5, %get3A_6] : memref<1x85x52x52xf32, #tpu.memory_space<vmem>>, vector<1x85x52x52xf32>
    %get3A_8 = vector.shape_cast %get3A_7 : vector<1x85x52x52xf32> to vector<85x52x52xf32>
    %get3A_9 = arith.constant 0 : index
    %get3A_10 = arith.constant 0 : index
    %get3A_11 = vector.load %arg3[%get3A_9, %get3A_10] : memref<56x128xf32, #tpu.memory_space<vmem>>, vector<52x52xf32>
    %get3A_12 = arith.constant 0 : index
    %get3A_13 = arith.constant 0 : index
    %get3A_14 = vector.load %arg4[%get3A_12, %get3A_13] : memref<56x128xf32, #tpu.memory_space<vmem>>, vector<52x52xf32>
    %get3A_15 = arith.constant 0 : index
    %get3A_16 = arith.constant 0 : index
    %get3A_17 = vector.load %arg5[%get3A_15, %get3A_16] : memref<56x128xf32, #tpu.memory_space<vmem>>, vector<52x52xf32>
    %get3A_18 = arith.constant 0 : index
    %get3A_19 = arith.constant 0 : index
    %get3A_20 = vector.load %arg6[%get3A_18, %get3A_19] : memref<56x128xf32, #tpu.memory_space<vmem>>, vector<52x52xf32>
    %get3A_21 = arith.constant 0 : index
    %get3A_22 = arith.constant 0 : index
    %get3A_23 = vector.load %arg7[%get3A_21, %get3A_22] : memref<56x128xf32, #tpu.memory_space<vmem>>, vector<52x52xf32>
    %get3A_24 = arith.constant 0 : index
    %get3A_25 = arith.constant 0 : index
    %get3A_26 = vector.load %arg8[%get3A_24, %get3A_25] : memref<56x128xf32, #tpu.memory_space<vmem>>, vector<52x52xf32>
    %convert_element_type3A_27 = arith.fptosi %get3A_26 : vector<52x52xf32> to vector<52x52xi32>
    %get3A_28 = arith.constant 0 : index
    %get3A_29 = arith.constant 0 : index
    %get3A_30 = vector.load %arg9[%get3A_28, %get3A_29] : memref<56x128xf32, #tpu.memory_space<vmem>>, vector<52x52xf32>
    %slice3A = vector.extract_strided_slice %get3A_8 {offsets = [0, 0, 0], sizes = [1, 52, 52], strides = [1, 1, 1]} : vector<85x52x52xf32> to vector<1x52x52xf32>
    %squeeze3A = vector.shape_cast %slice3A : vector<1x52x52xf32> to vector<52x52xf32>
    %logistic3A = arith.negf %squeeze3A : vector<52x52xf32>
    %logistic3A_31 = math.exp %logistic3A : vector<52x52xf32>
    %logistic3A_32 = arith.constant 1.000000e+00 : f32
    %logistic3A_33 = vector.broadcast %logistic3A_32 : f32 to vector<52x52xf32>
    %logistic3A_34 = arith.addf %logistic3A_33, %logistic3A_31 : vector<52x52xf32>
    %logistic3A_35 = arith.divf %logistic3A_33, %logistic3A_34 : vector<52x52xf32>
    %slice3A_36 = vector.extract_strided_slice %get3A_8 {offsets = [1, 0, 0], sizes = [1, 52, 52], strides = [1, 1, 1]} : vector<85x52x52xf32> to vector<1x52x52xf32>
    %squeeze3A_37 = vector.shape_cast %slice3A_36 : vector<1x52x52xf32> to vector<52x52xf32>
    %logistic3A_38 = arith.negf %squeeze3A_37 : vector<52x52xf32>
    %logistic3A_39 = math.exp %logistic3A_38 : vector<52x52xf32>
    %logistic3A_40 = arith.constant 1.000000e+00 : f32
    %logistic3A_41 = vector.broadcast %logistic3A_40 : f32 to vector<52x52xf32>
    %logistic3A_42 = arith.addf %logistic3A_41, %logistic3A_39 : vector<52x52xf32>
    %logistic3A_43 = arith.divf %logistic3A_41, %logistic3A_42 : vector<52x52xf32>
    %slice3A_44 = vector.extract_strided_slice %get3A_8 {offsets = [2, 0, 0], sizes = [1, 52, 52], strides = [1, 1, 1]} : vector<85x52x52xf32> to vector<1x52x52xf32>
    %squeeze3A_45 = vector.shape_cast %slice3A_44 : vector<1x52x52xf32> to vector<52x52xf32>
    %exp3A = math.exp %squeeze3A_45 : vector<52x52xf32>
    %slice3A_46 = vector.extract_strided_slice %get3A_8 {offsets = [3, 0, 0], sizes = [1, 52, 52], strides = [1, 1, 1]} : vector<85x52x52xf32> to vector<1x52x52xf32>
    %squeeze3A_47 = vector.shape_cast %slice3A_46 : vector<1x52x52xf32> to vector<52x52xf32>
    %exp3A_48 = math.exp %squeeze3A_47 : vector<52x52xf32>
    %slice3A_49 = vector.extract_strided_slice %get3A_8 {offsets = [4, 0, 0], sizes = [1, 52, 52], strides = [1, 1, 1]} : vector<85x52x52xf32> to vector<1x52x52xf32>
    %squeeze3A_50 = vector.shape_cast %slice3A_49 : vector<1x52x52xf32> to vector<52x52xf32>
    %logistic3A_51 = arith.negf %squeeze3A_50 : vector<52x52xf32>
    %logistic3A_52 = math.exp %logistic3A_51 : vector<52x52xf32>
    %logistic3A_53 = arith.constant 1.000000e+00 : f32
    %logistic3A_54 = vector.broadcast %logistic3A_53 : f32 to vector<52x52xf32>
    %logistic3A_55 = arith.addf %logistic3A_54, %logistic3A_52 : vector<52x52xf32>
    %logistic3A_56 = arith.divf %logistic3A_54, %logistic3A_55 : vector<52x52xf32>
    %mul3A = arith.mulf %logistic3A_35, %get3A_11 : vector<52x52xf32>
    %mul3A_57 = arith.mulf %get3A_14, %get3A_11 : vector<52x52xf32>
    %sub3A = arith.subf %mul3A, %mul3A_57 : vector<52x52xf32>
    %integer_pow3A = arith.mulf %sub3A, %sub3A : vector<52x52xf32>
    %mul3A_58 = arith.mulf %logistic3A_43, %get3A_11 : vector<52x52xf32>
    %mul3A_59 = arith.mulf %get3A_17, %get3A_11 : vector<52x52xf32>
    %sub3A_60 = arith.subf %mul3A_58, %mul3A_59 : vector<52x52xf32>
    %integer_pow3A_61 = arith.mulf %sub3A_60, %sub3A_60 : vector<52x52xf32>
    %add3A = arith.addf %integer_pow3A, %integer_pow3A_61 : vector<52x52xf32>
    %mul3A_62 = arith.mulf %exp3A, %get3A_11 : vector<52x52xf32>
    %mul3A_63 = arith.mulf %get3A_20, %get3A_11 : vector<52x52xf32>
    %sub3A_64 = arith.subf %mul3A_62, %mul3A_63 : vector<52x52xf32>
    %integer_pow3A_65 = arith.mulf %sub3A_64, %sub3A_64 : vector<52x52xf32>
    %add3A_66 = arith.addf %add3A, %integer_pow3A_65 : vector<52x52xf32>
    %mul3A_67 = arith.mulf %exp3A_48, %get3A_11 : vector<52x52xf32>
    %mul3A_68 = arith.mulf %get3A_23, %get3A_11 : vector<52x52xf32>
    %sub3A_69 = arith.subf %mul3A_67, %mul3A_68 : vector<52x52xf32>
    %integer_pow3A_70 = arith.mulf %sub3A_69, %sub3A_69 : vector<52x52xf32>
    %add3A_71 = arith.addf %add3A_66, %integer_pow3A_70 : vector<52x52xf32>
    %mul3A_72 = arith.mulf %logistic3A_56, %get3A_11 : vector<52x52xf32>
    %log3A = math.log %mul3A_72 : vector<52x52xf32>
    %max3A = arith.constant -1.000000e+02 : f32
    %max3A_73 = vector.broadcast %max3A : f32 to vector<52x52xf32>
    %max3A_74 = arith.maximumf %log3A, %max3A_73 : vector<52x52xf32>
    %mul3A_75 = arith.mulf %get3A_11, %max3A_74 : vector<52x52xf32>
    %sub3A_76 = arith.constant 1.000000e+00 : f32
    %sub3A_77 = vector.broadcast %sub3A_76 : f32 to vector<52x52xf32>
    %sub3A_78 = arith.subf %sub3A_77, %get3A_11 : vector<52x52xf32>
    %sub3A_79 = arith.constant 1.000000e+00 : f32
    %sub3A_80 = vector.broadcast %sub3A_79 : f32 to vector<52x52xf32>
    %sub3A_81 = arith.subf %sub3A_80, %mul3A_72 : vector<52x52xf32>
    %log3A_82 = math.log %sub3A_81 : vector<52x52xf32>
    %max3A_83 = arith.constant -1.000000e+02 : f32
    %max3A_84 = vector.broadcast %max3A_83 : f32 to vector<52x52xf32>
    %max3A_85 = arith.maximumf %log3A_82, %max3A_84 : vector<52x52xf32>
    %mul3A_86 = arith.mulf %sub3A_78, %max3A_85 : vector<52x52xf32>
    %add3A_87 = arith.addf %mul3A_75, %mul3A_86 : vector<52x52xf32>
    %neg3A = arith.constant 0.000000e+00 : f32
    %neg3A_88 = vector.broadcast %neg3A : f32 to vector<52x52xf32>
    %neg3A_89 = arith.subf %neg3A_88, %add3A_87 : vector<52x52xf32>
    %sub3A_90 = arith.constant 1.000000e+00 : f32
    %sub3A_91 = vector.broadcast %sub3A_90 : f32 to vector<52x52xf32>
    %sub3A_92 = arith.subf %sub3A_91, %get3A_30 : vector<52x52xf32>
    %mul3A_93 = arith.mulf %logistic3A_56, %sub3A_92 : vector<52x52xf32>
    %sub3A_94 = arith.constant 1.000000e+00 : f32
    %sub3A_95 = vector.broadcast %sub3A_94 : f32 to vector<52x52xf32>
    %sub3A_96 = arith.subf %sub3A_95, %mul3A_93 : vector<52x52xf32>
    %log3A_97 = math.log %sub3A_96 : vector<52x52xf32>
    %max3A_98 = arith.constant -1.000000e+02 : f32
    %max3A_99 = vector.broadcast %max3A_98 : f32 to vector<52x52xf32>
    %max3A_100 = arith.maximumf %log3A_97, %max3A_99 : vector<52x52xf32>
    %neg3A_101 = arith.constant 0.000000e+00 : f32
    %neg3A_102 = vector.broadcast %neg3A_101 : f32 to vector<52x52xf32>
    %neg3A_103 = arith.subf %neg3A_102, %max3A_100 : vector<52x52xf32>
    %slice3A_104 = vector.extract_strided_slice %get3A_8 {offsets = [5, 0, 0], sizes = [80, 52, 52], strides = [1, 1, 1]} : vector<85x52x52xf32> to vector<80x52x52xf32>
    %logistic3A_105 = arith.negf %slice3A_104 : vector<80x52x52xf32>
    %logistic3A_106 = math.exp %logistic3A_105 : vector<80x52x52xf32>
    %logistic3A_107 = arith.constant 1.000000e+00 : f32
    %logistic3A_108 = vector.broadcast %logistic3A_107 : f32 to vector<80x52x52xf32>
    %logistic3A_109 = arith.addf %logistic3A_108, %logistic3A_106 : vector<80x52x52xf32>
    %logistic3A_110 = arith.divf %logistic3A_108, %logistic3A_109 : vector<80x52x52xf32>
    %log3A_111 = math.log %logistic3A_110 : vector<80x52x52xf32>
    %max3A_112 = arith.constant -1.000000e+02 : f32
    %max3A_113 = vector.broadcast %max3A_112 : f32 to vector<80x52x52xf32>
    %max3A_114 = arith.maximumf %log3A_111, %max3A_113 : vector<80x52x52xf32>
    %sub3A_115 = arith.constant 1.000000e+00 : f32
    %sub3A_116 = vector.broadcast %sub3A_115 : f32 to vector<80x52x52xf32>
    %sub3A_117 = arith.subf %sub3A_116, %logistic3A_110 : vector<80x52x52xf32>
    %log3A_118 = math.log %sub3A_117 : vector<80x52x52xf32>
    %max3A_119 = arith.constant -1.000000e+02 : f32
    %max3A_120 = vector.broadcast %max3A_119 : f32 to vector<80x52x52xf32>
    %max3A_121 = arith.maximumf %log3A_118, %max3A_120 : vector<80x52x52xf32>
    %iota3A = tpu.iota {dimensions = array<i32: 0>} : vector<80x52x52xi32>
    %broadcast_in_dim3A = vector.shape_cast %convert_element_type3A_27 : vector<52x52xi32> to vector<1x52x52xi32>
    %eq3A_122 = vector.broadcast %broadcast_in_dim3A : vector<1x52x52xi32> to vector<80x52x52xi32>
    %eq3A_123 = arith.cmpi eq, %iota3A, %eq3A_122 : vector<80x52x52xi32>
    %select_n3A = arith.select %eq3A_123, %max3A_114, %max3A_121 : vector<80x52x52xi1>, vector<80x52x52xf32>
    %neg3A_124 = arith.constant 0.000000e+00 : f32
    %neg3A_125 = vector.broadcast %neg3A_124 : f32 to vector<80x52x52xf32>
    %neg3A_126 = arith.subf %neg3A_125, %select_n3A : vector<80x52x52xf32>
    %broadcast_in_dim3A_127 = vector.shape_cast %get3A_11 : vector<52x52xf32> to vector<1x52x52xf32>
    %mul3A_128 = vector.broadcast %broadcast_in_dim3A_127 : vector<1x52x52xf32> to vector<80x52x52xf32>
    %mul3A_129 = arith.mulf %neg3A_126, %mul3A_128 : vector<80x52x52xf32>
    %reduce_sum3A = vector.shape_cast %mul3A_129 : vector<80x52x52xf32> to vector<1x80x52x52xf32>
    %reduce_sum3A_130 = arith.constant dense<0.000000e+00> : vector<1xf32>
    %reduce_sum3A_131 = vector.multi_reduction <add>, %reduce_sum3A, %reduce_sum3A_130 [1, 2, 3] : vector<1x80x52x52xf32> to vector<1xf32>
    %reduce_sum3A_132 = vector.shape_cast %reduce_sum3A_131 : vector<1xf32> to vector<1x1x1x1xf32>
    %reduce_sum3A_133 = vector.extract %reduce_sum3A_132[0, 0, 0, 0] : f32 from vector<1x1x1x1xf32>
    %get3A_134 = arith.constant 0 : index
    %get3A_135 = arith.constant 0 : index
    %get3A_136 = memref.load %arg10[%get3A_134, %get3A_135] : memref<1x8xf32, #tpu.memory_space<smem>>
    %reduce_sum3A_137 = vector.shape_cast %add3A_71 : vector<52x52xf32> to vector<1x52x52xf32>
    %reduce_sum3A_138 = arith.constant dense<0.000000e+00> : vector<1xf32>
    %reduce_sum3A_139 = vector.multi_reduction <add>, %reduce_sum3A_137, %reduce_sum3A_138 [1, 2] : vector<1x52x52xf32> to vector<1xf32>
    %reduce_sum3A_140 = vector.shape_cast %reduce_sum3A_139 : vector<1xf32> to vector<1x1x1xf32>
    %reduce_sum3A_141 = vector.extract %reduce_sum3A_140[0, 0, 0] : f32 from vector<1x1x1xf32>
    %add3A_142 = arith.addf %get3A_136, %reduce_sum3A_141 : f32
    %swap3A = arith.constant 0 : index
    %swap3A_143 = arith.constant 0 : index
    %swap3A_144 = memref.load %arg10[%swap3A, %swap3A_143] : memref<1x8xf32, #tpu.memory_space<smem>>
    memref.store %add3A_142, %arg10[%swap3A, %swap3A_143] : memref<1x8xf32, #tpu.memory_space<smem>>
    %get3A_145 = arith.constant 0 : index
    %get3A_146 = arith.constant 1 : index
    %get3A_147 = memref.load %arg10[%get3A_145, %get3A_146] : memref<1x8xf32, #tpu.memory_space<smem>>
    %reduce_sum3A_148 = vector.shape_cast %neg3A_89 : vector<52x52xf32> to vector<1x52x52xf32>
    %reduce_sum3A_149 = arith.constant dense<0.000000e+00> : vector<1xf32>
    %reduce_sum3A_150 = vector.multi_reduction <add>, %reduce_sum3A_148, %reduce_sum3A_149 [1, 2] : vector<1x52x52xf32> to vector<1xf32>
    %reduce_sum3A_151 = vector.shape_cast %reduce_sum3A_150 : vector<1xf32> to vector<1x1x1xf32>
    %reduce_sum3A_152 = vector.extract %reduce_sum3A_151[0, 0, 0] : f32 from vector<1x1x1xf32>
    %add3A_153 = arith.addf %get3A_147, %reduce_sum3A_152 : f32
    %swap3A_154 = arith.constant 0 : index
    %swap3A_155 = arith.constant 1 : index
    %swap3A_156 = memref.load %arg10[%swap3A_154, %swap3A_155] : memref<1x8xf32, #tpu.memory_space<smem>>
    memref.store %add3A_153, %arg10[%swap3A_154, %swap3A_155] : memref<1x8xf32, #tpu.memory_space<smem>>
    %get3A_157 = arith.constant 0 : index
    %get3A_158 = arith.constant 2 : index
    %get3A_159 = memref.load %arg10[%get3A_157, %get3A_158] : memref<1x8xf32, #tpu.memory_space<smem>>
    %reduce_sum3A_160 = vector.shape_cast %neg3A_103 : vector<52x52xf32> to vector<1x52x52xf32>
    %reduce_sum3A_161 = arith.constant dense<0.000000e+00> : vector<1xf32>
    %reduce_sum3A_162 = vector.multi_reduction <add>, %reduce_sum3A_160, %reduce_sum3A_161 [1, 2] : vector<1x52x52xf32> to vector<1xf32>
    %reduce_sum3A_163 = vector.shape_cast %reduce_sum3A_162 : vector<1xf32> to vector<1x1x1xf32>
    %reduce_sum3A_164 = vector.extract %reduce_sum3A_163[0, 0, 0] : f32 from vector<1x1x1xf32>
    %add3A_165 = arith.addf %get3A_159, %reduce_sum3A_164 : f32
    %swap3A_166 = arith.constant 0 : index
    %swap3A_167 = arith.constant 2 : index
    %swap3A_168 = memref.load %arg10[%swap3A_166, %swap3A_167] : memref<1x8xf32, #tpu.memory_space<smem>>
    memref.store %add3A_165, %arg10[%swap3A_166, %swap3A_167] : memref<1x8xf32, #tpu.memory_space<smem>>
    %get3A_169 = arith.constant 0 : index
    %get3A_170 = arith.constant 3 : index
    %get3A_171 = memref.load %arg10[%get3A_169, %get3A_170] : memref<1x8xf32, #tpu.memory_space<smem>>
    %add3A_172 = arith.addf %get3A_171, %reduce_sum3A_133 : f32
    %swap3A_173 = arith.constant 0 : index
    %swap3A_174 = arith.constant 3 : index
    %swap3A_175 = memref.load %arg10[%swap3A_173, %swap3A_174] : memref<1x8xf32, #tpu.memory_space<smem>>
    memref.store %add3A_172, %arg10[%swap3A_173, %swap3A_174] : memref<1x8xf32, #tpu.memory_space<smem>>
    %get3A_176 = arith.constant 0 : index
    %get3A_177 = arith.constant 4 : index
    %get3A_178 = memref.load %arg10[%get3A_176, %get3A_177] : memref<1x8xf32, #tpu.memory_space<smem>>
    %reduce_sum3A_179 = vector.shape_cast %get3A_11 : vector<52x52xf32> to vector<1x52x52xf32>
    %reduce_sum3A_180 = arith.constant dense<0.000000e+00> : vector<1xf32>
    %reduce_sum3A_181 = vector.multi_reduction <add>, %reduce_sum3A_179, %reduce_sum3A_180 [1, 2] : vector<1x52x52xf32> to vector<1xf32>
    %reduce_sum3A_182 = vector.shape_cast %reduce_sum3A_181 : vector<1xf32> to vector<1x1x1xf32>
    %reduce_sum3A_183 = vector.extract %reduce_sum3A_182[0, 0, 0] : f32 from vector<1x1x1xf32>
    %add3A_184 = arith.addf %get3A_178, %reduce_sum3A_183 : f32
    %swap3A_185 = arith.constant 0 : index
    %swap3A_186 = arith.constant 4 : index
    %swap3A_187 = memref.load %arg10[%swap3A_185, %swap3A_186] : memref<1x8xf32, #tpu.memory_space<smem>>
    memref.store %add3A_184, %arg10[%swap3A_185, %swap3A_186] : memref<1x8xf32, #tpu.memory_space<smem>>
    %eq3A_188 = arith.constant 63 : i32
    %eq3A_189 = arith.cmpi eq, %arg0, %eq3A_188 : i32
    %eq3A_190 = arith.constant 2 : i32
    %eq3A_191 = arith.cmpi eq, %arg1, %eq3A_190 : i32
    %and3A_192 = arith.andi %eq3A_189, %eq3A_191 : i1
    %convert_element_type3A_193 = arith.extui %and3A_192 : i1 to i32
    %cond3A_194 = arith.constant 0 : i32
    %cond3A_195 = arith.cmpi ne, %convert_element_type3A_193, %cond3A_194 : i32
    scf.if %cond3A_195 {
      %get3A_196 = arith.constant 0 : index
      %get3A_197 = arith.constant 0 : index
      %get3A_198 = memref.load %arg10[%get3A_196, %get3A_197] : memref<1x8xf32, #tpu.memory_space<smem>>
      %mul3A_199 = arith.constant 5.000000e+00 : f32
      %mul3A_200 = arith.mulf %mul3A_199, %get3A_198 : f32
      %div3A = arith.constant 5.191680e+05 : f32
      %div3A_201 = arith.divf %mul3A_200, %div3A : f32
      %get3A_202 = arith.constant 0 : index
      %get3A_203 = arith.constant 1 : index
      %get3A_204 = memref.load %arg10[%get3A_202, %get3A_203] : memref<1x8xf32, #tpu.memory_space<smem>>
      %div3A_205 = arith.constant 5.191680e+05 : f32
      %div3A_206 = arith.divf %get3A_204, %div3A_205 : f32
      %get3A_207 = arith.constant 0 : index
      %get3A_208 = arith.constant 2 : index
      %get3A_209 = memref.load %arg10[%get3A_207, %get3A_208] : memref<1x8xf32, #tpu.memory_space<smem>>
      %div3A_210 = arith.constant 5.191680e+05 : f32
      %div3A_211 = arith.divf %get3A_209, %div3A_210 : f32
      %get3A_212 = arith.constant 0 : index
      %get3A_213 = arith.constant 3 : index
      %get3A_214 = memref.load %arg10[%get3A_212, %get3A_213] : memref<1x8xf32, #tpu.memory_space<smem>>
      %get3A_215 = arith.constant 0 : index
      %get3A_216 = arith.constant 4 : index
      %get3A_217 = memref.load %arg10[%get3A_215, %get3A_216] : memref<1x8xf32, #tpu.memory_space<smem>>
      %mul3A_218 = arith.constant 8.000000e+01 : f32
      %mul3A_219 = arith.mulf %get3A_217, %mul3A_218 : f32
      %div3A_220 = arith.divf %get3A_214, %mul3A_219 : f32
      %add3A_221 = arith.addf %div3A_201, %div3A_206 : f32
      %add3A_222 = arith.addf %add3A_221, %div3A_211 : f32
      %add3A_223 = arith.addf %add3A_222, %div3A_220 : f32
      %mul3A_224 = arith.constant 6.400000e+01 : f32
      %mul3A_225 = arith.mulf %add3A_223, %mul3A_224 : f32
      %swap3A_226 = arith.constant 0 : index
      %swap3A_227 = arith.constant 5 : index
      %swap3A_228 = memref.load %arg10[%swap3A_226, %swap3A_227] : memref<1x8xf32, #tpu.memory_space<smem>>
      memref.store %mul3A_225, %arg10[%swap3A_226, %swap3A_227] : memref<1x8xf32, #tpu.memory_space<smem>>
    } else {
    }
    return
  }
  func.func @transform_0(%arg0: i32, %arg1: i32) -> (i32, i32, i32, i32) {
    %c0_i32 = arith.constant 0 : i32
    %c0_i32_0 = arith.constant 0 : i32
    %c0_i32_1 = arith.constant 0 : i32
    return %arg0, %arg1, %c0_i32, %c0_i32_0 : i32, i32, i32, i32
  }
  func.func @transform_1(%arg0: i32, %arg1: i32) -> (i32, i32) {
    %mul3A = arith.constant 3 : i32
    %mul3A_0 = arith.muli %arg0, %mul3A : i32
    %add3A = arith.constant 0 : i32
    %add3A_1 = arith.addi %add3A, %mul3A_0 : i32
    %add3A_2 = arith.addi %add3A_1, %arg1 : i32
    %c0_i32 = arith.constant 0 : i32
    %c0_i32_3 = arith.constant 0 : i32
    return %add3A_2, %c0_i32 : i32, i32
  }
  func.func @transform_2(%arg0: i32, %arg1: i32) -> (i32, i32) {
    %mul3A = arith.constant 3 : i32
    %mul3A_0 = arith.muli %arg0, %mul3A : i32
    %add3A = arith.constant 192 : i32
    %add3A_1 = arith.addi %add3A, %mul3A_0 : i32
    %add3A_2 = arith.addi %add3A_1, %arg1 : i32
    %c0_i32 = arith.constant 0 : i32
    %c0_i32_3 = arith.constant 0 : i32
    return %add3A_2, %c0_i32 : i32, i32
  }
  func.func @transform_3(%arg0: i32, %arg1: i32) -> (i32, i32) {
    %mul3A = arith.constant 3 : i32
    %mul3A_0 = arith.muli %arg0, %mul3A : i32
    %add3A = arith.constant 384 : i32
    %add3A_1 = arith.addi %add3A, %mul3A_0 : i32
    %add3A_2 = arith.addi %add3A_1, %arg1 : i32
    %c0_i32 = arith.constant 0 : i32
    %c0_i32_3 = arith.constant 0 : i32
    return %add3A_2, %c0_i32 : i32, i32
  }
  func.func @transform_4(%arg0: i32, %arg1: i32) -> (i32, i32) {
    %mul3A = arith.constant 3 : i32
    %mul3A_0 = arith.muli %arg0, %mul3A : i32
    %add3A = arith.constant 576 : i32
    %add3A_1 = arith.addi %add3A, %mul3A_0 : i32
    %add3A_2 = arith.addi %add3A_1, %arg1 : i32
    %c0_i32 = arith.constant 0 : i32
    %c0_i32_3 = arith.constant 0 : i32
    return %add3A_2, %c0_i32 : i32, i32
  }
  func.func @transform_5(%arg0: i32, %arg1: i32) -> (i32, i32) {
    %mul3A = arith.constant 3 : i32
    %mul3A_0 = arith.muli %arg0, %mul3A : i32
    %add3A = arith.constant 768 : i32
    %add3A_1 = arith.addi %add3A, %mul3A_0 : i32
    %add3A_2 = arith.addi %add3A_1, %arg1 : i32
    %c0_i32 = arith.constant 0 : i32
    %c0_i32_3 = arith.constant 0 : i32
    return %add3A_2, %c0_i32 : i32, i32
  }
  func.func @transform_6(%arg0: i32, %arg1: i32) -> (i32, i32) {
    %mul3A = arith.constant 3 : i32
    %mul3A_0 = arith.muli %arg0, %mul3A : i32
    %add3A = arith.constant 960 : i32
    %add3A_1 = arith.addi %add3A, %mul3A_0 : i32
    %add3A_2 = arith.addi %add3A_1, %arg1 : i32
    %c0_i32 = arith.constant 0 : i32
    %c0_i32_3 = arith.constant 0 : i32
    return %add3A_2, %c0_i32 : i32, i32
  }
  func.func @transform_7(%arg0: i32, %arg1: i32) -> (i32, i32) {
    %mul3A = arith.constant 3 : i32
    %mul3A_0 = arith.muli %arg0, %mul3A : i32
    %add3A = arith.constant 1152 : i32
    %add3A_1 = arith.addi %add3A, %mul3A_0 : i32
    %add3A_2 = arith.addi %add3A_1, %arg1 : i32
    %c0_i32 = arith.constant 0 : i32
    %c0_i32_3 = arith.constant 0 : i32
    return %add3A_2, %c0_i32 : i32, i32
  }
  func.func @transform_8(%arg0: i32, %arg1: i32) -> (i32, i32) {
    %c0_i32 = arith.constant 0 : i32
    %c0_i32_0 = arith.constant 0 : i32
    %c0_i32_1 = arith.constant 0 : i32
    return %c0_i32, %c0_i32_0 : i32, i32
  }
}

</mosaic_0001>

<sc_bundles>
// kernel: kernel.5.cloned.1.call-start
scs
__scs_entry_jumppad:
0x0: {  	(pc) =	sbr.rel $0x88, $3  }
0x1: {  	(tag) =	ssettag $0x0;
	lr =	simm.s32 $0x1  }
0x2: {  	[smem:$0x3F9F] =	sst lr;
	_ =	strace $0xD0000000  }
0x3: {  	_ = 	snop  }
0x4: {  	_ = 	snop  }
0x5: {  	_ = 	snop  }
0x6: {  	_ = 	snop  }
0x7: {  	_ = 	snop  }
__scs_overlays_trampoline_lowered:
0x8: {  	[smem:$0x3FAE] =	sst s0  }
0x9: {  	[smem:$0x3FAF] =	sst s1  }
0xa: {  	[smem:$0x3FB0] =	sst s2  }
0xb: {  	[smem:$0x3FB1] =	sst s3  }
0xc: {  	[smem:$0x3FB2] =	sst s4  }
0xd: {  	[smem:$0x3FB3] =	sst s5  }
0xe: {  	[smem:$0x3FB4] =	sst s6  }
0xf: {  	[smem:$0x3FB5] =	sst s7  }
0x10: {  	[smem:$0x3FB6] =	sst s8  }
0x11: {  	[smem:$0x3FB7] =	sst s9;
	s0 =	simm.s32 @!p0 $0x0  }
0x12: {  	s1 =	sld [smem:$0x3F9D];
	s0 =	simm.s32 @p0 $0x1  }
0x13: {  	[smem:$0x3FB8] =	sst s0;
	s0 =	simm.s32 @!p1 $0x0  }
0x14: {  	s2 =	sld [smem:$0x3F9C];
	s0 =	simm.s32 @p1 $0x1  }
0x15: {  	[smem:$0x3FB9] =	sst s0;
	s0 =	simm.s32 @!p2 $0x0  }
0x16: {  	s3 =	sld [smem:$0x3FDB];
	s0 =	simm.s32 @p2 $0x1  }
0x17: {  	s4 =	simm.s32 $0x1BF5;
	[smem:$0x3FBB] =	sst s0  }
0x18: {  	s0 =	sld [smem:$0x3F9E];
	_ =	swait.ge [sflag:s4], $0x0  }
0x19: {  	s7 =	sld [smem:$0x3F9F]  }
0x1a: {  	s8 =	sadd.s32 $0xFFFFE003, lr  }
0x1b: {  	s9 =	sadd.s32 $0xFFFFFEF7, lr;
	s5 =	simm.s32 $0xFFFFFFFF;
	p2 =	slt.u32 s8, $0xFFFFF086  }
0x1c: {  	p1 =	slt.u32 s9, $0xF7A;
	s5 =	simm.s32 @!p2 $0x0  }
0x1d: {  	s5 =	simm.s32 @p1 $0x1;
	p0 =	seq.s32 s7, s2  }
0x1e: {  	s7 =	smul.u32 @!p0 $0xF7A, s2;
	p2 =	seq.s32 @!p0 s5, $0x0  }
0x1f: {  	s9 =	smul.u32 $0xF7A, s1;
	s8 =	simm.s32 @!p0 $0x1BF5;
	p2 =	por !p2, p0  }
0x20: {  	[sflag:s8] =	ssyncset.s32 @!p0 $0xFFFFF086;
	s6 =	sadd.s32 @!p0 s3, s7;
	s7 =	simm.s32 @!p0 $0x108  }
0x21: {  	s3 =	sadd.s32 s3, s9;
	s6 =	sadd.s32 @!p0 $0x88, s6;
	s7 =	simm.s32 @p2 $0x1082  }
0x22: {  	[simem:s7], [sflag:s8] =	dma.local @!p0 [hbm:s6], $0xF7A  }
0x23: {  	s9 =	sor.u32 $0xD0000000, s2;
	s6 =	simm.s32 $0x108;
	_ =	swait.ge @!p0 [sflag:s8], $0x0  }
0x24: {  	s3 =	sadd.s32 $0x88, s3;
	s6 =	simm.s32 @!p1 $0x1082;
	[sflag:s4] =	ssyncset.s32 $0xFFFFF086  }
0x25: {  	[simem:s6], [sflag:s4] =	dma.local [hbm:s3], $0xF7A  }
0x26: {  	[smem:$0x3F9F] =	sst s1;
	(tag) =	ssettag s2;
	_ =	strace s9  }
0x27: {  	s1 =	sld [smem:$0x3FAF]  }
0x28: {  	s2 =	sld [smem:$0x3FB0]  }
0x29: {  	s4 =	sld [smem:$0x3FB2]  }
0x2a: {  	p0 =	seq.s32 s5, $0x0;
	s5 =	sld [smem:$0x3FB3]  }
0x2b: {  	s6 =	sld [smem:$0x3FB4]  }
0x2c: {  	s7 =	sld [smem:$0x3FB5]  }
0x2d: {  	s3 =	simm.s32 $0x108;
	s8 =	sld [smem:$0x3FB6]  }
0x2e: {  	s3 =	simm.s32 @!p0 $0x1082;
	s9 =	sld [smem:$0x3FB7]  }
0x2f: {  	lr =	sadd.s32 s0, s3;
	s0 =	sld [smem:$0x3FAE]  }
0x30: {  	s3 =	sld [smem:$0x3FB1]  }
0x31: {  	[smem:$0x3FBA] =	sst s10  }
0x32: {  	s10 =	sld [smem:$0x3FB8];
	_ =	sdelay $0x3  }
0x33: {  	p0 =	seq.s32 s10, $0x1;
	s10 =	sld [smem:$0x3FBA];
	_ =	sdelay $0x3  }
0x34: {  	[smem:$0x3FBA] =	sst s10  }
0x35: {  	s10 =	sld [smem:$0x3FB9];
	_ =	sdelay $0x3  }
0x36: {  	p1 =	seq.s32 s10, $0x1;
	s10 =	sld [smem:$0x3FBA];
	_ =	sdelay $0x3  }
0x37: {  	[smem:$0x3FBA] =	sst s10  }
0x38: {  	s10 =	sld [smem:$0x3FBB]  }
0x39: {  	_ = 	snop;
	(pc) =	sbr.ind lr, $3  }
0x3a: {  	_ = 	snop  }
0x3b: {  	_ = 	snop  }
0x3c: {  	p2 =	seq.s32 s10, $0x1;
	s10 =	sld [smem:$0x3FBA]  }
0x3d: {  	_ =	shalt  }
0x3e: {  	_ =	shalt  }
0x3f: {  	_ =	shalt  }
0x40: {  	_ =	shalt  }
0x41: {  	_ =	shalt  }
0x42: {  	_ =	shalt  }
0x43: {  	_ =	shalt  }
0x44: {  	_ =	shalt  }
0x45: {  	_ =	shalt  }
0x46: {  	_ =	shalt  }
0x47: {  	_ =	shalt  }
0x48: {  	_ =	shalt  }
0x49: {  	_ =	shalt  }
0x4a: {  	_ =	shalt  }
0x4b: {  	_ =	shalt  }
0x4c: {  	_ =	shalt  }
0x4d: {  	_ =	shalt  }
0x4e: {  	_ =	shalt  }
0x4f: {  	_ =	shalt  }
0x50: {  	_ =	shalt  }
0x51: {  	_ =	shalt  }
0x52: {  	_ =	shalt  }
0x53: {  	_ =	shalt  }
0x54: {  	_ =	shalt  }
0x55: {  	_ =	shalt  }
0x56: {  	_ =	shalt  }
0x57: {  	_ =	shalt  }
0x58: {  	_ =	shalt  }
0x59: {  	_ =	shalt  }
0x5a: {  	_ =	shalt  }
0x5b: {  	_ =	shalt  }
0x5c: {  	_ =	shalt  }
0x5d: {  	_ =	shalt  }
0x5e: {  	_ =	shalt  }
0x5f: {  	_ =	shalt  }
0x60: {  	_ =	shalt  }
0x61: {  	_ =	shalt  }
0x62: {  	_ =	shalt  }
0x63: {  	_ =	shalt  }
0x64: {  	_ =	shalt  }
0x65: {  	_ =	shalt  }
0x66: {  	_ =	shalt  }
0x67: {  	_ =	shalt  }
0x68: {  	_ =	shalt  }
0x69: {  	_ =	shalt  }
0x6a: {  	_ =	shalt  }
0x6b: {  	_ =	shalt  }
0x6c: {  	_ =	shalt  }
0x6d: {  	_ =	shalt  }
0x6e: {  	_ =	shalt  }
0x6f: {  	_ =	shalt  }
0x70: {  	_ =	shalt  }
0x71: {  	_ =	shalt  }
0x72: {  	_ =	shalt  }
0x73: {  	_ =	shalt  }
0x74: {  	_ =	shalt  }
0x75: {  	_ =	shalt  }
0x76: {  	_ =	shalt  }
0x77: {  	_ =	shalt  }
0x78: {  	_ =	shalt  }
0x79: {  	_ =	shalt  }
0x7a: {  	_ =	shalt  }
0x7b: {  	_ =	shalt  }
0x7c: {  	_ =	shalt  }
0x7d: {  	_ =	shalt  }
0x7e: {  	_ =	shalt  }
0x7f: {  	_ =	shalt  }
0x80: {  	_ =	shalt  }
0x81: {  	_ =	shalt  }
0x82: {  	_ =	shalt  }
0x83: {  	_ =	shalt  }
0x84: {  	_ =	shalt  }
0x85: {  	_ =	shalt  }
0x86: {  	_ =	shalt  }
0x87: {  	_ =	shalt  }
.Lfunc_end0:
.L_simem_size_0:
called_computation_lowered:
.L_overlay_start_0:
0x88: {  	s2 =	sld [smem:$0x3FD9]  }
0x89: {  	s3 =	sld [smem:$0x3FFE];
	_ =	sdelay $0x1  }
0x8a: {  	s1 =	srdreg.scid  }
0x8b: {  	s0 =	sand.u32 $0x1, s1  }
0x8c: {  	s16 =	sshll.u32 s0, $0xA;
	s2 =	sadd.s32 s3, s2  }
0x8d: {  	s2 =	sadd.s32 s2, s16  }
0x8e: {  	[smem:$0x3FC6] =	sst s2  }
0x8f: {  	_ = 	snop  }
0x90: {  	(tm) =	ssettm $0x1  }
0x91: {  	s17 =	sld [smem:$0x3FFB];
	_ =	sdelay $0x3  }
0x92: {  	_ =	strace s17  }
0x93: {  	s2 =	sld [smem:$0x3FFC];
	_ =	sdelay $0x3  }
0x94: {  	_ =	strace s2  }
0x95: {  	s2 =	sld [smem:$0x3FFD];
	_ =	sdelay $0x3  }
0x96: {  	_ =	strace s2  }
0x97: {  	_ =	strace $0x8FFFFFFF  }
0x98: {  	s18 =	sld [smem:$0x3FDB];
	_ =	sdelay $0x1  }
0x99: {  	s19 =	simm.s32 $_scs_section_size  }
0x9a: {  	s4 =	simm.s32 $_size__tile_overlayer_lowered;
	s5 =	simm.s32 $_tile_overlayer_lowered  }
0x9b: {  	s22 =	simm.s32 $0x1BFF;
	s21 =	sshll.u32 s5, $0x1;
	s2 =	sadd.s32 s19, s18  }
0x9c: {  	s6 =	simm.s32 $0x0;
	s20 =	sshll.u32 s4, $0x1;
	s4 =	sadd.s32 s21, s2  }
0x9d: {  	[timem:s6], [sflag:s22] =	dma.local [hbm:s4], s20  }
0x9e: {  	_ =	swait.ge [sflag:s22], s20  }
0x9f: {  	s3 =	ssub.s32 $0x0, s20;
	[sflag:s22] =	ssyncset.done $0x0  }
0xa0: {  	[sflag:s22] =	ssyncadd.s32 s3;
	_ =	sdelay $0x1  }
0xa1: {  	s23 =	simm.s32 $0x1B8B  }
0xa2: {  	_ =	swait.ge [sflag:s23], $0x1  }
0xa3: {  	[sflag:s23] =	ssyncset.done $0x0  }
0xa4: {  	s25 =	simm.s32 $0x1B8E;
	s24 =	sld [smem:$0x3FFE];
	[sflag:s23] =	ssyncadd.s32 $0xFFFFFFFF  }
0xa5: {  	s26 =	simm.s32 $execute0_lowered;
	[smem:$0x3FD2] =	sst s25  }
0xa6: {  	s4 =	sshll.u32 s26, $0x1;
	_ =	strace $0x80000046;
	[dreg:$0x1] =	wrdreg $0xFFFFFFFF  }
0xa7: {  	s28 =	simm.s32 $_size_execute0_lowered;
	s2 =	sadd.s32 s2, s4;
	[dreg:$0x0] =	wrdreg $0x0  }
0xa8: {  	s4 =	sshll.u32 s28, $0x1;
	[dreg:$0x2] =	wrdreg s2  }
0xa9: {  	[dreg:$0x3] =	wrdreg s4  }
0xaa: {  	[dreg:$0x4] =	wrdreg $0xC0  }
0xab: {  	_ =	task [dreg:s6], $0x5FFFF  }
0xac: {  	[dreg:$0x1] =	wrdreg $0xFFFFFFFF  }
0xad: {  	[dreg:$0x0] =	wrdreg $0x60  }
0xae: {  	[dreg:$0x2] =	wrdreg s24  }
0xaf: {  	[dreg:$0x3] =	wrdreg $0x9  }
0xb0: {  	_ =	task.clear_ibuf [dreg:s6], $0x4FFFF;
	_ =	strace $0x90000046  }
0xb1: {  	s29 =	simm.s32 $0x9;
	_ =	strace $0x80000048  }
0xb2: {  	_ =	swait.ge [sflag:s29], $0x1  }
0xb3: {  	[sflag:s29] =	ssyncadd.s32 $0xFFFFFFFF  }
0xb4: {  	_ =	strace $0x90000048  }
0xb5: {  	_ =	sfence  }
0xb6: {  	s30 =	sld [smem:$0x0];
	_ =	sdelay $0x2  }
0xb7: {  	s31 =	sshll.u32 s1, $0xD;
	s1 =	sshrl.u32 s1, $0x2  }
0xb8: {  	s3 =	sand.u32 $0x4000, s31;
	s1 =	sadd.s32 s1, s30  }
0xb9: {  	s0 =	sor.u32 s3, s0;
	s1 =	sshll.u32 s1, $0x11  }
0xba: {  	s0 =	sor.u32 s1, s0  }
0xbb: {  	s0 =	sadd.s32 $0x8F2B, s0  }
0xbc: {  	[sflag:s0] =	ssyncadd.remote.s32 $0x1  }
0xbd: {  	_ =	sfence.sel $0xFFFF  }
0xbe: {  	[dreg:$0x0] =	wrdreg $0xFFFFFFFF;
	(pc) =	sbr.abs _section_cstart, $3  }
0xbf: {  	[dreg:$0x1] =	wrdreg $0xFFFFFFFF  }
0xc0: {  	_ =	task.clear_ibuf [dreg:s6], $0x2FFFF;
	_ =	strace $0x9FFFFFFF  }
0xc1: {  	(tm) =	ssettm $0x7FFFFFFF  }
tec
execute0_lowered:
.L_overlay_start_1:
0x0: {  	(tag) =	ssettag $0x1  }
0x1: {  	s0 =	srdreg.scid  }
0x2: {  	s2 =	stileid.u32;
	s1 =	rddreg [dreg:$0x0];
	s29 =	simm.s32 $0x5500  }
0x3: {  	s30 =	simm.s32 $0x5600;
	s31 =	simm.s32 $0x5700;
	s7 =	simm.s32 $0x40  }
0x4: {  	s8 =	simm.s32 $0x5400;
	s0 =	sand.u32 $0x1, s0;
	s3 =	sshll.u32 s2, $0x1  }
0x5: {  	s9 =	simm.s32 $0x5480;
	s10 =	simm.s32 $0x3;
	s4 =	sor.u32 s0, s3  }
0x6: {  	s12 =	simm.s32 $0x0;
	s2 =	simm.s32 $0x0;
	s3 =	sshll.u32 s4, $0x5  }
0x7: {  	[smem:$0x7FF] =	sst s2;
	s0 =	ssub.s32 $0x2, s0;
	s5 =	sadd.s32 s3, s1  }
0x8: {  	_ =	strace $0x80000047;
	s6 =	sshrl.u32 s0, $0x1;
	s17 =	sadd.s32 $0x1A00, s5  }
0x9: {  	s16 =	smul.u32 $0xA800, s4;
	s18 =	sadd.s32 $0x1E00, s5;
	[dreg:$0x2] =	wrdreg s17  }
0xa: {  	s4 =	simm.s32 $0x5A00;
	s19 =	sadd.s32 $0x2200, s5;
	[dreg:$0x3] =	wrdreg s18  }
0xb: {  	s3 =	sadd.s32 $0x3E00, s1;
	s20 =	sadd.s32 $0x2600, s5;
	[dreg:$0x4] =	wrdreg s19  }
0xc: {  	s0 =	ssub.s32 s0, s6;
	s21 =	sadd.s32 $0x2A00, s5;
	[dreg:$0x5] =	wrdreg s20  }
0xd: {  	s6 =	simm.s32 $0x2;
	s22 =	sadd.s32 $0x2E00, s5;
	[dreg:$0x6] =	wrdreg s21  }
0xe: {  	s1 =	sshrl.u32 s16, $0x3;
	s23 =	sadd.s32 $0x3200, s5;
	[dreg:$0x7] =	wrdreg s22  }
0xf: {  	s24 =	sadd.s32 $0x3600, s5;
	s25 =	sadd.s32 $0x3A00, s5;
	[dreg:$0x8] =	wrdreg s23  }
0x10: {  	s5 =	simm.s32 $0x1;
	s11 =	sadd.s32 s3, s1;
	[dreg:$0x9] =	wrdreg s24  }
0x11: {  	[dreg:$0xa] =	wrdreg s25;
	s25 =	smax.u32 s0, $0x1;
	s1 =	simm.s32 $0x5800  }
0x12: {  	s0 =	simm.s32 $0x5900;
	s26 =	sadd.s32 $0xA80, s11;
	s15 =	sadd.s32 $0x2A000, s11  }
0x13: {  	s16 =	sadd.s32 $0x2AA80, s11;
	s17 =	sadd.s32 $0x54000, s11;
	s18 =	sadd.s32 $0x54A80, s11  }
0x14: {  	s19 =	sadd.s32 $0x7E000, s11;
	s20 =	sadd.s32 $0x7EA80, s11;
	s21 =	sadd.s32 $0xA8000, s11  }
0x15: {  	s22 =	sadd.s32 $0xA8A80, s11;
	s23 =	sadd.s32 $0xD2000, s11;
	s24 =	sadd.s32 $0xD2A80, s11  }
0x16: {  	v0 =	vimm.f32 $0.0e+00;
	v1 =	vimm.f32 $1.000000000e+00;
	s28 =	sadd.s32 $0xFCA80, s11;
	[dreg:$0xb] =	wrdreg s26;
	s26 =	sadd.s32 $0xFC000, s11  }
.LBB2_1:
0x17: {  	s13 =	rddreg [dreg:$0x2]  }
0x18: {  	[tilespmem:s29], [sflag:$0x1] =	stream.linear.gather [hbm4b:s13+s2], $0x100, $0x38;
	[tilespmem:$0x6600] =	vst v63  }
0x19: {  	s14 =	rddreg [dreg:$0x3]  }
0x1a: {  	[tilespmem:s30], [sflag:$0x1] =	stream.linear.gather [hbm4b:s14+s2], $0x100, $0x38;
	[tilespmem:$0x6600] =	vst v63  }
0x1b: {  	s14 =	rddreg [dreg:$0x4]  }
0x1c: {  	[tilespmem:s31], [sflag:$0x1] =	stream.linear.gather [hbm4b:s14+s2], $0x100, $0x38;
	[tilespmem:$0x6600] =	vst v63  }
0x1d: {  	s14 =	rddreg [dreg:$0x5]  }
0x1e: {  	[tilespmem:s1], [sflag:$0x1] =	stream.linear.gather [hbm4b:s14+s2], $0x100, $0x38;
	[tilespmem:$0x6600] =	vst v63  }
0x1f: {  	s14 =	rddreg [dreg:$0x6]  }
0x20: {  	[tilespmem:s0], [sflag:$0x1] =	stream.linear.gather [hbm4b:s14+s2], $0x100, $0x38;
	[tilespmem:$0x6600] =	vst v63  }
0x21: {  	s14 =	rddreg [dreg:$0x7]  }
0x22: {  	[tilespmem:s4], [sflag:$0x1] =	stream.linear.gather [hbm4b:s14+s2], $0x100, $0x38;
	[tilespmem:$0x6600] =	vst v63  }
0x23: {  	s13 =	rddreg [dreg:$0x8];
	s14 =	simm.s32 $0x5B00  }
0x24: {  	[tilespmem:s14], [sflag:$0x1] =	stream.linear.gather [hbm4b:s13+s2], $0x100, $0x38;
	[tilespmem:$0x6600] =	vst v63  }
0x25: {  	s13 =	rddreg [dreg:$0x9];
	s14 =	simm.s32 $0x5C00  }
0x26: {  	[tilespmem:s14], [sflag:$0x1] =	stream.linear.gather [hbm4b:s13+s2], $0x100, $0x38;
	[tilespmem:$0x6600] =	vst v63  }
0x27: {  	s13 =	rddreg [dreg:$0xa];
	s14 =	simm.s32 $0x5D00  }
0x28: {  	[tilespmem:s14], [sflag:$0x1] =	stream.linear.gather [hbm4b:s13+s2], $0x100, $0x38;
	[tilespmem:$0x6600] =	vst v63  }
0x29: {  	s13 =	simm.s32 $0x40;
	s14 =	simm.s32 $0x0  }
.LBB2_2:
0x2a: {  	p0 =	sne.s32 s13, $0x14FC0;
	[tilespmem:s14+$0x0] =	vst v0;
	s14 =	smov.u32 s13;
	s13 =	sadd.s32 $0x40, s13  }
.Ltmp0:
0x2b: {  	(pc) =	sbr.rel @p0 .LBB2_2-.Ltmp0, $2  }
0x2c: {  	_ =	sdelay $0x2  }
0x2d: {  	s14 =	sshra.s32 s14, $0x2  }
0x2e: {  	[tilespmem:s14+$0x0] =	vst v0  }
0x2f: {  	[hbm4b:s11+s2] =	stream.linear.scatter [tilespmem:s2], [sflag:$0x2], $0x5400, $0x38;
	[tilespmem:$0x6600] =	vst v63  }
0x30: {  	s13 =	rddreg [dreg:$0xb]  }
0x31: {  	[hbm4b:s13+s2] =	stream.linear.scatter [tilespmem:s2], [sflag:$0x2], $0x5400, $0x38;
	[tilespmem:$0x6600] =	vst v63  }
0x32: {  	_ = 	snop  }
0x33: {  	[hbm4b:s15+s2] =	stream.linear.scatter [tilespmem:s2], [sflag:$0x2], $0x5400, $0x38;
	[tilespmem:$0x6600] =	vst v63  }
0x34: {  	_ = 	snop  }
0x35: {  	[hbm4b:s16+s2] =	stream.linear.scatter [tilespmem:s2], [sflag:$0x2], $0x5400, $0x38;
	[tilespmem:$0x6600] =	vst v63  }
0x36: {  	_ = 	snop  }
0x37: {  	[hbm4b:s17+s2] =	stream.linear.scatter [tilespmem:s2], [sflag:$0x2], $0x5400, $0x38;
	[tilespmem:$0x6600] =	vst v63  }
0x38: {  	_ = 	snop  }
0x39: {  	[hbm4b:s18+s2] =	stream.linear.scatter [tilespmem:s2], [sflag:$0x2], $0x5400, $0x38;
	[tilespmem:$0x6600] =	vst v63  }
0x3a: {  	_ = 	snop  }
0x3b: {  	[hbm4b:s19+s2] =	stream.linear.scatter [tilespmem:s2], [sflag:$0x2], $0x5400, $0x38;
	[tilespmem:$0x6600] =	vst v63  }
0x3c: {  	_ = 	snop  }
0x3d: {  	[hbm4b:s20+s2] =	stream.linear.scatter [tilespmem:s2], [sflag:$0x2], $0x5400, $0x38;
	[tilespmem:$0x6600] =	vst v63  }
0x3e: {  	_ = 	snop  }
0x3f: {  	[hbm4b:s21+s2] =	stream.linear.scatter [tilespmem:s2], [sflag:$0x2], $0x5400, $0x38;
	[tilespmem:$0x6600] =	vst v63  }
0x40: {  	_ = 	snop  }
0x41: {  	[hbm4b:s22+s2] =	stream.linear.scatter [tilespmem:s2], [sflag:$0x2], $0x5400, $0x38;
	[tilespmem:$0x6600] =	vst v63  }
0x42: {  	_ = 	snop  }
0x43: {  	[hbm4b:s23+s2] =	stream.linear.scatter [tilespmem:s2], [sflag:$0x2], $0x5400, $0x38;
	[tilespmem:$0x6600] =	vst v63  }
0x44: {  	_ = 	snop  }
0x45: {  	[hbm4b:s24+s2] =	stream.linear.scatter [tilespmem:s2], [sflag:$0x2], $0x5400, $0x38;
	[tilespmem:$0x6600] =	vst v63  }
0x46: {  	_ = 	snop  }
0x47: {  	[hbm4b:s26+s2] =	stream.linear.scatter [tilespmem:s2], [sflag:$0x2], $0x5400, $0x38;
	[tilespmem:$0x6600] =	vst v63  }
0x48: {  	_ = 	snop  }
0x49: {  	[hbm4b:s28+s2] =	stream.linear.scatter [tilespmem:s2], [sflag:$0x2], $0x5400, $0x38;
	[tilespmem:$0x6600] =	vst v63  }
0x4a: {  	[tilespmem:$0x5400] =	vst v1  }
0x4b: {  	[tilespmem:$0x5410] =	vst v1  }
0x4c: {  	[tilespmem:$0x5420] =	vst v1  }
0x4d: {  	[tilespmem:$0x5430] =	vst v1  }
0x4e: {  	[tilespmem:$0x5480] =	vst v1  }
0x4f: {  	[tilespmem:$0x5490] =	vst v1  }
0x50: {  	[tilespmem:$0x54A0] =	vst v1  }
0x51: {  	[tilespmem:$0x54B0] =	vst v1  }
0x52: {  	_ =	swait.ge [sflag:s5], $0x100  }
0x53: {  	[sflag:s5] =	ssyncset.done $0x0  }
0x54: {  	[sflag:s5] =	ssyncadd.s32 $0xFFFFFF00  }
0x55: {  	_ =	swait.ge [sflag:s5], $0x100  }
0x56: {  	[sflag:s5] =	ssyncset.done $0x0  }
0x57: {  	[sflag:s5] =	ssyncadd.s32 $0xFFFFFF00  }
0x58: {  	_ =	swait.ge [sflag:s5], $0x100  }
0x59: {  	[sflag:s5] =	ssyncset.done $0x0  }
0x5a: {  	[sflag:s5] =	ssyncadd.s32 $0xFFFFFF00  }
0x5b: {  	_ =	swait.ge [sflag:s5], $0x100  }
0x5c: {  	[sflag:s5] =	ssyncset.done $0x0  }
0x5d: {  	[sflag:s5] =	ssyncadd.s32 $0xFFFFFF00  }
0x5e: {  	_ =	swait.ge [sflag:s5], $0x100  }
0x5f: {  	[sflag:s5] =	ssyncset.done $0x0  }
0x60: {  	[sflag:s5] =	ssyncadd.s32 $0xFFFFFF00  }
0x61: {  	_ =	swait.ge [sflag:s5], $0x100  }
0x62: {  	[sflag:s5] =	ssyncset.done $0x0  }
0x63: {  	[sflag:s5] =	ssyncadd.s32 $0xFFFFFF00  }
0x64: {  	_ =	swait.ge [sflag:s5], $0x100  }
0x65: {  	[sflag:s5] =	ssyncset.done $0x0  }
0x66: {  	[sflag:s5] =	ssyncadd.s32 $0xFFFFFF00  }
0x67: {  	_ =	swait.ge [sflag:s5], $0x100  }
0x68: {  	[sflag:s5] =	ssyncset.done $0x0  }
0x69: {  	[sflag:s5] =	ssyncadd.s32 $0xFFFFFF00  }
0x6a: {  	_ =	swait.ge [sflag:s5], $0x100  }
0x6b: {  	[sflag:s5] =	ssyncset.done $0x0  }
0x6c: {  	[sflag:s5] =	ssyncadd.s32 $0xFFFFFF00  }
0x6d: {  	v2 =	vld [tilespmem:$0x5A00]  }
0x6e: {  	v3 =	vld [tilespmem:$0x5A10]  }
0x6f: {  	v4 =	vld [tilespmem:$0x5A20]  }
0x70: {  	v5 =	vld [tilespmem:$0x5A30]  }
0x71: {  	v6 =	vld [tilespmem:$0x5A80]  }
0x72: {  	v7 =	vld [tilespmem:$0x5A90];
	v2 =	vadd.s32 $0x150000, v2  }
0x73: {  	[tilespmem:$0x5E00] =	vst v2;
	v2 =	vadd.s32 $0x150000, v3;
	v3 =	vld [tilespmem:$0x5AA0]  }
0x74: {  	v18 =	vld [tilespmem:$0x5AB0];
	[tilespmem:$0x5E10] =	vst v2;
	v2 =	vadd.s32 $0x150000, v4  }
0x75: {  	v19 =	vld [tilespmem:$0x5A00];
	[tilespmem:$0x5E20] =	vst v2;
	v2 =	vadd.s32 $0x150000, v5  }
0x76: {  	v20 =	vld [tilespmem:$0x5A10];
	[tilespmem:$0x5E30] =	vst v2;
	v2 =	vadd.s32 $0x150000, v6  }
0x77: {  	v21 =	vld [tilespmem:$0x5A20];
	[tilespmem:$0x5E80] =	vst v2;
	v2 =	vadd.s32 $0x150000, v7  }
0x78: {  	[tilespmem:$0x5E90] =	vst v2;
	v2 =	vadd.s32 $0x150000, v3;
	v3 =	vld [tilespmem:$0x5A30]  }
0x79: {  	v22 =	vld [tilespmem:$0x5A80];
	[tilespmem:$0x5EA0] =	vst v2;
	v2 =	vadd.s32 $0x150000, v18  }
0x7a: {  	v23 =	vld [tilespmem:$0x5A90];
	[tilespmem:$0x5EB0] =	vst v2;
	v2 =	vadd.s32 $0x2A0000, v19  }
0x7b: {  	v24 =	vld [tilespmem:$0x5AA0];
	[tilespmem:$0x5F00] =	vst v2;
	v2 =	vadd.s32 $0x2A0000, v20  }
0x7c: {  	v25 =	vld [tilespmem:$0x5AB0];
	[tilespmem:$0x5F10] =	vst v2;
	v2 =	vadd.s32 $0x2A0000, v21  }
0x7d: {  	[tilespmem:$0x5F20] =	vst v2;
	v2 =	vadd.s32 $0x2A0000, v3;
	v3 =	vld [tilespmem:$0x5A00]  }
0x7e: {  	v26 =	vld [tilespmem:$0x5A10];
	[tilespmem:$0x5F30] =	vst v2;
	v2 =	vadd.s32 $0x2A0000, v22  }
0x7f: {  	v27 =	vld [tilespmem:$0x5A20];
	[tilespmem:$0x5F80] =	vst v2;
	v2 =	vadd.s32 $0x2A0000, v23  }
0x80: {  	v28 =	vld [tilespmem:$0x5A30];
	[tilespmem:$0x5F90] =	vst v2;
	v2 =	vadd.s32 $0x2A0000, v24  }
0x81: {  	v29 =	vld [tilespmem:$0x5A80];
	[tilespmem:$0x5FA0] =	vst v2;
	v2 =	vadd.s32 $0x2A0000, v25  }
0x82: {  	[tilespmem:$0x5FB0] =	vst v2;
	v2 =	vadd.s32 $0x3F0000, v3;
	v3 =	vld [tilespmem:$0x5A90]  }
0x83: {  	v30 =	vld [tilespmem:$0x5AA0];
	[tilespmem:$0x6000] =	vst v2;
	v2 =	vadd.s32 $0x3F0000, v26  }
0x84: {  	v31 =	vld [tilespmem:$0x5AB0];
	[tilespmem:$0x6010] =	vst v2;
	v2 =	vadd.s32 $0x3F0000, v27  }
0x85: {  	v32 =	vld [tilespmem:$0x5A00];
	[tilespmem:$0x6020] =	vst v2;
	v2 =	vadd.s32 $0x3F0000, v28  }
0x86: {  	v33 =	vld [tilespmem:$0x5A10];
	[tilespmem:$0x6030] =	vst v2;
	v2 =	vadd.s32 $0x3F0000, v29  }
0x87: {  	[tilespmem:$0x6080] =	vst v2;
	v2 =	vadd.s32 $0x3F0000, v3;
	v3 =	vld [tilespmem:$0x5A20]  }
0x88: {  	v34 =	vld [tilespmem:$0x5A30];
	[tilespmem:$0x6090] =	vst v2;
	v2 =	vadd.s32 $0x3F0000, v30  }
0x89: {  	v35 =	vld [tilespmem:$0x5A80];
	[tilespmem:$0x60A0] =	vst v2;
	v2 =	vadd.s32 $0x3F0000, v31  }
0x8a: {  	v36 =	vld [tilespmem:$0x5A90];
	[tilespmem:$0x60B0] =	vst v2;
	v2 =	vadd.s32 $0x540000, v32  }
0x8b: {  	v37 =	vld [tilespmem:$0x5AA0];
	[tilespmem:$0x6100] =	vst v2;
	v2 =	vadd.s32 $0x540000, v33  }
0x8c: {  	[tilespmem:$0x6110] =	vst v2;
	v2 =	vadd.s32 $0x540000, v3;
	v3 =	vld [tilespmem:$0x5AB0]  }
0x8d: {  	v38 =	vld [tilespmem:$0x5A00];
	[tilespmem:$0x6120] =	vst v2;
	v2 =	vadd.s32 $0x540000, v34  }
0x8e: {  	v39 =	vld [tilespmem:$0x5A10];
	[tilespmem:$0x6130] =	vst v2;
	v2 =	vadd.s32 $0x540000, v35  }
0x8f: {  	v40 =	vld [tilespmem:$0x5A20];
	[tilespmem:$0x6180] =	vst v2;
	v2 =	vadd.s32 $0x540000, v36  }
0x90: {  	v41 =	vld [tilespmem:$0x5A30];
	[tilespmem:$0x6190] =	vst v2;
	v2 =	vadd.s32 $0x540000, v37  }
0x91: {  	[tilespmem:$0x61A0] =	vst v2;
	v2 =	vadd.s32 $0x540000, v3;
	v3 =	vld [tilespmem:$0x5A80]  }
0x92: {  	v42 =	vld [tilespmem:$0x5A90];
	[tilespmem:$0x61B0] =	vst v2;
	v2 =	vadd.s32 $0x690000, v38  }
0x93: {  	v43 =	vld [tilespmem:$0x5AA0];
	[tilespmem:$0x6200] =	vst v2;
	v2 =	vadd.s32 $0x690000, v39  }
0x94: {  	v44 =	vld [tilespmem:$0x5AB0];
	[tilespmem:$0x6210] =	vst v2;
	v2 =	vadd.s32 $0x690000, v40  }
0x95: {  	v45 =	vld [tilespmem:$0x5B00];
	[tilespmem:$0x6220] =	vst v2;
	v2 =	vadd.s32 $0x690000, v41  }
0x96: {  	[tilespmem:$0x6230] =	vst v2;
	v2 =	vadd.s32 $0x690000, v3;
	v3 =	vld [tilespmem:$0x5B10]  }
0x97: {  	v46 =	vld [tilespmem:$0x5B20];
	[tilespmem:$0x6280] =	vst v2;
	v2 =	vadd.s32 $0x690000, v42  }
0x98: {  	v47 =	vld [tilespmem:$0x5B30];
	[tilespmem:$0x6290] =	vst v2;
	v2 =	vadd.s32 $0x690000, v43  }
0x99: {  	v48 =	vld [tilespmem:$0x5B80];
	[tilespmem:$0x62A0] =	vst v2;
	v2 =	vadd.s32 $0x690000, v44  }
0x9a: {  	v49 =	vld [tilespmem:$0x5B90];
	[tilespmem:$0x62B0] =	vst v2;
	v2 =	vadd.s32 $0x7E0000, v45  }
0x9b: {  	[tilespmem:$0x6300] =	vst v2;
	v2 =	vadd.s32 $0x7E0000, v3;
	v3 =	vld [tilespmem:$0x5BA0]  }
0x9c: {  	v50 =	vld [tilespmem:$0x5BB0];
	[tilespmem:$0x6310] =	vst v2;
	v2 =	vadd.s32 $0x7E0000, v46  }
0x9d: {  	v51 =	vld [tilespmem:$0x5C00];
	[tilespmem:$0x6320] =	vst v2;
	v2 =	vadd.s32 $0x7E0000, v47  }
0x9e: {  	v52 =	vld [tilespmem:$0x5C10];
	[tilespmem:$0x6330] =	vst v2;
	v2 =	vadd.s32 $0x7E0000, v48  }
0x9f: {  	v53 =	vld [tilespmem:$0x5C20];
	[tilespmem:$0x6380] =	vst v2;
	v2 =	vadd.s32 $0x7E0000, v49  }
0xa0: {  	[tilespmem:$0x6390] =	vst v2;
	v2 =	vadd.s32 $0x7E0000, v3;
	v3 =	vld [tilespmem:$0x5C30]  }
0xa1: {  	v54 =	vld [tilespmem:$0x5C80];
	[tilespmem:$0x63A0] =	vst v2;
	v2 =	vadd.s32 $0x7E0000, v50  }
0xa2: {  	v55 =	vld [tilespmem:$0x5C90];
	[tilespmem:$0x63B0] =	vst v2;
	v2 =	vadd.s32 $0x7E0000, v51  }
0xa3: {  	v56 =	vld [tilespmem:$0x5CA0];
	[tilespmem:$0x6400] =	vst v2;
	v2 =	vadd.s32 $0x7E0000, v52  }
0xa4: {  	v57 =	vld [tilespmem:$0x5CB0];
	[tilespmem:$0x6410] =	vst v2;
	v2 =	vadd.s32 $0x7E0000, v53  }
0xa5: {  	[tilespmem:$0x6420] =	vst v2;
	v2 =	vadd.s32 $0x7E0000, v3;
	v3 =	vld [tilespmem:$0x5D00]  }
0xa6: {  	v58 =	vld [tilespmem:$0x5D10];
	[tilespmem:$0x6430] =	vst v2;
	v2 =	vadd.s32 $0x7E0000, v54  }
0xa7: {  	v59 =	vld [tilespmem:$0x5D20];
	[tilespmem:$0x6480] =	vst v2;
	v2 =	vadd.s32 $0x7E0000, v55  }
0xa8: {  	v60 =	vld [tilespmem:$0x5D30];
	[tilespmem:$0x6490] =	vst v2;
	v2 =	vadd.s32 $0x7E0000, v56  }
0xa9: {  	v61 =	vld [tilespmem:$0x5D80];
	[tilespmem:$0x64A0] =	vst v2;
	v2 =	vadd.s32 $0x7E0000, v57  }
0xaa: {  	[tilespmem:$0x64B0] =	vst v2;
	v2 =	vadd.s32 $0x7E0000, v3;
	v3 =	vld [tilespmem:$0x5D90]  }
0xab: {  	v62 =	vld [tilespmem:$0x5DA0];
	[tilespmem:$0x6500] =	vst v2;
	v2 =	vadd.s32 $0x7E0000, v58  }
0xac: {  	v63 =	vld [tilespmem:$0x5DB0];
	[tilespmem:$0x6510] =	vst v2;
	v2 =	vadd.s32 $0x7E0000, v59  }
0xad: {  	[tilespmem:$0x6520] =	vst v2;
	v2 =	vadd.s32 $0x7E0000, v60  }
0xae: {  	[tilespmem:$0x6530] =	vst v2;
	v2 =	vadd.s32 $0x7E0000, v61  }
0xaf: {  	[tilespmem:$0x6580] =	vst v2;
	v2 =	vadd.s32 $0x7E0000, v3  }
0xb0: {  	[tilespmem:$0x6590] =	vst v2;
	v2 =	vadd.s32 $0x7E0000, v62  }
0xb1: {  	[tilespmem:$0x65A0] =	vst v2;
	v2 =	vadd.s32 $0x7E0000, v63  }
0xb2: {  	[tilespmem:$0x65B0] =	vst v2  }
0xb3: {  	_ =	swait.ge [sflag:s6], $0x5400  }
0xb4: {  	[sflag:s6] =	ssyncset.done $0x0  }
0xb5: {  	[sflag:s6] =	ssyncadd.s32 $0xFFFFAC00  }
0xb6: {  	_ =	swait.ge [sflag:s6], $0x5400  }
0xb7: {  	[sflag:s6] =	ssyncset.done $0x0  }
0xb8: {  	[sflag:s6] =	ssyncadd.s32 $0xFFFFAC00  }
0xb9: {  	_ =	swait.ge [sflag:s6], $0x5400  }
0xba: {  	[sflag:s6] =	ssyncset.done $0x0  }
0xbb: {  	[sflag:s6] =	ssyncadd.s32 $0xFFFFAC00  }
0xbc: {  	_ =	swait.ge [sflag:s6], $0x5400  }
0xbd: {  	[sflag:s6] =	ssyncset.done $0x0  }
0xbe: {  	[sflag:s6] =	ssyncadd.s32 $0xFFFFAC00  }
0xbf: {  	_ =	swait.ge [sflag:s6], $0x5400  }
0xc0: {  	[sflag:s6] =	ssyncset.done $0x0  }
0xc1: {  	[sflag:s6] =	ssyncadd.s32 $0xFFFFAC00  }
0xc2: {  	_ =	swait.ge [sflag:s6], $0x5400  }
0xc3: {  	[sflag:s6] =	ssyncset.done $0x0  }
0xc4: {  	[sflag:s6] =	ssyncadd.s32 $0xFFFFAC00  }
0xc5: {  	_ =	swait.ge [sflag:s6], $0x5400  }
0xc6: {  	[sflag:s6] =	ssyncset.done $0x0  }
0xc7: {  	[sflag:s6] =	ssyncadd.s32 $0xFFFFAC00  }
0xc8: {  	_ =	swait.ge [sflag:s6], $0x5400  }
0xc9: {  	[sflag:s6] =	ssyncset.done $0x0  }
0xca: {  	[sflag:s6] =	ssyncadd.s32 $0xFFFFAC00  }
0xcb: {  	_ =	swait.ge [sflag:s6], $0x5400  }
0xcc: {  	[sflag:s6] =	ssyncset.done $0x0  }
0xcd: {  	[sflag:s6] =	ssyncadd.s32 $0xFFFFAC00  }
0xce: {  	_ =	swait.ge [sflag:s6], $0x5400  }
0xcf: {  	[sflag:s6] =	ssyncset.done $0x0  }
0xd0: {  	[sflag:s6] =	ssyncadd.s32 $0xFFFFAC00  }
0xd1: {  	_ =	swait.ge [sflag:s6], $0x5400  }
0xd2: {  	[sflag:s6] =	ssyncset.done $0x0  }
0xd3: {  	[sflag:s6] =	ssyncadd.s32 $0xFFFFAC00  }
0xd4: {  	_ =	swait.ge [sflag:s6], $0x5400  }
0xd5: {  	[sflag:s6] =	ssyncset.done $0x0  }
0xd6: {  	[sflag:s6] =	ssyncadd.s32 $0xFFFFAC00  }
0xd7: {  	_ =	swait.ge [sflag:s6], $0x5400  }
0xd8: {  	[sflag:s6] =	ssyncset.done $0x0  }
0xd9: {  	[sflag:s6] =	ssyncadd.s32 $0xFFFFAC00  }
0xda: {  	_ =	swait.ge [sflag:s6], $0x5400  }
0xdb: {  	[sflag:s6] =	ssyncset.done $0x0  }
0xdc: {  	[sflag:s6] =	ssyncadd.s32 $0xFFFFAC00  }
0xdd: {  	[hbm4b:s3+s7] =	stream.indirect.scatter [tilespmem:s8], [sflag:$0x3], $0x1, s4, s7, $0xb8;
	[tilespmem:$0x6600] =	vst v63  }
0xde: {  	s14 =	simm.s32 $0x5E00  }
0xdf: {  	[hbm4b:s3+s7] =	stream.indirect.scatter [tilespmem:s29], [sflag:$0x3], $0x1, s14, s7, $0xb8;
	[tilespmem:$0x6600] =	vst v63  }
0xe0: {  	s14 =	simm.s32 $0x5F00  }
0xe1: {  	[hbm4b:s3+s7] =	stream.indirect.scatter [tilespmem:s30], [sflag:$0x3], $0x1, s14, s7, $0xb8;
	[tilespmem:$0x6600] =	vst v63  }
0xe2: {  	s14 =	simm.s32 $0x6000  }
0xe3: {  	[hbm4b:s3+s7] =	stream.indirect.scatter [tilespmem:s31], [sflag:$0x3], $0x1, s14, s7, $0xb8;
	[tilespmem:$0x6600] =	vst v63  }
0xe4: {  	s14 =	simm.s32 $0x6100  }
0xe5: {  	[hbm4b:s3+s7] =	stream.indirect.scatter [tilespmem:s1], [sflag:$0x3], $0x1, s14, s7, $0xb8;
	[tilespmem:$0x6600] =	vst v63  }
0xe6: {  	s14 =	simm.s32 $0x6200  }
0xe7: {  	[hbm4b:s3+s7] =	stream.indirect.scatter [tilespmem:s0], [sflag:$0x3], $0x1, s14, s7, $0xb8;
	[tilespmem:$0x6600] =	vst v63  }
0xe8: {  	s14 =	simm.s32 $0x6300  }
0xe9: {  	[hbm4b:s3+s7] =	stream.indirect.scatter [tilespmem:s8], [sflag:$0x3], $0x1, s14, s7, $0xb8;
	[tilespmem:$0x6600] =	vst v63  }
0xea: {  	s14 =	simm.s32 $0x6400  }
0xeb: {  	[hbm4b:s3+s7] =	stream.indirect.scatter [tilespmem:s8], [sflag:$0x3], $0x1, s14, s7, $0xb8;
	[tilespmem:$0x6600] =	vst v63  }
0xec: {  	s14 =	simm.s32 $0x6500  }
0xed: {  	[hbm4b:s3+s7] =	stream.indirect.scatter [tilespmem:s8], [sflag:$0x3], $0x1, s14, s7, $0xb8;
	[tilespmem:$0x6600] =	vst v63  }
0xee: {  	s14 =	simm.s32 $0x5A80  }
0xef: {  	[hbm4b:s3+s7] =	stream.indirect.scatter [tilespmem:s9], [sflag:$0x3], $0x1, s14, s7, $0xb8;
	[tilespmem:$0x6600] =	vst v63  }
0xf0: {  	s13 =	simm.s32 $0x5E80;
	s14 =	simm.s32 $0x5580  }
0xf1: {  	[hbm4b:s3+s7] =	stream.indirect.scatter [tilespmem:s14], [sflag:$0x3], $0x1, s13, s7, $0xb8;
	[tilespmem:$0x6600] =	vst v63  }
0xf2: {  	s13 =	simm.s32 $0x5F80;
	s14 =	simm.s32 $0x5680  }
0xf3: {  	[hbm4b:s3+s7] =	stream.indirect.scatter [tilespmem:s14], [sflag:$0x3], $0x1, s13, s7, $0xb8;
	[tilespmem:$0x6600] =	vst v63  }
0xf4: {  	s13 =	simm.s32 $0x6080;
	s14 =	simm.s32 $0x5780  }
0xf5: {  	[hbm4b:s3+s7] =	stream.indirect.scatter [tilespmem:s14], [sflag:$0x3], $0x1, s13, s7, $0xb8;
	[tilespmem:$0x6600] =	vst v63  }
0xf6: {  	s13 =	simm.s32 $0x6180;
	s14 =	simm.s32 $0x5880  }
0xf7: {  	[hbm4b:s3+s7] =	stream.indirect.scatter [tilespmem:s14], [sflag:$0x3], $0x1, s13, s7, $0xb8;
	[tilespmem:$0x6600] =	vst v63  }
0xf8: {  	s13 =	simm.s32 $0x6280;
	s14 =	simm.s32 $0x5980  }
0xf9: {  	[hbm4b:s3+s7] =	stream.indirect.scatter [tilespmem:s14], [sflag:$0x3], $0x1, s13, s7, $0xb8;
	[tilespmem:$0x6600] =	vst v63  }
0xfa: {  	s14 =	simm.s32 $0x6380  }
0xfb: {  	[hbm4b:s3+s7] =	stream.indirect.scatter [tilespmem:s9], [sflag:$0x3], $0x1, s14, s7, $0xb8;
	[tilespmem:$0x6600] =	vst v63  }
0xfc: {  	s14 =	simm.s32 $0x6480  }
0xfd: {  	[hbm4b:s3+s7] =	stream.indirect.scatter [tilespmem:s9], [sflag:$0x3], $0x1, s14, s7, $0xb8;
	[tilespmem:$0x6600] =	vst v63  }
0xfe: {  	s14 =	simm.s32 $0x6580  }
0xff: {  	[hbm4b:s3+s7] =	stream.indirect.scatter [tilespmem:s9], [sflag:$0x3], $0x1, s14, s7, $0xb8;
	[tilespmem:$0x6600] =	vst v63  }
0x100: {  	_ =	swait.ge [sflag:s10], $0x40  }
0x101: {  	[sflag:s10] =	ssyncset.done $0x0  }
0x102: {  	[sflag:s10] =	ssyncadd.s32 $0xFFFFFFC0  }
0x103: {  	_ =	swait.ge [sflag:s10], $0x40  }
0x104: {  	[sflag:s10] =	ssyncset.done $0x0  }
0x105: {  	[sflag:s10] =	ssyncadd.s32 $0xFFFFFFC0  }
0x106: {  	_ =	swait.ge [sflag:s10], $0x40  }
0x107: {  	[sflag:s10] =	ssyncset.done $0x0  }
0x108: {  	[sflag:s10] =	ssyncadd.s32 $0xFFFFFFC0  }
0x109: {  	_ =	swait.ge [sflag:s10], $0x40  }
0x10a: {  	[sflag:s10] =	ssyncset.done $0x0  }
0x10b: {  	[sflag:s10] =	ssyncadd.s32 $0xFFFFFFC0  }
0x10c: {  	_ =	swait.ge [sflag:s10], $0x40  }
0x10d: {  	[sflag:s10] =	ssyncset.done $0x0  }
0x10e: {  	[sflag:s10] =	ssyncadd.s32 $0xFFFFFFC0  }
0x10f: {  	_ =	swait.ge [sflag:s10], $0x40  }
0x110: {  	[sflag:s10] =	ssyncset.done $0x0  }
0x111: {  	[sflag:s10] =	ssyncadd.s32 $0xFFFFFFC0  }
0x112: {  	_ =	swait.ge [sflag:s10], $0x40  }
0x113: {  	[sflag:s10] =	ssyncset.done $0x0  }
0x114: {  	[sflag:s10] =	ssyncadd.s32 $0xFFFFFFC0  }
0x115: {  	_ =	swait.ge [sflag:s10], $0x40  }
0x116: {  	[sflag:s10] =	ssyncset.done $0x0  }
0x117: {  	[sflag:s10] =	ssyncadd.s32 $0xFFFFFFC0  }
0x118: {  	_ =	swait.ge [sflag:s10], $0x40  }
0x119: {  	[sflag:s10] =	ssyncset.done $0x0  }
0x11a: {  	[sflag:s10] =	ssyncadd.s32 $0xFFFFFFC0  }
0x11b: {  	_ =	swait.ge [sflag:s10], $0x40  }
0x11c: {  	[sflag:s10] =	ssyncset.done $0x0  }
0x11d: {  	[sflag:s10] =	ssyncadd.s32 $0xFFFFFFC0  }
0x11e: {  	_ =	swait.ge [sflag:s10], $0x40  }
0x11f: {  	[sflag:s10] =	ssyncset.done $0x0  }
0x120: {  	[sflag:s10] =	ssyncadd.s32 $0xFFFFFFC0  }
0x121: {  	_ =	swait.ge [sflag:s10], $0x40  }
0x122: {  	[sflag:s10] =	ssyncset.done $0x0  }
0x123: {  	[sflag:s10] =	ssyncadd.s32 $0xFFFFFFC0  }
0x124: {  	_ =	swait.ge [sflag:s10], $0x40  }
0x125: {  	[sflag:s10] =	ssyncset.done $0x0  }
0x126: {  	[sflag:s10] =	ssyncadd.s32 $0xFFFFFFC0  }
0x127: {  	_ =	swait.ge [sflag:s10], $0x40  }
0x128: {  	[sflag:s10] =	ssyncset.done $0x0  }
0x129: {  	[sflag:s10] =	ssyncadd.s32 $0xFFFFFFC0  }
0x12a: {  	_ =	swait.ge [sflag:s10], $0x40  }
0x12b: {  	[sflag:s10] =	ssyncset.done $0x0  }
0x12c: {  	[sflag:s10] =	ssyncadd.s32 $0xFFFFFFC0  }
0x12d: {  	_ =	swait.ge [sflag:s10], $0x40  }
0x12e: {  	[sflag:s10] =	ssyncset.done $0x0  }
0x12f: {  	s12 =	sadd.s32 $0x1, s12;
	[sflag:s10] =	ssyncadd.s32 $0xFFFFFFC0  }
0x130: {  	p0 =	sne.s32 s12, s25;
	_ =	swait.ge [sflag:s10], $0x40  }
.Ltmp1:
0x131: {  	[sflag:s10] =	ssyncset.done $0x0;
	(pc) =	sbr.rel @p0 .LBB2_1-.Ltmp1, $4  }
0x132: {  	[sflag:s10] =	ssyncadd.s32 $0xFFFFFFC0  }
0x133: {  	_ =	swait.ge [sflag:s10], $0x40  }
0x134: {  	[sflag:s10] =	ssyncset.done $0x0  }
0x135: {  	[sflag:s10] =	ssyncadd.s32 $0xFFFFFFC0  }
0x136: {  	_ =	sfence.sel $0x180000  }
0x137: {  	[bflag:$0x0] =	sbarrier.arrive $0xFFFF  }
0x138: {  	_ =	strace $0x90000047  }
0x139: {  	s0 =	stileid.u32;
	[bflag:$0x2] =	sbarrier.arrive $0xFFFF  }
0x13a: {  	p0 =	sne.s32 s0, $0x0;
	s0 =	rddreg [dreg:$0x1]  }
0x13b: {  	s0 =	sadd.s32 @!p0 $0x100000, s0  }
0x13c: {  	[sflag:s0] =	ssyncadd.tile.s32 @!p0 $0x1;
	_ =	shalt  }
.Lfunc_end2:
_tile_overlayer_lowered:
.L_overlay_start_2:
0x13d: {  	(tag) =	ssettag $0x2  }
0x13e: {  	s0 =	rddreg [dreg:$0x0];
	s2 =	stileid.u32  }
0x13f: {  	s1 =	rddreg [dreg:$0x1];
	p0 =	sne.s32 s2, $0x0  }
0x140: {  	s3 =	rddreg [dreg:$0x2];
	[bflag:$0x3] =	sbarrier.arrive $0xFFFF;
	s2 =	simm.s32 @!p0 $0x1C04  }
0x141: {  	[timem:s3], [sflag:s2] =	dma.local @!p0 [hbm:s0], s1  }
0x142: {  	s0 =	simm.s32 @!p0 $0x4  }
0x143: {  	_ =	swait.ge @!p0 [sflag:s0], s1  }
0x144: {  	s1 =	ssub.s32 @!p0 $0x0, s1;
	[sflag:s0] =	ssyncset.done @!p0 $0x0  }
0x145: {  	[sflag:s0] =	ssyncadd.s32 @!p0 s1  }
0x146: {  	[bflag:$0x3] =	sbarrier.arrive $0xFFFF  }
0x147: {  	_ =	shalt  }

</sc_bundles>
